<compile_context>
chip_gen: v7x
topology: tpu7x:2x2x1
jax: 0.10.2.dev20260603
libtpu: 0.0.44.dev20260713+nightly
codegen_flags: <defaults>
</compile_context>

<pallas_src>
import functools
import math

import jax
import jax.numpy as jnp
from jax import lax
from jax.experimental import pallas as pl
from jax.experimental.pallas import tpu as pltpu
from jax.experimental.pallas import tpu_sc as plsc

BJ_A1 = 0.4
BJ_A2 = 4.0

NC = 2
NS = 16
LANES = 128
CH = 1024
K = CH // LANES


def _prep_body(nelem, nz, n, npk, na_ref, an_ref, gp_ref, pk_ref, tabs_ref):
    m = na_ref[0, :]
    e = jnp.zeros(m.shape, jnp.int32)
    for j in range(1, nelem):
        vj = na_ref[j, :]
        gt = vj > m
        e = jnp.where(gt, j, e)
        m = jnp.where(gt, vj, m)
    groups = math.ceil(n / npk)
    ep = jnp.concatenate([e, jnp.zeros((groups * npk - n,), jnp.int32)])
    pk = jnp.zeros((npk,), jnp.int32)
    for g in range(groups):
        pk = pk + ((lax.slice(ep, (g * npk,), ((g + 1) * npk,)) & 15) << (4 * g))
    pk_ref[0, :] = pk

    zz = an_ref[0, :]
    onehot = (zz[:, None] == lax.broadcasted_iota(jnp.int32, (nelem, nz), 1)
              ).astype(jnp.float32)
    p10 = jnp.dot(onehot, gp_ref[...], preferred_element_type=jnp.float32)
    c6 = p10[:, 3]
    rr = p10[:, 2]
    c6ij = jnp.sqrt(c6[:, None] * c6[None, :])
    rij = jnp.sqrt(rr[:, None] * rr[None, :])
    r0 = BJ_A1 * jnp.sqrt(rij) + BJ_A2
    r02 = r0 * r0
    r04 = r02 * r02
    r08 = r04 * r04
    tab_b = 6.0 * (r08 * r04 * r02)
    rij2 = rij * rij
    tab_d = rij2 * rij2 * rij2
    tab_a = -0.5 * c6ij
    tabs_ref[...] = jnp.stack([tab_a, tab_b, tab_d])


def _sc_body(nelem, chunks, per_w, npk_shift, e_off, ei_ref, x_ref, pk_ref,
             tabs_ref, p_ref, pk_v, ta_v, tb_v, td_v,
             snd0, rcv0, x0, snd1, rcv1, x1, snd2, rcv2, x2, acc_v,
             sem_in0, sem_in1, sem_in2):
    c = lax.axis_index("c")
    s = lax.axis_index("s")
    w = s * NC + c
    nw = NC * NS
    n_pad = acc_v.shape[0]
    npk_mask = (1 << npk_shift) - 1
    bufs = ((snd0, rcv0, x0, sem_in0), (snd1, rcv1, x1, sem_in1),
            (snd2, rcv2, x2, sem_in2))

    def start_inputs(cid, p):
        snd_v, rcv_v, x_v, sem_in = bufs[p]
        off = cid * CH
        pltpu.async_copy(ei_ref.at[pl.ds(off, CH)], snd_v, sem_in)
        pltpu.async_copy(ei_ref.at[pl.ds(e_off + off, CH)], rcv_v, sem_in)
        pltpu.async_copy(x_ref.at[pl.ds(off, CH)], x_v, sem_in)

    @pl.when(w < chunks)
    def _prime0():
        start_inputs(w, 0)

    @pl.when(w + nw < chunks)
    def _prime1():
        start_inputs(w + nw, 1)

    pltpu.sync_copy(pk_ref, pk_v)
    pltpu.sync_copy(tabs_ref.at[pl.ds(0, LANES)], ta_v)
    pltpu.sync_copy(tabs_ref.at[pl.ds(LANES, LANES)], tb_v)
    pltpu.sync_copy(tabs_ref.at[pl.ds(2 * LANES, LANES)], td_v)

    zero16 = jnp.zeros((16,), jnp.float32)

    @plsc.parallel_loop(0, n_pad, 16, unroll=8)
    def _zero(i):
        acc_v[pl.ds(i, 16)] = zero16

    def wait_inputs(cid, p):
        snd_v, rcv_v, x_v, sem_in = bufs[p]
        off = cid * CH
        pltpu.make_async_copy(ei_ref.at[pl.ds(off, CH)], snd_v, sem_in).wait()
        pltpu.make_async_copy(ei_ref.at[pl.ds(e_off + off, CH)], rcv_v,
                              sem_in).wait()
        pltpu.make_async_copy(x_ref.at[pl.ds(off, CH)], x_v, sem_in).wait()

    def unpack_elem(idx):
        word = plsc.load_gather(pk_v, [idx & npk_mask])
        sh = (lax.shift_right_logical(idx, npk_shift - 2)) & 0x7C
        return lax.shift_right_logical(word, sh) & 15

    def compute(p):
        snd_v, rcv_v, x_v, _ = bufs[p]

        @plsc.parallel_loop(0, CH, 16, unroll=8)
        def _body(i):
            su = snd_v[pl.ds(i, 16)]
            ru = rcv_v[pl.ds(i, 16)]
            eu = unpack_elem(su)
            ev = unpack_elem(ru)
            pair = eu * nelem + ev
            a = plsc.load_gather(ta_v, [pair])
            b = plsc.load_gather(tb_v, [pair])
            d = plsc.load_gather(td_v, [pair])
            r = x_v[pl.ds(i, 16)]
            r2 = r * r
            r4 = r2 * r2
            r8 = r4 * r4
            r14 = r8 * r4 * r2
            r6 = r4 * r2
            den = (r14 + b) * (d + r6)
            q = (a * r14) / jnp.maximum(den, 1e-30)
            plsc.addupdate_scatter(acc_v, [ru], q)

    def stage(i3, p):
        idx = 3 * i3 + p
        cid = w + nw * idx

        @pl.when(cid < chunks)
        def _do():
            wait_inputs(cid, p)

            @pl.when(cid + 2 * nw < chunks)
            def _prefetch():
                start_inputs(cid + 2 * nw, (p + 2) % 3)

            compute(p)

    def chunk_body(i3, carry):
        stage(i3, 0)
        stage(i3, 1)
        stage(i3, 2)
        return carry

    lax.fori_loop(0, (per_w + 2) // 3, chunk_body, 0)

    pltpu.sync_copy(acc_v, p_ref.at[pl.ds(w * n_pad, n_pad)])


def _add_body(p_ref, v_ref):
    v_ref[0, :] = jnp.sum(p_ref[...], axis=0)


def kernel(x, node_attrs, edge_index, atomic_numbers, gnb_params):
    n = node_attrs.shape[0]
    nelem = node_attrs.shape[1]
    e = x.shape[0]
    nz = gnb_params.shape[0]
    npk_shift = max(4, math.ceil(math.log2(n / 8)))
    npk = 1 << npk_shift

    na_t = node_attrs.T
    pk2d, tabs3 = pl.pallas_call(
        functools.partial(_prep_body, nelem, nz, n, npk),
        out_shape=[
            jax.ShapeDtypeStruct((1, npk), jnp.int32),
            jax.ShapeDtypeStruct((3, nelem, nelem), jnp.float32),
        ],
    )(na_t, atomic_numbers.reshape(1, nelem), gnb_params)
    pk = pk2d.reshape(npk)
    tabs = jnp.pad(tabs3.reshape(3, nelem * nelem),
                   ((0, 0), (0, LANES - nelem * nelem))).reshape(3 * LANES)

    e_pad = math.ceil(e / CH) * CH
    ei = edge_index
    xf = x.reshape(e)
    if e_pad != e:
        ei = jnp.pad(ei, ((0, 0), (0, e_pad - e)))
        xf = jnp.pad(xf, (0, e_pad - e))
    chunks = e_pad // CH
    nw = NC * NS
    per_w = math.ceil(chunks / nw)
    ei1 = ei.reshape(2 * e_pad)
    n_pad = math.ceil(n / (NS * 8)) * (NS * 8)

    mesh = plsc.VectorSubcoreMesh(core_axis_name="c", subcore_axis_name="s",
                                  num_cores=NC, num_subcores=NS)
    partials = pl.kernel(
        functools.partial(_sc_body, nelem, chunks, per_w, npk_shift, e_pad),
        out_type=jax.ShapeDtypeStruct((nw * n_pad,), jnp.float32),
        mesh=mesh,
        compiler_params=pltpu.CompilerParams(needs_layout_passes=False),
        scratch_types=(
            [pltpu.VMEM((npk,), jnp.int32)]
            + [pltpu.VMEM((LANES,), jnp.float32)] * 3
            + [pltpu.VMEM((CH,), jnp.int32),
               pltpu.VMEM((CH,), jnp.int32),
               pltpu.VMEM((CH,), jnp.float32)] * 3
            + [pltpu.VMEM((n_pad,), jnp.float32)]
            + [pltpu.SemaphoreType.DMA] * 3
        ),
    )(ei1, xf, pk, tabs)

    v2d = pl.pallas_call(
        _add_body,
        out_shape=jax.ShapeDtypeStruct((1, n_pad), jnp.float32),
    )(partials.reshape(nw, n_pad))
    return v2d.reshape(n_pad)[:n].astype(x.dtype)

# --- scband reference (transcript-rebuilt; emitter-appended) ---
"""Pipeline reference for scband-gnbbasis-84207128805710 (READ-ONLY COPY).

The authoritative reference and input builder live on the scoring server;
editing this copy changes nothing except your own understanding.
"""

import jax, jax.numpy as jnp
import numpy as np

_GNB_ROWS = {1: (0.2772, 1.7504, 3.6516, 95.99), 2: (0.2425, 2.087, 2.1843, 40.67), 3: (0.3266, 2.3073, 1.2711, 70.21), 4: (0.3964, 2.8811, 3.3497, 114.51), 5: (0.3121, 2.6366, 2.7079, 152.36), 6: (0.2455, 3.0189, 1.8219, 184.28), 7: (0.2743, 2.9432, 2.4667, 482.54), 8: (0.2577, 2.7407, 2.365, 405.57), 9: (0.2791, 2.5863, 1.5062, 218.45), 10: (0.2378, 2.5307, 1.8233, 174.81), 11: (0.2592, 2.5679, 1.3974, 181.7), 12: (0.3837, 2.9613, 3.3515, 263.02), 13: (0.3013, 3.2377, 3.0102, 228.1), 14: (0.3202, 3.2749, 3.1629, 359.43), 15: (0.3399, 3.7491, 3.2554, 3222.12), 16: (0.3215, 3.6718, 2.9539, 2144.49), 17: (0.3071, 3.418, 3.0368, 2072.46), 18: (0.2752, 3.3306, 2.6598, 1357.42), 19: (0.2264, 2.9736, 4.0877, 1406.65), 20: (0.4015, 3.4464, 4.1275, 1058.36), 21: (0.9388, 4.5955, 9.7282, 11498.73), 22: (0.6048, 3.5334, 8.5322, 3361.33), 23: (0.3678, 3.068, 7.2344, 2095.91), 24: (0.2848, 2.8393, 5.3605, 1049.31), 25: (0.355, 3.055, 3.718, 966.27), 26: (0.4406, 3.2628, 3.6408, 1571.36), 27: (0.4124, 3.2622, 3.4961, 1183.59), 28: (0.3139, 2.749, 3.5108, 787.76), 29: (0.3345, 2.9097, 3.0537, 563.93), 30: (0.3391, 2.9024, 3.0261, 592.91), 31: (0.3146, 3.3924, 3.1735, 430.82), 32: (0.3327, 3.2804, 3.1773, 812.57), 33: (0.404, 3.8757, 3.8357, 4533.53), 34: (0.3343, 3.8562, 3.1109, 3440.92), 35: (0.3242, 3.7067, 3.2122, 3859.82), 36: (0.292, 3.6457, 2.8263, 2729.6), 37: (0.2677, 3.4421, 2.412, 1864.19), 38: (0.3446, 3.559, 1.894, 1175.73), 39: (1.0038, 5.7293, 11.2061, 32141.18), 40: (0.6146, 5.075, 6.821, 27655.14), 41: (0.4244, 3.7156, 7.2367, 2864.2), 42: (0.4882, 3.6853, 3.901, 3563.45), 43: (0.4439, 3.6987, 4.0857, 3266.43), 44: (0.4736, 3.7826, 4.045, 3967.23), 45: (0.4039, 3.4706, 3.4813, 2233.82), 46: (0.3188, 3.3433, 3.0487, 1393.49), 47: (0.2948, 3.1186, 2.7795, 1315.09), 48: (0.3012, 3.0853, 2.8673, 1311.47), 49: (0.3351, 3.5452, 3.3339, 1460.56), 50: (0.3134, 3.2997, 3.0086, 1662.99), 51: (0.4081, 4.1277, 3.9919, 8089.97), 52: (0.3585, 4.1795, 3.4209, 6887.05), 53: (0.3574, 4.0988, 3.5649, 8799.32), 54: (0.3134, 4.0387, 3.0288, 6136.5), 55: (0.2872, 3.8468, 2.262, 3757.31), 56: (0.3788, 4.0368, 1.3837, 2561.18), 57: (1.0851, 6.1365, 12.171, 66580.83)}

BJ_A1 = 0.4
BJ_A2 = 4.0
BJ_ALPHA = 14.0


def _make_gnb_params():
    p = np.zeros((87, 4), dtype=np.float32)
    for z, vals in _GNB_ROWS.items():
        p[z] = vals
    return jnp.asarray(p)


def setup_inputs(seed: int = 0):
    key = jax.random.key(seed)
    k1, k2, k3, k4 = jax.random.split(key, 4)
    N = 100000
    E = 3200000
    NELEM = 10
    x = jax.random.uniform(k1, (E, 1), dtype=jnp.float32)
    node_attrs = jax.random.uniform(k2, (N, NELEM), dtype=jnp.float32)
    edge_index = jax.random.randint(k3, (2, E), 0, N)
    atomic_numbers = jax.random.randint(k4, (NELEM,), 0, 57)
    gnb_params = _make_gnb_params()
    return {"x": x, "node_attrs": node_attrs, "edge_index": edge_index, "atomic_numbers": atomic_numbers, "gnb_params": gnb_params}


def reference(x, node_attrs, edge_index, atomic_numbers, gnb_params):
    sender = edge_index[0]
    receiver = edge_index[1]
    # map one-hot node attrs -> atomic numbers (SparseCore gather)
    Z = jnp.take(atomic_numbers, jnp.argmax(node_attrs, axis=1), axis=0)
    Zu = jnp.take(Z, sender, axis=0)
    Zv = jnp.take(Z, receiver, axis=0)
    pu = jnp.take(gnb_params, Zu, axis=0)
    pv = jnp.take(gnb_params, Zv, axis=0)
    # geometric-mean combination rules (GNB paper)
    C6 = jnp.sqrt(pu[:, 3] * pv[:, 3])
    Rij = jnp.sqrt(pu[:, 2] * pv[:, 2])
    r = x[:, 0]
    # Becke-Johnson damping: f = 1/(1 + 6*(r/r0)^(-alpha)) = r^a / (r^a + 6*r0^a)
    r0 = BJ_A1 * jnp.sqrt(Rij) + BJ_A2
    r_a = jnp.power(r, BJ_ALPHA)
    f_damp = r_a / (r_a + 6.0 * jnp.power(r0, BJ_ALPHA))
    # London dispersion: E_LD = -C6 / (R_ij^6 + r^6), damped
    denom = jnp.power(Rij, 6.0) + jnp.power(r, 6.0)
    denom_safe = jnp.where(denom > 0.0, denom, 1.0)
    e_edge = jnp.where(denom > 0.0, -C6 * f_damp / denom_safe, 0.0)
    # half per-edge energy scattered onto receiver nodes (SparseCore scatter-add)
    V = jnp.zeros((node_attrs.shape[0],), dtype=x.dtype).at[receiver].add(0.5 * e_edge)
    return V

if __name__ == "__main__":
    import jax
    _d = setup_inputs()
    print(jax.jit(kernel)(*tuple(_d.values())))

</pallas_src>

<mosaic_0001>
#map = affine_map<(d0, d1) -> (0)>
module attributes {stable_mosaic.version = 14 : i64} {
  func.func @_sc_body(%arg0: i32, %arg1: i32, %arg2: memref<6400000xi32, #tpu.memory_space<hbm>>, %arg3: memref<3200000xf32, #tpu.memory_space<hbm>>, %arg4: memref<16384xi32, #tpu.memory_space<hbm>>, %arg5: memref<384xf32, #tpu.memory_space<hbm>>, %arg6: memref<3203072xf32, #tpu.memory_space<hbm>>, %arg7: memref<16384xi32, #tpu.memory_space<vmem>>, %arg8: memref<128xf32, #tpu.memory_space<vmem>>, %arg9: memref<128xf32, #tpu.memory_space<vmem>>, %arg10: memref<128xf32, #tpu.memory_space<vmem>>, %arg11: memref<1024xi32, #tpu.memory_space<vmem>>, %arg12: memref<1024xi32, #tpu.memory_space<vmem>>, %arg13: memref<1024xf32, #tpu.memory_space<vmem>>, %arg14: memref<1024xi32, #tpu.memory_space<vmem>>, %arg15: memref<1024xi32, #tpu.memory_space<vmem>>, %arg16: memref<1024xf32, #tpu.memory_space<vmem>>, %arg17: memref<1024xi32, #tpu.memory_space<vmem>>, %arg18: memref<1024xi32, #tpu.memory_space<vmem>>, %arg19: memref<1024xf32, #tpu.memory_space<vmem>>, %arg20: memref<100096xf32, #tpu.memory_space<vmem>>, %arg21: memref<!tpu.dma_semaphore, #tpu.memory_space<semaphore_mem>>, %arg22: memref<!tpu.dma_semaphore, #tpu.memory_space<semaphore_mem>>, %arg23: memref<!tpu.dma_semaphore, #tpu.memory_space<semaphore_mem>>) attributes {dimension_semantics = [#tpu.dimension_semantics<core_parallel>, #tpu.dimension_semantics<subcore_parallel>], iteration_bounds = array<i64: 2, 16>, scalar_prefetch = 0 : i64, scratch_operands = 17 : i64, tpu.core_type = #tpu.core_type<sc_vector_subcore>, window_params = [{transform_indices = #map}, {transform_indices = #map}, {transform_indices = #map}, {transform_indices = #map}, {transform_indices = #map}]} {
    %mul3A = arith.constant 2 : i32
    %mul3A_0 = arith.muli %arg1, %mul3A : i32
    %add3A = arith.addi %mul3A_0, %arg0 : i32
    %lt3A = arith.constant 3125 : i32
    %lt3A_1 = arith.cmpi slt, %add3A, %lt3A : i32
    %convert_element_type3A = arith.extui %lt3A_1 : i1 to i32
    %cond3A = arith.constant 0 : i32
    %cond3A_2 = arith.cmpi ne, %convert_element_type3A, %cond3A : i32
    scf.if %cond3A_2 {
      %mul3A_20 = arith.constant 1024 : i32
      %mul3A_21 = arith.muli %add3A, %mul3A_20 : i32
      %dma_start3A = tpu.memref_slice %arg2[%mul3A_21] : memref<6400000xi32, #tpu.memory_space<hbm>> -> memref<1024xi32, #tpu.memory_space<hbm>>
      %dma_start3A_22 = tpu.memref_slice %arg2[%mul3A_21] : memref<6400000xi32, #tpu.memory_space<hbm>> -> memref<1024xi32, #tpu.memory_space<hbm>>
      tpu.enqueue_dma source(%dma_start3A_22 : memref<1024xi32, #tpu.memory_space<hbm>>) target(%arg11 : memref<1024xi32, #tpu.memory_space<vmem>>) target_semaphore(%arg21 : memref<!tpu.dma_semaphore, #tpu.memory_space<semaphore_mem>>)
      %add3A_23 = arith.constant 3200000 : i32
      %add3A_24 = arith.addi %add3A_23, %mul3A_21 : i32
      %dma_start3A_25 = tpu.memref_slice %arg2[%add3A_24] : memref<6400000xi32, #tpu.memory_space<hbm>> -> memref<1024xi32, #tpu.memory_space<hbm>>
      %dma_start3A_26 = tpu.memref_slice %arg2[%add3A_24] : memref<6400000xi32, #tpu.memory_space<hbm>> -> memref<1024xi32, #tpu.memory_space<hbm>>
      tpu.enqueue_dma source(%dma_start3A_26 : memref<1024xi32, #tpu.memory_space<hbm>>) target(%arg12 : memref<1024xi32, #tpu.memory_space<vmem>>) target_semaphore(%arg21 : memref<!tpu.dma_semaphore, #tpu.memory_space<semaphore_mem>>)
      %dma_start3A_27 = tpu.memref_slice %arg3[%mul3A_21] : memref<3200000xf32, #tpu.memory_space<hbm>> -> memref<1024xf32, #tpu.memory_space<hbm>>
      %dma_start3A_28 = tpu.memref_slice %arg3[%mul3A_21] : memref<3200000xf32, #tpu.memory_space<hbm>> -> memref<1024xf32, #tpu.memory_space<hbm>>
      tpu.enqueue_dma source(%dma_start3A_28 : memref<1024xf32, #tpu.memory_space<hbm>>) target(%arg13 : memref<1024xf32, #tpu.memory_space<vmem>>) target_semaphore(%arg21 : memref<!tpu.dma_semaphore, #tpu.memory_space<semaphore_mem>>)
    } else {
    }
    %add3A_3 = arith.constant 32 : i32
    %add3A_4 = arith.addi %add3A, %add3A_3 : i32
    %lt3A_5 = arith.constant 3125 : i32
    %lt3A_6 = arith.cmpi slt, %add3A_4, %lt3A_5 : i32
    %convert_element_type3A_7 = arith.extui %lt3A_6 : i1 to i32
    %cond3A_8 = arith.constant 0 : i32
    %cond3A_9 = arith.cmpi ne, %convert_element_type3A_7, %cond3A_8 : i32
    scf.if %cond3A_9 {
      %add3A_20 = arith.constant 32 : i32
      %add3A_21 = arith.addi %add3A, %add3A_20 : i32
      %mul3A_22 = arith.constant 1024 : i32
      %mul3A_23 = arith.muli %add3A_21, %mul3A_22 : i32
      %dma_start3A = tpu.memref_slice %arg2[%mul3A_23] : memref<6400000xi32, #tpu.memory_space<hbm>> -> memref<1024xi32, #tpu.memory_space<hbm>>
      %dma_start3A_24 = tpu.memref_slice %arg2[%mul3A_23] : memref<6400000xi32, #tpu.memory_space<hbm>> -> memref<1024xi32, #tpu.memory_space<hbm>>
      tpu.enqueue_dma source(%dma_start3A_24 : memref<1024xi32, #tpu.memory_space<hbm>>) target(%arg14 : memref<1024xi32, #tpu.memory_space<vmem>>) target_semaphore(%arg22 : memref<!tpu.dma_semaphore, #tpu.memory_space<semaphore_mem>>)
      %add3A_25 = arith.constant 3200000 : i32
      %add3A_26 = arith.addi %add3A_25, %mul3A_23 : i32
      %dma_start3A_27 = tpu.memref_slice %arg2[%add3A_26] : memref<6400000xi32, #tpu.memory_space<hbm>> -> memref<1024xi32, #tpu.memory_space<hbm>>
      %dma_start3A_28 = tpu.memref_slice %arg2[%add3A_26] : memref<6400000xi32, #tpu.memory_space<hbm>> -> memref<1024xi32, #tpu.memory_space<hbm>>
      tpu.enqueue_dma source(%dma_start3A_28 : memref<1024xi32, #tpu.memory_space<hbm>>) target(%arg15 : memref<1024xi32, #tpu.memory_space<vmem>>) target_semaphore(%arg22 : memref<!tpu.dma_semaphore, #tpu.memory_space<semaphore_mem>>)
      %dma_start3A_29 = tpu.memref_slice %arg3[%mul3A_23] : memref<3200000xf32, #tpu.memory_space<hbm>> -> memref<1024xf32, #tpu.memory_space<hbm>>
      %dma_start3A_30 = tpu.memref_slice %arg3[%mul3A_23] : memref<3200000xf32, #tpu.memory_space<hbm>> -> memref<1024xf32, #tpu.memory_space<hbm>>
      tpu.enqueue_dma source(%dma_start3A_30 : memref<1024xf32, #tpu.memory_space<hbm>>) target(%arg16 : memref<1024xf32, #tpu.memory_space<vmem>>) target_semaphore(%arg22 : memref<!tpu.dma_semaphore, #tpu.memory_space<semaphore_mem>>)
    } else {
    }
    "tpu.region"() ({
      %run_scoped3A = tpu.sem_alloc : memref<!tpu.dma_semaphore, #tpu.memory_space<semaphore_mem>>
      tpu.enqueue_dma source(%arg4 : memref<16384xi32, #tpu.memory_space<hbm>>) target(%arg7 : memref<16384xi32, #tpu.memory_space<vmem>>) target_semaphore(%run_scoped3A : memref<!tpu.dma_semaphore, #tpu.memory_space<semaphore_mem>>)
      tpu.wait_dma2 semaphore(%run_scoped3A : memref<!tpu.dma_semaphore, #tpu.memory_space<semaphore_mem>>) src(%arg4 : memref<16384xi32, #tpu.memory_space<hbm>>) dst(%arg7 : memref<16384xi32, #tpu.memory_space<vmem>>)
      tpu.yield
    }) : () -> ()
    "tpu.region"() ({
      %run_scoped3A = tpu.sem_alloc : memref<!tpu.dma_semaphore, #tpu.memory_space<semaphore_mem>>
      %dma_start3A = arith.constant 0 : i32
      %dma_start3A_20 = tpu.memref_slice %arg5[%dma_start3A] : memref<384xf32, #tpu.memory_space<hbm>> -> memref<128xf32, #tpu.memory_space<hbm>>
      %dma_start3A_21 = arith.constant 0 : i32
      %dma_start3A_22 = tpu.memref_slice %arg5[%dma_start3A_21] : memref<384xf32, #tpu.memory_space<hbm>> -> memref<128xf32, #tpu.memory_space<hbm>>
      tpu.enqueue_dma source(%dma_start3A_22 : memref<128xf32, #tpu.memory_space<hbm>>) target(%arg8 : memref<128xf32, #tpu.memory_space<vmem>>) target_semaphore(%run_scoped3A : memref<!tpu.dma_semaphore, #tpu.memory_space<semaphore_mem>>)
      %dma_wait3A = arith.constant 0 : i32
      %dma_wait3A_23 = tpu.memref_slice %arg5[%dma_wait3A] : memref<384xf32, #tpu.memory_space<hbm>> -> memref<128xf32, #tpu.memory_space<hbm>>
      %dma_wait3A_24 = arith.constant 0 : i32
      %dma_wait3A_25 = tpu.memref_slice %arg5[%dma_wait3A_24] : memref<384xf32, #tpu.memory_space<hbm>> -> memref<128xf32, #tpu.memory_space<hbm>>
      tpu.wait_dma2 semaphore(%run_scoped3A : memref<!tpu.dma_semaphore, #tpu.memory_space<semaphore_mem>>) src(%dma_wait3A_25 : memref<128xf32, #tpu.memory_space<hbm>>) dst(%arg8 : memref<128xf32, #tpu.memory_space<vmem>>)
      tpu.yield
    }) : () -> ()
    "tpu.region"() ({
      %run_scoped3A = tpu.sem_alloc : memref<!tpu.dma_semaphore, #tpu.memory_space<semaphore_mem>>
      %dma_start3A = arith.constant 128 : i32
      %dma_start3A_20 = tpu.memref_slice %arg5[%dma_start3A] : memref<384xf32, #tpu.memory_space<hbm>> -> memref<128xf32, #tpu.memory_space<hbm>>
      %dma_start3A_21 = arith.constant 128 : i32
      %dma_start3A_22 = tpu.memref_slice %arg5[%dma_start3A_21] : memref<384xf32, #tpu.memory_space<hbm>> -> memref<128xf32, #tpu.memory_space<hbm>>
      tpu.enqueue_dma source(%dma_start3A_22 : memref<128xf32, #tpu.memory_space<hbm>>) target(%arg9 : memref<128xf32, #tpu.memory_space<vmem>>) target_semaphore(%run_scoped3A : memref<!tpu.dma_semaphore, #tpu.memory_space<semaphore_mem>>)
      %dma_wait3A = arith.constant 128 : i32
      %dma_wait3A_23 = tpu.memref_slice %arg5[%dma_wait3A] : memref<384xf32, #tpu.memory_space<hbm>> -> memref<128xf32, #tpu.memory_space<hbm>>
      %dma_wait3A_24 = arith.constant 128 : i32
      %dma_wait3A_25 = tpu.memref_slice %arg5[%dma_wait3A_24] : memref<384xf32, #tpu.memory_space<hbm>> -> memref<128xf32, #tpu.memory_space<hbm>>
      tpu.wait_dma2 semaphore(%run_scoped3A : memref<!tpu.dma_semaphore, #tpu.memory_space<semaphore_mem>>) src(%dma_wait3A_25 : memref<128xf32, #tpu.memory_space<hbm>>) dst(%arg9 : memref<128xf32, #tpu.memory_space<vmem>>)
      tpu.yield
    }) : () -> ()
    "tpu.region"() ({
      %run_scoped3A = tpu.sem_alloc : memref<!tpu.dma_semaphore, #tpu.memory_space<semaphore_mem>>
      %dma_start3A = arith.constant 256 : i32
      %dma_start3A_20 = tpu.memref_slice %arg5[%dma_start3A] : memref<384xf32, #tpu.memory_space<hbm>> -> memref<128xf32, #tpu.memory_space<hbm>>
      %dma_start3A_21 = arith.constant 256 : i32
      %dma_start3A_22 = tpu.memref_slice %arg5[%dma_start3A_21] : memref<384xf32, #tpu.memory_space<hbm>> -> memref<128xf32, #tpu.memory_space<hbm>>
      tpu.enqueue_dma source(%dma_start3A_22 : memref<128xf32, #tpu.memory_space<hbm>>) target(%arg10 : memref<128xf32, #tpu.memory_space<vmem>>) target_semaphore(%run_scoped3A : memref<!tpu.dma_semaphore, #tpu.memory_space<semaphore_mem>>)
      %dma_wait3A = arith.constant 256 : i32
      %dma_wait3A_23 = tpu.memref_slice %arg5[%dma_wait3A] : memref<384xf32, #tpu.memory_space<hbm>> -> memref<128xf32, #tpu.memory_space<hbm>>
      %dma_wait3A_24 = arith.constant 256 : i32
      %dma_wait3A_25 = tpu.memref_slice %arg5[%dma_wait3A_24] : memref<384xf32, #tpu.memory_space<hbm>> -> memref<128xf32, #tpu.memory_space<hbm>>
      tpu.wait_dma2 semaphore(%run_scoped3A : memref<!tpu.dma_semaphore, #tpu.memory_space<semaphore_mem>>) src(%dma_wait3A_25 : memref<128xf32, #tpu.memory_space<hbm>>) dst(%arg10 : memref<128xf32, #tpu.memory_space<vmem>>)
      tpu.yield
    }) : () -> ()
    %broadcast_in_dim3A = arith.constant 0.000000e+00 : f32
    %broadcast_in_dim3A_10 = vector.broadcast %broadcast_in_dim3A : f32 to vector<16xf32>
    %parallel_loop3A = arith.constant 0 : i32
    %parallel_loop3A_11 = arith.constant 100096 : i32
    %parallel_loop3A_12 = arith.constant 16 : i32
    scf.for %parallel_loop3A_20 = %parallel_loop3A to %parallel_loop3A_11 step %parallel_loop3A_12  : i32 {
      %parallel_loop3A_21 = arith.index_cast %parallel_loop3A_20 : i32 to index
      %parallel_loop3A_22 = tpu.vector_load %arg20[%parallel_loop3A_21] {strides = array<i32>} : memref<100096xf32, #tpu.memory_space<vmem>>, vector<16xf32>,
      tpu.vector_store %arg20[%parallel_loop3A_21], %broadcast_in_dim3A_10 {strides = array<i32>} : memref<100096xf32, #tpu.memory_space<vmem>>, vector<16xf32>,
    } {sc.loop_unroll_factor = 8 : i64, sc.parallel_access}
    %scan3A = arith.constant 0 : i32
    %scan3A_13 = arith.constant 0 : i32
    %scan3A_14 = arith.constant 33 : i32
    %scan3A_15 = arith.addi %scan3A_13, %scan3A_14 : i32
    %scan3A_16 = arith.constant 1 : i32
    scf.for %scan3A_20 = %scan3A_13 to %scan3A_15 step %scan3A_16  : i32 {
      %mul3A_21 = arith.constant 3 : i32
      %mul3A_22 = arith.muli %mul3A_21, %scan3A_20 : i32
      %add3A_23 = arith.constant 0 : i32
      %add3A_24 = arith.addi %mul3A_22, %add3A_23 : i32
      %mul3A_25 = arith.constant 32 : i32
      %mul3A_26 = arith.muli %mul3A_25, %add3A_24 : i32
      %add3A_27 = arith.addi %add3A, %mul3A_26 : i32
      %lt3A_28 = arith.constant 3125 : i32
      %lt3A_29 = arith.cmpi slt, %add3A_27, %lt3A_28 : i32
      %convert_element_type3A_30 = arith.extui %lt3A_29 : i1 to i32
      %cond3A_31 = arith.constant 0 : i32
      %cond3A_32 = arith.cmpi ne, %convert_element_type3A_30, %cond3A_31 : i32
      scf.if %cond3A_32 {
        %mul3A_57 = arith.constant 1024 : i32
        %mul3A_58 = arith.muli %add3A_27, %mul3A_57 : i32
        %dma_wait3A = tpu.memref_slice %arg2[%mul3A_58] : memref<6400000xi32, #tpu.memory_space<hbm>> -> memref<1024xi32, #tpu.memory_space<hbm>>
        %dma_wait3A_59 = tpu.memref_slice %arg2[%mul3A_58] : memref<6400000xi32, #tpu.memory_space<hbm>> -> memref<1024xi32, #tpu.memory_space<hbm>>
        tpu.wait_dma2 semaphore(%arg21 : memref<!tpu.dma_semaphore, #tpu.memory_space<semaphore_mem>>) src(%dma_wait3A_59 : memref<1024xi32, #tpu.memory_space<hbm>>) dst(%arg11 : memref<1024xi32, #tpu.memory_space<vmem>>)
        %add3A_60 = arith.constant 3200000 : i32
        %add3A_61 = arith.addi %add3A_60, %mul3A_58 : i32
        %dma_wait3A_62 = tpu.memref_slice %arg2[%add3A_61] : memref<6400000xi32, #tpu.memory_space<hbm>> -> memref<1024xi32, #tpu.memory_space<hbm>>
        %dma_wait3A_63 = tpu.memref_slice %arg2[%add3A_61] : memref<6400000xi32, #tpu.memory_space<hbm>> -> memref<1024xi32, #tpu.memory_space<hbm>>
        tpu.wait_dma2 semaphore(%arg21 : memref<!tpu.dma_semaphore, #tpu.memory_space<semaphore_mem>>) src(%dma_wait3A_63 : memref<1024xi32, #tpu.memory_space<hbm>>) dst(%arg12 : memref<1024xi32, #tpu.memory_space<vmem>>)
        %dma_wait3A_64 = tpu.memref_slice %arg3[%mul3A_58] : memref<3200000xf32, #tpu.memory_space<hbm>> -> memref<1024xf32, #tpu.memory_space<hbm>>
        %dma_wait3A_65 = tpu.memref_slice %arg3[%mul3A_58] : memref<3200000xf32, #tpu.memory_space<hbm>> -> memref<1024xf32, #tpu.memory_space<hbm>>
        tpu.wait_dma2 semaphore(%arg21 : memref<!tpu.dma_semaphore, #tpu.memory_space<semaphore_mem>>) src(%dma_wait3A_65 : memref<1024xf32, #tpu.memory_space<hbm>>) dst(%arg13 : memref<1024xf32, #tpu.memory_space<vmem>>)
        %add3A_66 = arith.constant 64 : i32
        %add3A_67 = arith.addi %add3A_27, %add3A_66 : i32
        %lt3A_68 = arith.constant 3125 : i32
        %lt3A_69 = arith.cmpi slt, %add3A_67, %lt3A_68 : i32
        %convert_element_type3A_70 = arith.extui %lt3A_69 : i1 to i32
        %cond3A_71 = arith.constant 0 : i32
        %cond3A_72 = arith.cmpi ne, %convert_element_type3A_70, %cond3A_71 : i32
        scf.if %cond3A_72 {
          %add3A_76 = arith.constant 64 : i32
          %add3A_77 = arith.addi %add3A_27, %add3A_76 : i32
          %mul3A_78 = arith.constant 1024 : i32
          %mul3A_79 = arith.muli %add3A_77, %mul3A_78 : i32
          %dma_start3A = tpu.memref_slice %arg2[%mul3A_79] : memref<6400000xi32, #tpu.memory_space<hbm>> -> memref<1024xi32, #tpu.memory_space<hbm>>
          %dma_start3A_80 = tpu.memref_slice %arg2[%mul3A_79] : memref<6400000xi32, #tpu.memory_space<hbm>> -> memref<1024xi32, #tpu.memory_space<hbm>>
          tpu.enqueue_dma source(%dma_start3A_80 : memref<1024xi32, #tpu.memory_space<hbm>>) target(%arg17 : memref<1024xi32, #tpu.memory_space<vmem>>) target_semaphore(%arg23 : memref<!tpu.dma_semaphore, #tpu.memory_space<semaphore_mem>>)
          %add3A_81 = arith.constant 3200000 : i32
          %add3A_82 = arith.addi %add3A_81, %mul3A_79 : i32
          %dma_start3A_83 = tpu.memref_slice %arg2[%add3A_82] : memref<6400000xi32, #tpu.memory_space<hbm>> -> memref<1024xi32, #tpu.memory_space<hbm>>
          %dma_start3A_84 = tpu.memref_slice %arg2[%add3A_82] : memref<6400000xi32, #tpu.memory_space<hbm>> -> memref<1024xi32, #tpu.memory_space<hbm>>
          tpu.enqueue_dma source(%dma_start3A_84 : memref<1024xi32, #tpu.memory_space<hbm>>) target(%arg18 : memref<1024xi32, #tpu.memory_space<vmem>>) target_semaphore(%arg23 : memref<!tpu.dma_semaphore, #tpu.memory_space<semaphore_mem>>)
          %dma_start3A_85 = tpu.memref_slice %arg3[%mul3A_79] : memref<3200000xf32, #tpu.memory_space<hbm>> -> memref<1024xf32, #tpu.memory_space<hbm>>
          %dma_start3A_86 = tpu.memref_slice %arg3[%mul3A_79] : memref<3200000xf32, #tpu.memory_space<hbm>> -> memref<1024xf32, #tpu.memory_space<hbm>>
          tpu.enqueue_dma source(%dma_start3A_86 : memref<1024xf32, #tpu.memory_space<hbm>>) target(%arg19 : memref<1024xf32, #tpu.memory_space<vmem>>) target_semaphore(%arg23 : memref<!tpu.dma_semaphore, #tpu.memory_space<semaphore_mem>>)
        } else {
        }
        %parallel_loop3A_73 = arith.constant 0 : i32
        %parallel_loop3A_74 = arith.constant 1024 : i32
        %parallel_loop3A_75 = arith.constant 16 : i32
        scf.for %parallel_loop3A_76 = %parallel_loop3A_73 to %parallel_loop3A_74 step %parallel_loop3A_75  : i32 {
          %parallel_loop3A_77 = arith.index_cast %parallel_loop3A_76 : i32 to index
          %parallel_loop3A_78 = tpu.vector_load %arg11[%parallel_loop3A_77] {strides = array<i32>} : memref<1024xi32, #tpu.memory_space<vmem>>, vector<16xi32>,
          %parallel_loop3A_79 = arith.index_cast %parallel_loop3A_76 : i32 to index
          %parallel_loop3A_80 = tpu.vector_load %arg12[%parallel_loop3A_79] {strides = array<i32>} : memref<1024xi32, #tpu.memory_space<vmem>>, vector<16xi32>,
          %parallel_loop3A_81 = arith.constant 16383 : i32
          %parallel_loop3A_82 = vector.broadcast %parallel_loop3A_81 : i32 to vector<16xi32>
          %parallel_loop3A_83 = arith.andi %parallel_loop3A_78, %parallel_loop3A_82 : vector<16xi32>
          %parallel_loop3A_84 = tpu.vector_load_idx %arg7[%parallel_loop3A_83] : memref<16384xi32, #tpu.memory_space<vmem>>[vector<16xi32>], vector<16xi32>,
          %parallel_loop3A_85 = arith.constant 12 : i32
          %parallel_loop3A_86 = vector.broadcast %parallel_loop3A_85 : i32 to vector<16xi32>
          %parallel_loop3A_87 = arith.shrui %parallel_loop3A_78, %parallel_loop3A_86 : vector<16xi32>
          %parallel_loop3A_88 = arith.constant 124 : i32
          %parallel_loop3A_89 = vector.broadcast %parallel_loop3A_88 : i32 to vector<16xi32>
          %parallel_loop3A_90 = arith.andi %parallel_loop3A_87, %parallel_loop3A_89 : vector<16xi32>
          %parallel_loop3A_91 = arith.shrui %parallel_loop3A_84, %parallel_loop3A_90 : vector<16xi32>
          %parallel_loop3A_92 = arith.constant 15 : i32
          %parallel_loop3A_93 = vector.broadcast %parallel_loop3A_92 : i32 to vector<16xi32>
          %parallel_loop3A_94 = arith.andi %parallel_loop3A_91, %parallel_loop3A_93 : vector<16xi32>
          %parallel_loop3A_95 = arith.constant 16383 : i32
          %parallel_loop3A_96 = vector.broadcast %parallel_loop3A_95 : i32 to vector<16xi32>
          %parallel_loop3A_97 = arith.andi %parallel_loop3A_80, %parallel_loop3A_96 : vector<16xi32>
          %parallel_loop3A_98 = tpu.vector_load_idx %arg7[%parallel_loop3A_97] : memref<16384xi32, #tpu.memory_space<vmem>>[vector<16xi32>], vector<16xi32>,
          %parallel_loop3A_99 = arith.constant 12 : i32
          %parallel_loop3A_100 = vector.broadcast %parallel_loop3A_99 : i32 to vector<16xi32>
          %parallel_loop3A_101 = arith.shrui %parallel_loop3A_80, %parallel_loop3A_100 : vector<16xi32>
          %parallel_loop3A_102 = arith.constant 124 : i32
          %parallel_loop3A_103 = vector.broadcast %parallel_loop3A_102 : i32 to vector<16xi32>
          %parallel_loop3A_104 = arith.andi %parallel_loop3A_101, %parallel_loop3A_103 : vector<16xi32>
          %parallel_loop3A_105 = arith.shrui %parallel_loop3A_98, %parallel_loop3A_104 : vector<16xi32>
          %parallel_loop3A_106 = arith.constant 15 : i32
          %parallel_loop3A_107 = vector.broadcast %parallel_loop3A_106 : i32 to vector<16xi32>
          %parallel_loop3A_108 = arith.andi %parallel_loop3A_105, %parallel_loop3A_107 : vector<16xi32>
          %parallel_loop3A_109 = arith.constant 10 : i32
          %parallel_loop3A_110 = vector.broadcast %parallel_loop3A_109 : i32 to vector<16xi32>
          %parallel_loop3A_111 = arith.muli %parallel_loop3A_94, %parallel_loop3A_110 : vector<16xi32>
          %parallel_loop3A_112 = arith.addi %parallel_loop3A_111, %parallel_loop3A_108 : vector<16xi32>
          %parallel_loop3A_113 = tpu.vector_load_idx %arg8[%parallel_loop3A_112] : memref<128xf32, #tpu.memory_space<vmem>>[vector<16xi32>], vector<16xf32>,
          %parallel_loop3A_114 = tpu.vector_load_idx %arg9[%parallel_loop3A_112] : memref<128xf32, #tpu.memory_space<vmem>>[vector<16xi32>], vector<16xf32>,
          %parallel_loop3A_115 = tpu.vector_load_idx %arg10[%parallel_loop3A_112] : memref<128xf32, #tpu.memory_space<vmem>>[vector<16xi32>], vector<16xf32>,
          %parallel_loop3A_116 = arith.index_cast %parallel_loop3A_76 : i32 to index
          %parallel_loop3A_117 = tpu.vector_load %arg13[%parallel_loop3A_116] {strides = array<i32>} : memref<1024xf32, #tpu.memory_space<vmem>>, vector<16xf32>,
          %parallel_loop3A_118 = arith.mulf %parallel_loop3A_117, %parallel_loop3A_117 : vector<16xf32>
          %parallel_loop3A_119 = arith.mulf %parallel_loop3A_118, %parallel_loop3A_118 : vector<16xf32>
          %parallel_loop3A_120 = arith.mulf %parallel_loop3A_119, %parallel_loop3A_119 : vector<16xf32>
          %parallel_loop3A_121 = arith.mulf %parallel_loop3A_120, %parallel_loop3A_119 : vector<16xf32>
          %parallel_loop3A_122 = arith.mulf %parallel_loop3A_121, %parallel_loop3A_118 : vector<16xf32>
          %parallel_loop3A_123 = arith.mulf %parallel_loop3A_119, %parallel_loop3A_118 : vector<16xf32>
          %parallel_loop3A_124 = arith.addf %parallel_loop3A_122, %parallel_loop3A_114 : vector<16xf32>
          %parallel_loop3A_125 = arith.addf %parallel_loop3A_115, %parallel_loop3A_123 : vector<16xf32>
          %parallel_loop3A_126 = arith.mulf %parallel_loop3A_124, %parallel_loop3A_125 : vector<16xf32>
          %parallel_loop3A_127 = arith.mulf %parallel_loop3A_113, %parallel_loop3A_122 : vector<16xf32>
          %parallel_loop3A_128 = arith.constant 1.000000e-30 : f32
          %parallel_loop3A_129 = vector.broadcast %parallel_loop3A_128 : f32 to vector<16xf32>
          %parallel_loop3A_130 = arith.maximumf %parallel_loop3A_126, %parallel_loop3A_129 : vector<16xf32>
          %parallel_loop3A_131 = arith.divf %parallel_loop3A_127, %parallel_loop3A_130 : vector<16xf32>
          tpu.vector_store_idx %arg20[%parallel_loop3A_80], %parallel_loop3A_131 {add = true} : memref<100096xf32, #tpu.memory_space<vmem>>[vector<16xi32>], vector<16xf32>,
        } {sc.loop_unroll_factor = 8 : i64, sc.parallel_access}
      } else {
      }
      %mul3A_33 = arith.constant 3 : i32
      %mul3A_34 = arith.muli %mul3A_33, %scan3A_20 : i32
      %add3A_35 = arith.constant 1 : i32
      %add3A_36 = arith.addi %mul3A_34, %add3A_35 : i32
      %mul3A_37 = arith.constant 32 : i32
      %mul3A_38 = arith.muli %mul3A_37, %add3A_36 : i32
      %add3A_39 = arith.addi %add3A, %mul3A_38 : i32
      %lt3A_40 = arith.constant 3125 : i32
      %lt3A_41 = arith.cmpi slt, %add3A_39, %lt3A_40 : i32
      %convert_element_type3A_42 = arith.extui %lt3A_41 : i1 to i32
      %cond3A_43 = arith.constant 0 : i32
      %cond3A_44 = arith.cmpi ne, %convert_element_type3A_42, %cond3A_43 : i32
      scf.if %cond3A_44 {
        %mul3A_57 = arith.constant 1024 : i32
        %mul3A_58 = arith.muli %add3A_39, %mul3A_57 : i32
        %dma_wait3A = tpu.memref_slice %arg2[%mul3A_58] : memref<6400000xi32, #tpu.memory_space<hbm>> -> memref<1024xi32, #tpu.memory_space<hbm>>
        %dma_wait3A_59 = tpu.memref_slice %arg2[%mul3A_58] : memref<6400000xi32, #tpu.memory_space<hbm>> -> memref<1024xi32, #tpu.memory_space<hbm>>
        tpu.wait_dma2 semaphore(%arg22 : memref<!tpu.dma_semaphore, #tpu.memory_space<semaphore_mem>>) src(%dma_wait3A_59 : memref<1024xi32, #tpu.memory_space<hbm>>) dst(%arg14 : memref<1024xi32, #tpu.memory_space<vmem>>)
        %add3A_60 = arith.constant 3200000 : i32
        %add3A_61 = arith.addi %add3A_60, %mul3A_58 : i32
        %dma_wait3A_62 = tpu.memref_slice %arg2[%add3A_61] : memref<6400000xi32, #tpu.memory_space<hbm>> -> memref<1024xi32, #tpu.memory_space<hbm>>
        %dma_wait3A_63 = tpu.memref_slice %arg2[%add3A_61] : memref<6400000xi32, #tpu.memory_space<hbm>> -> memref<1024xi32, #tpu.memory_space<hbm>>
        tpu.wait_dma2 semaphore(%arg22 : memref<!tpu.dma_semaphore, #tpu.memory_space<semaphore_mem>>) src(%dma_wait3A_63 : memref<1024xi32, #tpu.memory_space<hbm>>) dst(%arg15 : memref<1024xi32, #tpu.memory_space<vmem>>)
        %dma_wait3A_64 = tpu.memref_slice %arg3[%mul3A_58] : memref<3200000xf32, #tpu.memory_space<hbm>> -> memref<1024xf32, #tpu.memory_space<hbm>>
        %dma_wait3A_65 = tpu.memref_slice %arg3[%mul3A_58] : memref<3200000xf32, #tpu.memory_space<hbm>> -> memref<1024xf32, #tpu.memory_space<hbm>>
        tpu.wait_dma2 semaphore(%arg22 : memref<!tpu.dma_semaphore, #tpu.memory_space<semaphore_mem>>) src(%dma_wait3A_65 : memref<1024xf32, #tpu.memory_space<hbm>>) dst(%arg16 : memref<1024xf32, #tpu.memory_space<vmem>>)
        %add3A_66 = arith.constant 64 : i32
        %add3A_67 = arith.addi %add3A_39, %add3A_66 : i32
        %lt3A_68 = arith.constant 3125 : i32
        %lt3A_69 = arith.cmpi slt, %add3A_67, %lt3A_68 : i32
        %convert_element_type3A_70 = arith.extui %lt3A_69 : i1 to i32
        %cond3A_71 = arith.constant 0 : i32
        %cond3A_72 = arith.cmpi ne, %convert_element_type3A_70, %cond3A_71 : i32
        scf.if %cond3A_72 {
          %add3A_76 = arith.constant 64 : i32
          %add3A_77 = arith.addi %add3A_39, %add3A_76 : i32
          %mul3A_78 = arith.constant 1024 : i32
          %mul3A_79 = arith.muli %add3A_77, %mul3A_78 : i32
          %dma_start3A = tpu.memref_slice %arg2[%mul3A_79] : memref<6400000xi32, #tpu.memory_space<hbm>> -> memref<1024xi32, #tpu.memory_space<hbm>>
          %dma_start3A_80 = tpu.memref_slice %arg2[%mul3A_79] : memref<6400000xi32, #tpu.memory_space<hbm>> -> memref<1024xi32, #tpu.memory_space<hbm>>
          tpu.enqueue_dma source(%dma_start3A_80 : memref<1024xi32, #tpu.memory_space<hbm>>) target(%arg11 : memref<1024xi32, #tpu.memory_space<vmem>>) target_semaphore(%arg21 : memref<!tpu.dma_semaphore, #tpu.memory_space<semaphore_mem>>)
          %add3A_81 = arith.constant 3200000 : i32
          %add3A_82 = arith.addi %add3A_81, %mul3A_79 : i32
          %dma_start3A_83 = tpu.memref_slice %arg2[%add3A_82] : memref<6400000xi32, #tpu.memory_space<hbm>> -> memref<1024xi32, #tpu.memory_space<hbm>>
          %dma_start3A_84 = tpu.memref_slice %arg2[%add3A_82] : memref<6400000xi32, #tpu.memory_space<hbm>> -> memref<1024xi32, #tpu.memory_space<hbm>>
          tpu.enqueue_dma source(%dma_start3A_84 : memref<1024xi32, #tpu.memory_space<hbm>>) target(%arg12 : memref<1024xi32, #tpu.memory_space<vmem>>) target_semaphore(%arg21 : memref<!tpu.dma_semaphore, #tpu.memory_space<semaphore_mem>>)
          %dma_start3A_85 = tpu.memref_slice %arg3[%mul3A_79] : memref<3200000xf32, #tpu.memory_space<hbm>> -> memref<1024xf32, #tpu.memory_space<hbm>>
          %dma_start3A_86 = tpu.memref_slice %arg3[%mul3A_79] : memref<3200000xf32, #tpu.memory_space<hbm>> -> memref<1024xf32, #tpu.memory_space<hbm>>
          tpu.enqueue_dma source(%dma_start3A_86 : memref<1024xf32, #tpu.memory_space<hbm>>) target(%arg13 : memref<1024xf32, #tpu.memory_space<vmem>>) target_semaphore(%arg21 : memref<!tpu.dma_semaphore, #tpu.memory_space<semaphore_mem>>)
        } else {
        }
        %parallel_loop3A_73 = arith.constant 0 : i32
        %parallel_loop3A_74 = arith.constant 1024 : i32
        %parallel_loop3A_75 = arith.constant 16 : i32
        scf.for %parallel_loop3A_76 = %parallel_loop3A_73 to %parallel_loop3A_74 step %parallel_loop3A_75  : i32 {
          %parallel_loop3A_77 = arith.index_cast %parallel_loop3A_76 : i32 to index
          %parallel_loop3A_78 = tpu.vector_load %arg14[%parallel_loop3A_77] {strides = array<i32>} : memref<1024xi32, #tpu.memory_space<vmem>>, vector<16xi32>,
          %parallel_loop3A_79 = arith.index_cast %parallel_loop3A_76 : i32 to index
          %parallel_loop3A_80 = tpu.vector_load %arg15[%parallel_loop3A_79] {strides = array<i32>} : memref<1024xi32, #tpu.memory_space<vmem>>, vector<16xi32>,
          %parallel_loop3A_81 = arith.constant 16383 : i32
          %parallel_loop3A_82 = vector.broadcast %parallel_loop3A_81 : i32 to vector<16xi32>
          %parallel_loop3A_83 = arith.andi %parallel_loop3A_78, %parallel_loop3A_82 : vector<16xi32>
          %parallel_loop3A_84 = tpu.vector_load_idx %arg7[%parallel_loop3A_83] : memref<16384xi32, #tpu.memory_space<vmem>>[vector<16xi32>], vector<16xi32>,
          %parallel_loop3A_85 = arith.constant 12 : i32
          %parallel_loop3A_86 = vector.broadcast %parallel_loop3A_85 : i32 to vector<16xi32>
          %parallel_loop3A_87 = arith.shrui %parallel_loop3A_78, %parallel_loop3A_86 : vector<16xi32>
          %parallel_loop3A_88 = arith.constant 124 : i32
          %parallel_loop3A_89 = vector.broadcast %parallel_loop3A_88 : i32 to vector<16xi32>
          %parallel_loop3A_90 = arith.andi %parallel_loop3A_87, %parallel_loop3A_89 : vector<16xi32>
          %parallel_loop3A_91 = arith.shrui %parallel_loop3A_84, %parallel_loop3A_90 : vector<16xi32>
          %parallel_loop3A_92 = arith.constant 15 : i32
          %parallel_loop3A_93 = vector.broadcast %parallel_loop3A_92 : i32 to vector<16xi32>
          %parallel_loop3A_94 = arith.andi %parallel_loop3A_91, %parallel_loop3A_93 : vector<16xi32>
          %parallel_loop3A_95 = arith.constant 16383 : i32
          %parallel_loop3A_96 = vector.broadcast %parallel_loop3A_95 : i32 to vector<16xi32>
          %parallel_loop3A_97 = arith.andi %parallel_loop3A_80, %parallel_loop3A_96 : vector<16xi32>
          %parallel_loop3A_98 = tpu.vector_load_idx %arg7[%parallel_loop3A_97] : memref<16384xi32, #tpu.memory_space<vmem>>[vector<16xi32>], vector<16xi32>,
          %parallel_loop3A_99 = arith.constant 12 : i32
          %parallel_loop3A_100 = vector.broadcast %parallel_loop3A_99 : i32 to vector<16xi32>
          %parallel_loop3A_101 = arith.shrui %parallel_loop3A_80, %parallel_loop3A_100 : vector<16xi32>
          %parallel_loop3A_102 = arith.constant 124 : i32
          %parallel_loop3A_103 = vector.broadcast %parallel_loop3A_102 : i32 to vector<16xi32>
          %parallel_loop3A_104 = arith.andi %parallel_loop3A_101, %parallel_loop3A_103 : vector<16xi32>
          %parallel_loop3A_105 = arith.shrui %parallel_loop3A_98, %parallel_loop3A_104 : vector<16xi32>
          %parallel_loop3A_106 = arith.constant 15 : i32
          %parallel_loop3A_107 = vector.broadcast %parallel_loop3A_106 : i32 to vector<16xi32>
          %parallel_loop3A_108 = arith.andi %parallel_loop3A_105, %parallel_loop3A_107 : vector<16xi32>
          %parallel_loop3A_109 = arith.constant 10 : i32
          %parallel_loop3A_110 = vector.broadcast %parallel_loop3A_109 : i32 to vector<16xi32>
          %parallel_loop3A_111 = arith.muli %parallel_loop3A_94, %parallel_loop3A_110 : vector<16xi32>
          %parallel_loop3A_112 = arith.addi %parallel_loop3A_111, %parallel_loop3A_108 : vector<16xi32>
          %parallel_loop3A_113 = tpu.vector_load_idx %arg8[%parallel_loop3A_112] : memref<128xf32, #tpu.memory_space<vmem>>[vector<16xi32>], vector<16xf32>,
          %parallel_loop3A_114 = tpu.vector_load_idx %arg9[%parallel_loop3A_112] : memref<128xf32, #tpu.memory_space<vmem>>[vector<16xi32>], vector<16xf32>,
          %parallel_loop3A_115 = tpu.vector_load_idx %arg10[%parallel_loop3A_112] : memref<128xf32, #tpu.memory_space<vmem>>[vector<16xi32>], vector<16xf32>,
          %parallel_loop3A_116 = arith.index_cast %parallel_loop3A_76 : i32 to index
          %parallel_loop3A_117 = tpu.vector_load %arg16[%parallel_loop3A_116] {strides = array<i32>} : memref<1024xf32, #tpu.memory_space<vmem>>, vector<16xf32>,
          %parallel_loop3A_118 = arith.mulf %parallel_loop3A_117, %parallel_loop3A_117 : vector<16xf32>
          %parallel_loop3A_119 = arith.mulf %parallel_loop3A_118, %parallel_loop3A_118 : vector<16xf32>
          %parallel_loop3A_120 = arith.mulf %parallel_loop3A_119, %parallel_loop3A_119 : vector<16xf32>
          %parallel_loop3A_121 = arith.mulf %parallel_loop3A_120, %parallel_loop3A_119 : vector<16xf32>
          %parallel_loop3A_122 = arith.mulf %parallel_loop3A_121, %parallel_loop3A_118 : vector<16xf32>
          %parallel_loop3A_123 = arith.mulf %parallel_loop3A_119, %parallel_loop3A_118 : vector<16xf32>
          %parallel_loop3A_124 = arith.addf %parallel_loop3A_122, %parallel_loop3A_114 : vector<16xf32>
          %parallel_loop3A_125 = arith.addf %parallel_loop3A_115, %parallel_loop3A_123 : vector<16xf32>
          %parallel_loop3A_126 = arith.mulf %parallel_loop3A_124, %parallel_loop3A_125 : vector<16xf32>
          %parallel_loop3A_127 = arith.mulf %parallel_loop3A_113, %parallel_loop3A_122 : vector<16xf32>
          %parallel_loop3A_128 = arith.constant 1.000000e-30 : f32
          %parallel_loop3A_129 = vector.broadcast %parallel_loop3A_128 : f32 to vector<16xf32>
          %parallel_loop3A_130 = arith.maximumf %parallel_loop3A_126, %parallel_loop3A_129 : vector<16xf32>
          %parallel_loop3A_131 = arith.divf %parallel_loop3A_127, %parallel_loop3A_130 : vector<16xf32>
          tpu.vector_store_idx %arg20[%parallel_loop3A_80], %parallel_loop3A_131 {add = true} : memref<100096xf32, #tpu.memory_space<vmem>>[vector<16xi32>], vector<16xf32>,
        } {sc.loop_unroll_factor = 8 : i64, sc.parallel_access}
      } else {
      }
      %mul3A_45 = arith.constant 3 : i32
      %mul3A_46 = arith.muli %mul3A_45, %scan3A_20 : i32
      %add3A_47 = arith.constant 2 : i32
      %add3A_48 = arith.addi %mul3A_46, %add3A_47 : i32
      %mul3A_49 = arith.constant 32 : i32
      %mul3A_50 = arith.muli %mul3A_49, %add3A_48 : i32
      %add3A_51 = arith.addi %add3A, %mul3A_50 : i32
      %lt3A_52 = arith.constant 3125 : i32
      %lt3A_53 = arith.cmpi slt, %add3A_51, %lt3A_52 : i32
      %convert_element_type3A_54 = arith.extui %lt3A_53 : i1 to i32
      %cond3A_55 = arith.constant 0 : i32
      %cond3A_56 = arith.cmpi ne, %convert_element_type3A_54, %cond3A_55 : i32
      scf.if %cond3A_56 {
        %mul3A_57 = arith.constant 1024 : i32
        %mul3A_58 = arith.muli %add3A_51, %mul3A_57 : i32
        %dma_wait3A = tpu.memref_slice %arg2[%mul3A_58] : memref<6400000xi32, #tpu.memory_space<hbm>> -> memref<1024xi32, #tpu.memory_space<hbm>>
        %dma_wait3A_59 = tpu.memref_slice %arg2[%mul3A_58] : memref<6400000xi32, #tpu.memory_space<hbm>> -> memref<1024xi32, #tpu.memory_space<hbm>>
        tpu.wait_dma2 semaphore(%arg23 : memref<!tpu.dma_semaphore, #tpu.memory_space<semaphore_mem>>) src(%dma_wait3A_59 : memref<1024xi32, #tpu.memory_space<hbm>>) dst(%arg17 : memref<1024xi32, #tpu.memory_space<vmem>>)
        %add3A_60 = arith.constant 3200000 : i32
        %add3A_61 = arith.addi %add3A_60, %mul3A_58 : i32
        %dma_wait3A_62 = tpu.memref_slice %arg2[%add3A_61] : memref<6400000xi32, #tpu.memory_space<hbm>> -> memref<1024xi32, #tpu.memory_space<hbm>>
        %dma_wait3A_63 = tpu.memref_slice %arg2[%add3A_61] : memref<6400000xi32, #tpu.memory_space<hbm>> -> memref<1024xi32, #tpu.memory_space<hbm>>
        tpu.wait_dma2 semaphore(%arg23 : memref<!tpu.dma_semaphore, #tpu.memory_space<semaphore_mem>>) src(%dma_wait3A_63 : memref<1024xi32, #tpu.memory_space<hbm>>) dst(%arg18 : memref<1024xi32, #tpu.memory_space<vmem>>)
        %dma_wait3A_64 = tpu.memref_slice %arg3[%mul3A_58] : memref<3200000xf32, #tpu.memory_space<hbm>> -> memref<1024xf32, #tpu.memory_space<hbm>>
        %dma_wait3A_65 = tpu.memref_slice %arg3[%mul3A_58] : memref<3200000xf32, #tpu.memory_space<hbm>> -> memref<1024xf32, #tpu.memory_space<hbm>>
        tpu.wait_dma2 semaphore(%arg23 : memref<!tpu.dma_semaphore, #tpu.memory_space<semaphore_mem>>) src(%dma_wait3A_65 : memref<1024xf32, #tpu.memory_space<hbm>>) dst(%arg19 : memref<1024xf32, #tpu.memory_space<vmem>>)
        %add3A_66 = arith.constant 64 : i32
        %add3A_67 = arith.addi %add3A_51, %add3A_66 : i32
        %lt3A_68 = arith.constant 3125 : i32
        %lt3A_69 = arith.cmpi slt, %add3A_67, %lt3A_68 : i32
        %convert_element_type3A_70 = arith.extui %lt3A_69 : i1 to i32
        %cond3A_71 = arith.constant 0 : i32
        %cond3A_72 = arith.cmpi ne, %convert_element_type3A_70, %cond3A_71 : i32
        scf.if %cond3A_72 {
          %add3A_76 = arith.constant 64 : i32
          %add3A_77 = arith.addi %add3A_51, %add3A_76 : i32
          %mul3A_78 = arith.constant 1024 : i32
          %mul3A_79 = arith.muli %add3A_77, %mul3A_78 : i32
          %dma_start3A = tpu.memref_slice %arg2[%mul3A_79] : memref<6400000xi32, #tpu.memory_space<hbm>> -> memref<1024xi32, #tpu.memory_space<hbm>>
          %dma_start3A_80 = tpu.memref_slice %arg2[%mul3A_79] : memref<6400000xi32, #tpu.memory_space<hbm>> -> memref<1024xi32, #tpu.memory_space<hbm>>
          tpu.enqueue_dma source(%dma_start3A_80 : memref<1024xi32, #tpu.memory_space<hbm>>) target(%arg14 : memref<1024xi32, #tpu.memory_space<vmem>>) target_semaphore(%arg22 : memref<!tpu.dma_semaphore, #tpu.memory_space<semaphore_mem>>)
          %add3A_81 = arith.constant 3200000 : i32
          %add3A_82 = arith.addi %add3A_81, %mul3A_79 : i32
          %dma_start3A_83 = tpu.memref_slice %arg2[%add3A_82] : memref<6400000xi32, #tpu.memory_space<hbm>> -> memref<1024xi32, #tpu.memory_space<hbm>>
          %dma_start3A_84 = tpu.memref_slice %arg2[%add3A_82] : memref<6400000xi32, #tpu.memory_space<hbm>> -> memref<1024xi32, #tpu.memory_space<hbm>>
          tpu.enqueue_dma source(%dma_start3A_84 : memref<1024xi32, #tpu.memory_space<hbm>>) target(%arg15 : memref<1024xi32, #tpu.memory_space<vmem>>) target_semaphore(%arg22 : memref<!tpu.dma_semaphore, #tpu.memory_space<semaphore_mem>>)
          %dma_start3A_85 = tpu.memref_slice %arg3[%mul3A_79] : memref<3200000xf32, #tpu.memory_space<hbm>> -> memref<1024xf32, #tpu.memory_space<hbm>>
          %dma_start3A_86 = tpu.memref_slice %arg3[%mul3A_79] : memref<3200000xf32, #tpu.memory_space<hbm>> -> memref<1024xf32, #tpu.memory_space<hbm>>
          tpu.enqueue_dma source(%dma_start3A_86 : memref<1024xf32, #tpu.memory_space<hbm>>) target(%arg16 : memref<1024xf32, #tpu.memory_space<vmem>>) target_semaphore(%arg22 : memref<!tpu.dma_semaphore, #tpu.memory_space<semaphore_mem>>)
        } else {
        }
        %parallel_loop3A_73 = arith.constant 0 : i32
        %parallel_loop3A_74 = arith.constant 1024 : i32
        %parallel_loop3A_75 = arith.constant 16 : i32
        scf.for %parallel_loop3A_76 = %parallel_loop3A_73 to %parallel_loop3A_74 step %parallel_loop3A_75  : i32 {
          %parallel_loop3A_77 = arith.index_cast %parallel_loop3A_76 : i32 to index
          %parallel_loop3A_78 = tpu.vector_load %arg17[%parallel_loop3A_77] {strides = array<i32>} : memref<1024xi32, #tpu.memory_space<vmem>>, vector<16xi32>,
          %parallel_loop3A_79 = arith.index_cast %parallel_loop3A_76 : i32 to index
          %parallel_loop3A_80 = tpu.vector_load %arg18[%parallel_loop3A_79] {strides = array<i32>} : memref<1024xi32, #tpu.memory_space<vmem>>, vector<16xi32>,
          %parallel_loop3A_81 = arith.constant 16383 : i32
          %parallel_loop3A_82 = vector.broadcast %parallel_loop3A_81 : i32 to vector<16xi32>
          %parallel_loop3A_83 = arith.andi %parallel_loop3A_78, %parallel_loop3A_82 : vector<16xi32>
          %parallel_loop3A_84 = tpu.vector_load_idx %arg7[%parallel_loop3A_83] : memref<16384xi32, #tpu.memory_space<vmem>>[vector<16xi32>], vector<16xi32>,
          %parallel_loop3A_85 = arith.constant 12 : i32
          %parallel_loop3A_86 = vector.broadcast %parallel_loop3A_85 : i32 to vector<16xi32>
          %parallel_loop3A_87 = arith.shrui %parallel_loop3A_78, %parallel_loop3A_86 : vector<16xi32>
          %parallel_loop3A_88 = arith.constant 124 : i32
          %parallel_loop3A_89 = vector.broadcast %parallel_loop3A_88 : i32 to vector<16xi32>
          %parallel_loop3A_90 = arith.andi %parallel_loop3A_87, %parallel_loop3A_89 : vector<16xi32>
          %parallel_loop3A_91 = arith.shrui %parallel_loop3A_84, %parallel_loop3A_90 : vector<16xi32>
          %parallel_loop3A_92 = arith.constant 15 : i32
          %parallel_loop3A_93 = vector.broadcast %parallel_loop3A_92 : i32 to vector<16xi32>
          %parallel_loop3A_94 = arith.andi %parallel_loop3A_91, %parallel_loop3A_93 : vector<16xi32>
          %parallel_loop3A_95 = arith.constant 16383 : i32
          %parallel_loop3A_96 = vector.broadcast %parallel_loop3A_95 : i32 to vector<16xi32>
          %parallel_loop3A_97 = arith.andi %parallel_loop3A_80, %parallel_loop3A_96 : vector<16xi32>
          %parallel_loop3A_98 = tpu.vector_load_idx %arg7[%parallel_loop3A_97] : memref<16384xi32, #tpu.memory_space<vmem>>[vector<16xi32>], vector<16xi32>,
          %parallel_loop3A_99 = arith.constant 12 : i32
          %parallel_loop3A_100 = vector.broadcast %parallel_loop3A_99 : i32 to vector<16xi32>
          %parallel_loop3A_101 = arith.shrui %parallel_loop3A_80, %parallel_loop3A_100 : vector<16xi32>
          %parallel_loop3A_102 = arith.constant 124 : i32
          %parallel_loop3A_103 = vector.broadcast %parallel_loop3A_102 : i32 to vector<16xi32>
          %parallel_loop3A_104 = arith.andi %parallel_loop3A_101, %parallel_loop3A_103 : vector<16xi32>
          %parallel_loop3A_105 = arith.shrui %parallel_loop3A_98, %parallel_loop3A_104 : vector<16xi32>
          %parallel_loop3A_106 = arith.constant 15 : i32
          %parallel_loop3A_107 = vector.broadcast %parallel_loop3A_106 : i32 to vector<16xi32>
          %parallel_loop3A_108 = arith.andi %parallel_loop3A_105, %parallel_loop3A_107 : vector<16xi32>
          %parallel_loop3A_109 = arith.constant 10 : i32
          %parallel_loop3A_110 = vector.broadcast %parallel_loop3A_109 : i32 to vector<16xi32>
          %parallel_loop3A_111 = arith.muli %parallel_loop3A_94, %parallel_loop3A_110 : vector<16xi32>
          %parallel_loop3A_112 = arith.addi %parallel_loop3A_111, %parallel_loop3A_108 : vector<16xi32>
          %parallel_loop3A_113 = tpu.vector_load_idx %arg8[%parallel_loop3A_112] : memref<128xf32, #tpu.memory_space<vmem>>[vector<16xi32>], vector<16xf32>,
          %parallel_loop3A_114 = tpu.vector_load_idx %arg9[%parallel_loop3A_112] : memref<128xf32, #tpu.memory_space<vmem>>[vector<16xi32>], vector<16xf32>,
          %parallel_loop3A_115 = tpu.vector_load_idx %arg10[%parallel_loop3A_112] : memref<128xf32, #tpu.memory_space<vmem>>[vector<16xi32>], vector<16xf32>,
          %parallel_loop3A_116 = arith.index_cast %parallel_loop3A_76 : i32 to index
          %parallel_loop3A_117 = tpu.vector_load %arg19[%parallel_loop3A_116] {strides = array<i32>} : memref<1024xf32, #tpu.memory_space<vmem>>, vector<16xf32>,
          %parallel_loop3A_118 = arith.mulf %parallel_loop3A_117, %parallel_loop3A_117 : vector<16xf32>
          %parallel_loop3A_119 = arith.mulf %parallel_loop3A_118, %parallel_loop3A_118 : vector<16xf32>
          %parallel_loop3A_120 = arith.mulf %parallel_loop3A_119, %parallel_loop3A_119 : vector<16xf32>
          %parallel_loop3A_121 = arith.mulf %parallel_loop3A_120, %parallel_loop3A_119 : vector<16xf32>
          %parallel_loop3A_122 = arith.mulf %parallel_loop3A_121, %parallel_loop3A_118 : vector<16xf32>
          %parallel_loop3A_123 = arith.mulf %parallel_loop3A_119, %parallel_loop3A_118 : vector<16xf32>
          %parallel_loop3A_124 = arith.addf %parallel_loop3A_122, %parallel_loop3A_114 : vector<16xf32>
          %parallel_loop3A_125 = arith.addf %parallel_loop3A_115, %parallel_loop3A_123 : vector<16xf32>
          %parallel_loop3A_126 = arith.mulf %parallel_loop3A_124, %parallel_loop3A_125 : vector<16xf32>
          %parallel_loop3A_127 = arith.mulf %parallel_loop3A_113, %parallel_loop3A_122 : vector<16xf32>
          %parallel_loop3A_128 = arith.constant 1.000000e-30 : f32
          %parallel_loop3A_129 = vector.broadcast %parallel_loop3A_128 : f32 to vector<16xf32>
          %parallel_loop3A_130 = arith.maximumf %parallel_loop3A_126, %parallel_loop3A_129 : vector<16xf32>
          %parallel_loop3A_131 = arith.divf %parallel_loop3A_127, %parallel_loop3A_130 : vector<16xf32>
          tpu.vector_store_idx %arg20[%parallel_loop3A_80], %parallel_loop3A_131 {add = true} : memref<100096xf32, #tpu.memory_space<vmem>>[vector<16xi32>], vector<16xf32>,
        } {sc.loop_unroll_factor = 8 : i64, sc.parallel_access}
      } else {
      }
    }
    %scan3A_17 = arith.constant 33 : i32
    %mul3A_18 = arith.constant 100096 : i32
    %mul3A_19 = arith.muli %add3A, %mul3A_18 : i32
    "tpu.region"() ({
      %run_scoped3A = tpu.sem_alloc : memref<!tpu.dma_semaphore, #tpu.memory_space<semaphore_mem>>
      %dma_start3A = tpu.memref_slice %arg6[%mul3A_19] : memref<3203072xf32, #tpu.memory_space<hbm>> -> memref<100096xf32, #tpu.memory_space<hbm>>
      %dma_start3A_20 = tpu.memref_slice %arg6[%mul3A_19] : memref<3203072xf32, #tpu.memory_space<hbm>> -> memref<100096xf32, #tpu.memory_space<hbm>>
      tpu.enqueue_dma source(%arg20 : memref<100096xf32, #tpu.memory_space<vmem>>) target(%dma_start3A_20 : memref<100096xf32, #tpu.memory_space<hbm>>) target_semaphore(%run_scoped3A : memref<!tpu.dma_semaphore, #tpu.memory_space<semaphore_mem>>)
      %dma_wait3A = tpu.memref_slice %arg6[%mul3A_19] : memref<3203072xf32, #tpu.memory_space<hbm>> -> memref<100096xf32, #tpu.memory_space<hbm>>
      %dma_wait3A_21 = tpu.memref_slice %arg6[%mul3A_19] : memref<3203072xf32, #tpu.memory_space<hbm>> -> memref<100096xf32, #tpu.memory_space<hbm>>
      tpu.wait_dma2 semaphore(%run_scoped3A : memref<!tpu.dma_semaphore, #tpu.memory_space<semaphore_mem>>) src(%arg20 : memref<100096xf32, #tpu.memory_space<vmem>>) dst(%dma_wait3A_21 : memref<100096xf32, #tpu.memory_space<hbm>>)
      tpu.yield
    }) : () -> ()
    return
  }
}

module attributes {stable_mosaic.version = 14 : i64} {
  func.func @_add_body(%arg0: memref<32x100096xf32, #tpu.memory_space<vmem>>, %arg1: memref<1x100096xf32, #tpu.memory_space<vmem>>) attributes {dimension_semantics = [], scalar_prefetch = 0 : i64, scratch_operands = 0 : i64, tpu.core_type = #tpu.core_type<tc>} {
    %get3A = arith.constant 0 : index
    %get3A_0 = arith.constant 0 : index
    %get3A_1 = vector.load %arg0[%get3A, %get3A_0] : memref<32x100096xf32, #tpu.memory_space<vmem>>, vector<32x100096xf32>
    %reduce_sum3A = arith.constant dense<0.000000e+00> : vector<100096xf32>
    %reduce_sum3A_2 = vector.multi_reduction <add>, %get3A_1, %reduce_sum3A [0] : vector<32x100096xf32> to vector<100096xf32>
    %swap3A = arith.constant 0 : index
    %swap3A_3 = arith.constant 0 : index
    %swap3A_4 = vector.load %arg1[%swap3A, %swap3A_3] : memref<1x100096xf32, #tpu.memory_space<vmem>>, vector<1x100096xf32>
    %swap3A_5 = vector.shape_cast %swap3A_4 : vector<1x100096xf32> to vector<100096xf32>
    %swap3A_6 = vector.shape_cast %reduce_sum3A_2 : vector<100096xf32> to vector<1x100096xf32>
    tpu.vector_store %arg1[%swap3A, %swap3A_3], %swap3A_6 {strides = array<i32>} : memref<1x100096xf32, #tpu.memory_space<vmem>>, vector<1x100096xf32>,
    return
  }
}

module attributes {stable_mosaic.version = 14 : i64} {
  func.func @_prep_body(%arg0: memref<10x100000xf32, #tpu.memory_space<vmem>>, %arg1: memref<1x10xi32, #tpu.memory_space<vmem>>, %arg2: memref<87x4xf32, #tpu.memory_space<vmem>>, %arg3: memref<1x16384xi32, #tpu.memory_space<vmem>>, %arg4: memref<3x10x10xf32, #tpu.memory_space<vmem>>) attributes {dimension_semantics = [], scalar_prefetch = 0 : i64, scratch_operands = 0 : i64, tpu.core_type = #tpu.core_type<tc>} {
    %get3A = arith.constant 0 : index
    %get3A_0 = arith.constant 0 : index
    %get3A_1 = vector.load %arg0[%get3A, %get3A_0] : memref<10x100000xf32, #tpu.memory_space<vmem>>, vector<1x100000xf32>
    %get3A_2 = vector.shape_cast %get3A_1 : vector<1x100000xf32> to vector<100000xf32>
    %broadcast_in_dim3A = arith.constant 0 : i32
    %broadcast_in_dim3A_3 = vector.broadcast %broadcast_in_dim3A : i32 to vector<100000xi32>
    %get3A_4 = arith.constant 1 : index
    %get3A_5 = arith.constant 0 : index
    %get3A_6 = vector.load %arg0[%get3A_4, %get3A_5] : memref<10x100000xf32, #tpu.memory_space<vmem>>, vector<1x100000xf32>
    %get3A_7 = vector.shape_cast %get3A_6 : vector<1x100000xf32> to vector<100000xf32>
    %gt3A = arith.cmpf ogt, %get3A_7, %get3A_2 : vector<100000xf32>
    %jit3A = arith.constant 1 : i32
    %broadcast_in_dim3A_8 = vector.broadcast %jit3A : i32 to vector<100000xi32>
    %select_n3A = arith.select %gt3A, %broadcast_in_dim3A_8, %broadcast_in_dim3A_3 : vector<100000xi1>, vector<100000xi32>
    %select_n3A_9 = arith.select %gt3A, %get3A_7, %get3A_2 : vector<100000xi1>, vector<100000xf32>
    %get3A_10 = arith.constant 2 : index
    %get3A_11 = arith.constant 0 : index
    %get3A_12 = vector.load %arg0[%get3A_10, %get3A_11] : memref<10x100000xf32, #tpu.memory_space<vmem>>, vector<1x100000xf32>
    %get3A_13 = vector.shape_cast %get3A_12 : vector<1x100000xf32> to vector<100000xf32>
    %gt3A_14 = arith.cmpf ogt, %get3A_13, %select_n3A_9 : vector<100000xf32>
    %jit3A_15 = arith.constant 2 : i32
    %broadcast_in_dim3A_16 = vector.broadcast %jit3A_15 : i32 to vector<100000xi32>
    %select_n3A_17 = arith.select %gt3A_14, %broadcast_in_dim3A_16, %select_n3A : vector<100000xi1>, vector<100000xi32>
    %select_n3A_18 = arith.select %gt3A_14, %get3A_13, %select_n3A_9 : vector<100000xi1>, vector<100000xf32>
    %get3A_19 = arith.constant 3 : index
    %get3A_20 = arith.constant 0 : index
    %get3A_21 = vector.load %arg0[%get3A_19, %get3A_20] : memref<10x100000xf32, #tpu.memory_space<vmem>>, vector<1x100000xf32>
    %get3A_22 = vector.shape_cast %get3A_21 : vector<1x100000xf32> to vector<100000xf32>
    %gt3A_23 = arith.cmpf ogt, %get3A_22, %select_n3A_18 : vector<100000xf32>
    %jit3A_24 = arith.constant 3 : i32
    %broadcast_in_dim3A_25 = vector.broadcast %jit3A_24 : i32 to vector<100000xi32>
    %select_n3A_26 = arith.select %gt3A_23, %broadcast_in_dim3A_25, %select_n3A_17 : vector<100000xi1>, vector<100000xi32>
    %select_n3A_27 = arith.select %gt3A_23, %get3A_22, %select_n3A_18 : vector<100000xi1>, vector<100000xf32>
    %get3A_28 = arith.constant 4 : index
    %get3A_29 = arith.constant 0 : index
    %get3A_30 = vector.load %arg0[%get3A_28, %get3A_29] : memref<10x100000xf32, #tpu.memory_space<vmem>>, vector<1x100000xf32>
    %get3A_31 = vector.shape_cast %get3A_30 : vector<1x100000xf32> to vector<100000xf32>
    %gt3A_32 = arith.cmpf ogt, %get3A_31, %select_n3A_27 : vector<100000xf32>
    %jit3A_33 = arith.constant 4 : i32
    %broadcast_in_dim3A_34 = vector.broadcast %jit3A_33 : i32 to vector<100000xi32>
    %select_n3A_35 = arith.select %gt3A_32, %broadcast_in_dim3A_34, %select_n3A_26 : vector<100000xi1>, vector<100000xi32>
    %select_n3A_36 = arith.select %gt3A_32, %get3A_31, %select_n3A_27 : vector<100000xi1>, vector<100000xf32>
    %get3A_37 = arith.constant 5 : index
    %get3A_38 = arith.constant 0 : index
    %get3A_39 = vector.load %arg0[%get3A_37, %get3A_38] : memref<10x100000xf32, #tpu.memory_space<vmem>>, vector<1x100000xf32>
    %get3A_40 = vector.shape_cast %get3A_39 : vector<1x100000xf32> to vector<100000xf32>
    %gt3A_41 = arith.cmpf ogt, %get3A_40, %select_n3A_36 : vector<100000xf32>
    %jit3A_42 = arith.constant 5 : i32
    %broadcast_in_dim3A_43 = vector.broadcast %jit3A_42 : i32 to vector<100000xi32>
    %select_n3A_44 = arith.select %gt3A_41, %broadcast_in_dim3A_43, %select_n3A_35 : vector<100000xi1>, vector<100000xi32>
    %select_n3A_45 = arith.select %gt3A_41, %get3A_40, %select_n3A_36 : vector<100000xi1>, vector<100000xf32>
    %get3A_46 = arith.constant 6 : index
    %get3A_47 = arith.constant 0 : index
    %get3A_48 = vector.load %arg0[%get3A_46, %get3A_47] : memref<10x100000xf32, #tpu.memory_space<vmem>>, vector<1x100000xf32>
    %get3A_49 = vector.shape_cast %get3A_48 : vector<1x100000xf32> to vector<100000xf32>
    %gt3A_50 = arith.cmpf ogt, %get3A_49, %select_n3A_45 : vector<100000xf32>
    %jit3A_51 = arith.constant 6 : i32
    %broadcast_in_dim3A_52 = vector.broadcast %jit3A_51 : i32 to vector<100000xi32>
    %select_n3A_53 = arith.select %gt3A_50, %broadcast_in_dim3A_52, %select_n3A_44 : vector<100000xi1>, vector<100000xi32>
    %select_n3A_54 = arith.select %gt3A_50, %get3A_49, %select_n3A_45 : vector<100000xi1>, vector<100000xf32>
    %get3A_55 = arith.constant 7 : index
    %get3A_56 = arith.constant 0 : index
    %get3A_57 = vector.load %arg0[%get3A_55, %get3A_56] : memref<10x100000xf32, #tpu.memory_space<vmem>>, vector<1x100000xf32>
    %get3A_58 = vector.shape_cast %get3A_57 : vector<1x100000xf32> to vector<100000xf32>
    %gt3A_59 = arith.cmpf ogt, %get3A_58, %select_n3A_54 : vector<100000xf32>
    %jit3A_60 = arith.constant 7 : i32
    %broadcast_in_dim3A_61 = vector.broadcast %jit3A_60 : i32 to vector<100000xi32>
    %select_n3A_62 = arith.select %gt3A_59, %broadcast_in_dim3A_61, %select_n3A_53 : vector<100000xi1>, vector<100000xi32>
    %select_n3A_63 = arith.select %gt3A_59, %get3A_58, %select_n3A_54 : vector<100000xi1>, vector<100000xf32>
    %get3A_64 = arith.constant 8 : index
    %get3A_65 = arith.constant 0 : index
    %get3A_66 = vector.load %arg0[%get3A_64, %get3A_65] : memref<10x100000xf32, #tpu.memory_space<vmem>>, vector<1x100000xf32>
    %get3A_67 = vector.shape_cast %get3A_66 : vector<1x100000xf32> to vector<100000xf32>
    %gt3A_68 = arith.cmpf ogt, %get3A_67, %select_n3A_63 : vector<100000xf32>
    %jit3A_69 = arith.constant 8 : i32
    %broadcast_in_dim3A_70 = vector.broadcast %jit3A_69 : i32 to vector<100000xi32>
    %select_n3A_71 = arith.select %gt3A_68, %broadcast_in_dim3A_70, %select_n3A_62 : vector<100000xi1>, vector<100000xi32>
    %select_n3A_72 = arith.select %gt3A_68, %get3A_67, %select_n3A_63 : vector<100000xi1>, vector<100000xf32>
    %get3A_73 = arith.constant 9 : index
    %get3A_74 = arith.constant 0 : index
    %get3A_75 = vector.load %arg0[%get3A_73, %get3A_74] : memref<10x100000xf32, #tpu.memory_space<vmem>>, vector<1x100000xf32>
    %get3A_76 = vector.shape_cast %get3A_75 : vector<1x100000xf32> to vector<100000xf32>
    %gt3A_77 = arith.cmpf ogt, %get3A_76, %select_n3A_72 : vector<100000xf32>
    %jit3A_78 = arith.constant 9 : i32
    %broadcast_in_dim3A_79 = vector.broadcast %jit3A_78 : i32 to vector<100000xi32>
    %select_n3A_80 = arith.select %gt3A_77, %broadcast_in_dim3A_79, %select_n3A_71 : vector<100000xi1>, vector<100000xi32>
    %broadcast_in_dim3A_81 = arith.constant 0 : i32
    %broadcast_in_dim3A_82 = vector.broadcast %broadcast_in_dim3A_81 : i32 to vector<14688xi32>
    %concatenate3A = tpu.concatenate %select_n3A_80, %broadcast_in_dim3A_82 in 0 : vector<100000xi32>, vector<14688xi32> -> vector<114688xi32>
    %broadcast_in_dim3A_83 = arith.constant 0 : i32
    %broadcast_in_dim3A_84 = vector.broadcast %broadcast_in_dim3A_83 : i32 to vector<16384xi32>
    %slice3A = vector.extract_strided_slice %concatenate3A {offsets = [0], sizes = [16384], strides = [1]} : vector<114688xi32> to vector<16384xi32>
    %and3A = arith.constant 15 : i32
    %and3A_85 = vector.broadcast %and3A : i32 to vector<16384xi32>
    %and3A_86 = arith.andi %slice3A, %and3A_85 : vector<16384xi32>
    %shift_left3A = arith.constant 0 : i32
    %shift_left3A_87 = vector.broadcast %shift_left3A : i32 to vector<16384xi32>
    %shift_left3A_88 = arith.shli %and3A_86, %shift_left3A_87 : vector<16384xi32>
    %add3A = arith.addi %broadcast_in_dim3A_84, %shift_left3A_88 : vector<16384xi32>
    %slice3A_89 = vector.extract_strided_slice %concatenate3A {offsets = [16384], sizes = [16384], strides = [1]} : vector<114688xi32> to vector<16384xi32>
    %and3A_90 = arith.constant 15 : i32
    %and3A_91 = vector.broadcast %and3A_90 : i32 to vector<16384xi32>
    %and3A_92 = arith.andi %slice3A_89, %and3A_91 : vector<16384xi32>
    %shift_left3A_93 = arith.constant 4 : i32
    %shift_left3A_94 = vector.broadcast %shift_left3A_93 : i32 to vector<16384xi32>
    %shift_left3A_95 = arith.shli %and3A_92, %shift_left3A_94 : vector<16384xi32>
    %add3A_96 = arith.addi %add3A, %shift_left3A_95 : vector<16384xi32>
    %slice3A_97 = vector.extract_strided_slice %concatenate3A {offsets = [32768], sizes = [16384], strides = [1]} : vector<114688xi32> to vector<16384xi32>
    %and3A_98 = arith.constant 15 : i32
    %and3A_99 = vector.broadcast %and3A_98 : i32 to vector<16384xi32>
    %and3A_100 = arith.andi %slice3A_97, %and3A_99 : vector<16384xi32>
    %shift_left3A_101 = arith.constant 8 : i32
    %shift_left3A_102 = vector.broadcast %shift_left3A_101 : i32 to vector<16384xi32>
    %shift_left3A_103 = arith.shli %and3A_100, %shift_left3A_102 : vector<16384xi32>
    %add3A_104 = arith.addi %add3A_96, %shift_left3A_103 : vector<16384xi32>
    %slice3A_105 = vector.extract_strided_slice %concatenate3A {offsets = [49152], sizes = [16384], strides = [1]} : vector<114688xi32> to vector<16384xi32>
    %and3A_106 = arith.constant 15 : i32
    %and3A_107 = vector.broadcast %and3A_106 : i32 to vector<16384xi32>
    %and3A_108 = arith.andi %slice3A_105, %and3A_107 : vector<16384xi32>
    %shift_left3A_109 = arith.constant 12 : i32
    %shift_left3A_110 = vector.broadcast %shift_left3A_109 : i32 to vector<16384xi32>
    %shift_left3A_111 = arith.shli %and3A_108, %shift_left3A_110 : vector<16384xi32>
    %add3A_112 = arith.addi %add3A_104, %shift_left3A_111 : vector<16384xi32>
    %slice3A_113 = vector.extract_strided_slice %concatenate3A {offsets = [65536], sizes = [16384], strides = [1]} : vector<114688xi32> to vector<16384xi32>
    %and3A_114 = arith.constant 15 : i32
    %and3A_115 = vector.broadcast %and3A_114 : i32 to vector<16384xi32>
    %and3A_116 = arith.andi %slice3A_113, %and3A_115 : vector<16384xi32>
    %shift_left3A_117 = arith.constant 16 : i32
    %shift_left3A_118 = vector.broadcast %shift_left3A_117 : i32 to vector<16384xi32>
    %shift_left3A_119 = arith.shli %and3A_116, %shift_left3A_118 : vector<16384xi32>
    %add3A_120 = arith.addi %add3A_112, %shift_left3A_119 : vector<16384xi32>
    %slice3A_121 = vector.extract_strided_slice %concatenate3A {offsets = [81920], sizes = [16384], strides = [1]} : vector<114688xi32> to vector<16384xi32>
    %and3A_122 = arith.constant 15 : i32
    %and3A_123 = vector.broadcast %and3A_122 : i32 to vector<16384xi32>
    %and3A_124 = arith.andi %slice3A_121, %and3A_123 : vector<16384xi32>
    %shift_left3A_125 = arith.constant 20 : i32
    %shift_left3A_126 = vector.broadcast %shift_left3A_125 : i32 to vector<16384xi32>
    %shift_left3A_127 = arith.shli %and3A_124, %shift_left3A_126 : vector<16384xi32>
    %add3A_128 = arith.addi %add3A_120, %shift_left3A_127 : vector<16384xi32>
    %slice3A_129 = vector.extract_strided_slice %concatenate3A {offsets = [98304], sizes = [16384], strides = [1]} : vector<114688xi32> to vector<16384xi32>
    %and3A_130 = arith.constant 15 : i32
    %and3A_131 = vector.broadcast %and3A_130 : i32 to vector<16384xi32>
    %and3A_132 = arith.andi %slice3A_129, %and3A_131 : vector<16384xi32>
    %shift_left3A_133 = arith.constant 24 : i32
    %shift_left3A_134 = vector.broadcast %shift_left3A_133 : i32 to vector<16384xi32>
    %shift_left3A_135 = arith.shli %and3A_132, %shift_left3A_134 : vector<16384xi32>
    %add3A_136 = arith.addi %add3A_128, %shift_left3A_135 : vector<16384xi32>
    %swap3A = arith.constant 0 : index
    %swap3A_137 = arith.constant 0 : index
    %swap3A_138 = vector.load %arg3[%swap3A, %swap3A_137] : memref<1x16384xi32, #tpu.memory_space<vmem>>, vector<1x16384xi32>
    %swap3A_139 = vector.shape_cast %swap3A_138 : vector<1x16384xi32> to vector<16384xi32>
    %swap3A_140 = vector.shape_cast %add3A_136 : vector<16384xi32> to vector<1x16384xi32>
    tpu.vector_store %arg3[%swap3A, %swap3A_137], %swap3A_140 {strides = array<i32>} : memref<1x16384xi32, #tpu.memory_space<vmem>>, vector<1x16384xi32>,
    %get3A_141 = arith.constant 0 : index
    %get3A_142 = arith.constant 0 : index
    %get3A_143 = vector.load %arg1[%get3A_141, %get3A_142] : memref<1x10xi32, #tpu.memory_space<vmem>>, vector<1x10xi32>
    %get3A_144 = vector.shape_cast %get3A_143 : vector<1x10xi32> to vector<10xi32>
    %broadcast_in_dim3A_145 = vector.shape_cast %get3A_144 : vector<10xi32> to vector<10x1xi32>
    %iota3A = tpu.iota {dimensions = array<i32: 1>} : vector<10x87xi32>
    %eq3A = vector.broadcast %broadcast_in_dim3A_145 : vector<10x1xi32> to vector<10x87xi32>
    %eq3A_146 = arith.cmpi eq, %eq3A, %iota3A : vector<10x87xi32>
    %convert_element_type3A = arith.extui %eq3A_146 : vector<10x87xi1> to vector<10x87xi32>
    %convert_element_type3A_147 = arith.sitofp %convert_element_type3A : vector<10x87xi32> to vector<10x87xf32>
    %get3A_148 = arith.constant 0 : index
    %get3A_149 = arith.constant 0 : index
    %get3A_150 = vector.load %arg2[%get3A_148, %get3A_149] : memref<87x4xf32, #tpu.memory_space<vmem>>, vector<87x4xf32>
    %dot_general3A = arith.constant dense<0.000000e+00> : vector<10x4xf32>
    %dot_general3A_151 = tpu.matmul %convert_element_type3A_147, %get3A_150, %dot_general3A {dimension_numbers = #tpu.dot_dimension_numbers<[1], [0], [0], [1], [0, 0, 1, 1], [], []>, transpose_lhs_hint = false} : vector<10x87xf32>, vector<87x4xf32>, vector<10x4xf32> -> vector<10x4xf32>
    %slice3A_152 = vector.extract_strided_slice %dot_general3A_151 {offsets = [0, 3], sizes = [10, 1], strides = [1, 1]} : vector<10x4xf32> to vector<10x1xf32>
    %squeeze3A = vector.shape_cast %slice3A_152 : vector<10x1xf32> to vector<10xf32>
    %slice3A_153 = vector.extract_strided_slice %dot_general3A_151 {offsets = [0, 2], sizes = [10, 1], strides = [1, 1]} : vector<10x4xf32> to vector<10x1xf32>
    %squeeze3A_154 = vector.shape_cast %slice3A_153 : vector<10x1xf32> to vector<10xf32>
    %broadcast_in_dim3A_155 = vector.shape_cast %squeeze3A : vector<10xf32> to vector<10x1xf32>
    %broadcast_in_dim3A_156 = vector.shape_cast %squeeze3A : vector<10xf32> to vector<1x10xf32>
    %mul3A = vector.broadcast %broadcast_in_dim3A_155 : vector<10x1xf32> to vector<10x10xf32>
    %mul3A_157 = vector.broadcast %broadcast_in_dim3A_156 : vector<1x10xf32> to vector<10x10xf32>
    %mul3A_158 = arith.mulf %mul3A, %mul3A_157 : vector<10x10xf32>
    %sqrt3A = math.sqrt %mul3A_158 : vector<10x10xf32>
    %broadcast_in_dim3A_159 = vector.shape_cast %squeeze3A_154 : vector<10xf32> to vector<10x1xf32>
    %broadcast_in_dim3A_160 = vector.shape_cast %squeeze3A_154 : vector<10xf32> to vector<1x10xf32>
    %mul3A_161 = vector.broadcast %broadcast_in_dim3A_159 : vector<10x1xf32> to vector<10x10xf32>
    %mul3A_162 = vector.broadcast %broadcast_in_dim3A_160 : vector<1x10xf32> to vector<10x10xf32>
    %mul3A_163 = arith.mulf %mul3A_161, %mul3A_162 : vector<10x10xf32>
    %sqrt3A_164 = math.sqrt %mul3A_163 : vector<10x10xf32>
    %sqrt3A_165 = math.sqrt %sqrt3A_164 : vector<10x10xf32>
    %mul3A_166 = arith.constant 4.000000e-01 : f32
    %mul3A_167 = vector.broadcast %mul3A_166 : f32 to vector<10x10xf32>
    %mul3A_168 = arith.mulf %mul3A_167, %sqrt3A_165 : vector<10x10xf32>
    %add3A_169 = arith.constant 4.000000e+00 : f32
    %add3A_170 = vector.broadcast %add3A_169 : f32 to vector<10x10xf32>
    %add3A_171 = arith.addf %mul3A_168, %add3A_170 : vector<10x10xf32>
    %mul3A_172 = arith.mulf %add3A_171, %add3A_171 : vector<10x10xf32>
    %mul3A_173 = arith.mulf %mul3A_172, %mul3A_172 : vector<10x10xf32>
    %mul3A_174 = arith.mulf %mul3A_173, %mul3A_173 : vector<10x10xf32>
    %mul3A_175 = arith.mulf %mul3A_174, %mul3A_173 : vector<10x10xf32>
    %mul3A_176 = arith.mulf %mul3A_175, %mul3A_172 : vector<10x10xf32>
    %mul3A_177 = arith.constant 6.000000e+00 : f32
    %mul3A_178 = vector.broadcast %mul3A_177 : f32 to vector<10x10xf32>
    %mul3A_179 = arith.mulf %mul3A_178, %mul3A_176 : vector<10x10xf32>
    %mul3A_180 = arith.mulf %sqrt3A_164, %sqrt3A_164 : vector<10x10xf32>
    %mul3A_181 = arith.mulf %mul3A_180, %mul3A_180 : vector<10x10xf32>
    %mul3A_182 = arith.mulf %mul3A_181, %mul3A_180 : vector<10x10xf32>
    %mul3A_183 = arith.constant -5.000000e-01 : f32
    %mul3A_184 = vector.broadcast %mul3A_183 : f32 to vector<10x10xf32>
    %mul3A_185 = arith.mulf %mul3A_184, %sqrt3A : vector<10x10xf32>
    %stack3A = vector.shape_cast %mul3A_185 : vector<10x10xf32> to vector<1x10x10xf32>
    %stack3A_186 = vector.shape_cast %mul3A_179 : vector<10x10xf32> to vector<1x10x10xf32>
    %stack3A_187 = vector.shape_cast %mul3A_182 : vector<10x10xf32> to vector<1x10x10xf32>
    %stack3A_188 = tpu.concatenate %stack3A, %stack3A_186, %stack3A_187 in 0 : vector<1x10x10xf32>, vector<1x10x10xf32>, vector<1x10x10xf32> -> vector<3x10x10xf32>
    %swap3A_189 = arith.constant 0 : index
    %swap3A_190 = arith.constant 0 : index
    %swap3A_191 = arith.constant 0 : index
    %swap3A_192 = vector.load %arg4[%swap3A_189, %swap3A_190, %swap3A_191] : memref<3x10x10xf32, #tpu.memory_space<vmem>>, vector<3x10x10xf32>
    tpu.vector_store %arg4[%swap3A_189, %swap3A_190, %swap3A_191], %stack3A_188 {strides = array<i32>} : memref<3x10x10xf32, #tpu.memory_space<vmem>>, vector<3x10x10xf32>,
    return
  }
}

</mosaic_0001>

<sc_bundles>
// kernel: kernel.5.cloned.1.call-start
scs
__scs_entry_jumppad:
0x0: {  	(pc) =	sbr.rel $0x88, $3  }
0x1: {  	(tag) =	ssettag $0x0;
	lr =	simm.s32 $0x1  }
0x2: {  	[smem:$0x3F9C] =	sst lr;
	_ =	strace $0xD0000000  }
0x3: {  	_ = 	snop  }
0x4: {  	_ = 	snop  }
0x5: {  	_ = 	snop  }
0x6: {  	_ = 	snop  }
0x7: {  	_ = 	snop  }
__scs_overlays_trampoline_lowered:
0x8: {  	[smem:$0x3FAB] =	sst s0  }
0x9: {  	[smem:$0x3FAC] =	sst s1  }
0xa: {  	[smem:$0x3FAD] =	sst s2  }
0xb: {  	[smem:$0x3FAE] =	sst s3  }
0xc: {  	[smem:$0x3FAF] =	sst s4  }
0xd: {  	[smem:$0x3FB0] =	sst s5  }
0xe: {  	[smem:$0x3FB1] =	sst s6  }
0xf: {  	[smem:$0x3FB2] =	sst s7  }
0x10: {  	[smem:$0x3FB3] =	sst s8  }
0x11: {  	[smem:$0x3FB4] =	sst s9;
	s0 =	simm.s32 @!p0 $0x0  }
0x12: {  	s1 =	sld [smem:$0x3F9A];
	s0 =	simm.s32 @p0 $0x1  }
0x13: {  	[smem:$0x3FB5] =	sst s0;
	s0 =	simm.s32 @!p1 $0x0  }
0x14: {  	s2 =	sld [smem:$0x3F99];
	s0 =	simm.s32 @p1 $0x1  }
0x15: {  	[smem:$0x3FB6] =	sst s0;
	s0 =	simm.s32 @!p2 $0x0  }
0x16: {  	s3 =	sld [smem:$0x3FDB];
	s0 =	simm.s32 @p2 $0x1  }
0x17: {  	s4 =	simm.s32 $0x1BF5;
	[smem:$0x3FB8] =	sst s0  }
0x18: {  	s0 =	sld [smem:$0x3F9B];
	_ =	swait.ge [sflag:s4], $0x0  }
0x19: {  	s7 =	sld [smem:$0x3F9C]  }
0x1a: {  	s8 =	sadd.s32 $0xFFFFE003, lr  }
0x1b: {  	s9 =	sadd.s32 $0xFFFFFEF7, lr;
	s5 =	simm.s32 $0xFFFFFFFF;
	p2 =	slt.u32 s8, $0xFFFFF086  }
0x1c: {  	p1 =	slt.u32 s9, $0xF7A;
	s5 =	simm.s32 @!p2 $0x0  }
0x1d: {  	s5 =	simm.s32 @p1 $0x1;
	p0 =	seq.s32 s7, s2  }
0x1e: {  	s7 =	smul.u32 @!p0 $0xF7A, s2;
	p2 =	seq.s32 @!p0 s5, $0x0  }
0x1f: {  	s9 =	smul.u32 $0xF7A, s1;
	s8 =	simm.s32 @!p0 $0x1BF5;
	p2 =	por !p2, p0  }
0x20: {  	[sflag:s8] =	ssyncset.s32 @!p0 $0xFFFFF086;
	s6 =	sadd.s32 @!p0 s3, s7;
	s7 =	simm.s32 @!p0 $0x108  }
0x21: {  	s3 =	sadd.s32 s3, s9;
	s6 =	sadd.s32 @!p0 $0x88, s6;
	s7 =	simm.s32 @p2 $0x1082  }
0x22: {  	[simem:s7], [sflag:s8] =	dma.local @!p0 [hbm:s6], $0xF7A  }
0x23: {  	s9 =	sor.u32 $0xD0000000, s2;
	s6 =	simm.s32 $0x108;
	_ =	swait.ge @!p0 [sflag:s8], $0x0  }
0x24: {  	s3 =	sadd.s32 $0x88, s3;
	s6 =	simm.s32 @!p1 $0x1082;
	[sflag:s4] =	ssyncset.s32 $0xFFFFF086  }
0x25: {  	[simem:s6], [sflag:s4] =	dma.local [hbm:s3], $0xF7A  }
0x26: {  	[smem:$0x3F9C] =	sst s1;
	(tag) =	ssettag s2;
	_ =	strace s9  }
0x27: {  	s1 =	sld [smem:$0x3FAC]  }
0x28: {  	s2 =	sld [smem:$0x3FAD]  }
0x29: {  	s4 =	sld [smem:$0x3FAF]  }
0x2a: {  	p0 =	seq.s32 s5, $0x0;
	s5 =	sld [smem:$0x3FB0]  }
0x2b: {  	s6 =	sld [smem:$0x3FB1]  }
0x2c: {  	s7 =	sld [smem:$0x3FB2]  }
0x2d: {  	s3 =	simm.s32 $0x108;
	s8 =	sld [smem:$0x3FB3]  }
0x2e: {  	s3 =	simm.s32 @!p0 $0x1082;
	s9 =	sld [smem:$0x3FB4]  }
0x2f: {  	lr =	sadd.s32 s0, s3;
	s0 =	sld [smem:$0x3FAB]  }
0x30: {  	s3 =	sld [smem:$0x3FAE]  }
0x31: {  	[smem:$0x3FB7] =	sst s10  }
0x32: {  	s10 =	sld [smem:$0x3FB5];
	_ =	sdelay $0x3  }
0x33: {  	p0 =	seq.s32 s10, $0x1;
	s10 =	sld [smem:$0x3FB7];
	_ =	sdelay $0x3  }
0x34: {  	[smem:$0x3FB7] =	sst s10  }
0x35: {  	s10 =	sld [smem:$0x3FB6];
	_ =	sdelay $0x3  }
0x36: {  	p1 =	seq.s32 s10, $0x1;
	s10 =	sld [smem:$0x3FB7];
	_ =	sdelay $0x3  }
0x37: {  	[smem:$0x3FB7] =	sst s10  }
0x38: {  	s10 =	sld [smem:$0x3FB8]  }
0x39: {  	_ = 	snop;
	(pc) =	sbr.ind lr, $3  }
0x3a: {  	_ = 	snop  }
0x3b: {  	_ = 	snop  }
0x3c: {  	p2 =	seq.s32 s10, $0x1;
	s10 =	sld [smem:$0x3FB7]  }
0x3d: {  	_ =	shalt  }
0x3e: {  	_ =	shalt  }
0x3f: {  	_ =	shalt  }
0x40: {  	_ =	shalt  }
0x41: {  	_ =	shalt  }
0x42: {  	_ =	shalt  }
0x43: {  	_ =	shalt  }
0x44: {  	_ =	shalt  }
0x45: {  	_ =	shalt  }
0x46: {  	_ =	shalt  }
0x47: {  	_ =	shalt  }
0x48: {  	_ =	shalt  }
0x49: {  	_ =	shalt  }
0x4a: {  	_ =	shalt  }
0x4b: {  	_ =	shalt  }
0x4c: {  	_ =	shalt  }
0x4d: {  	_ =	shalt  }
0x4e: {  	_ =	shalt  }
0x4f: {  	_ =	shalt  }
0x50: {  	_ =	shalt  }
0x51: {  	_ =	shalt  }
0x52: {  	_ =	shalt  }
0x53: {  	_ =	shalt  }
0x54: {  	_ =	shalt  }
0x55: {  	_ =	shalt  }
0x56: {  	_ =	shalt  }
0x57: {  	_ =	shalt  }
0x58: {  	_ =	shalt  }
0x59: {  	_ =	shalt  }
0x5a: {  	_ =	shalt  }
0x5b: {  	_ =	shalt  }
0x5c: {  	_ =	shalt  }
0x5d: {  	_ =	shalt  }
0x5e: {  	_ =	shalt  }
0x5f: {  	_ =	shalt  }
0x60: {  	_ =	shalt  }
0x61: {  	_ =	shalt  }
0x62: {  	_ =	shalt  }
0x63: {  	_ =	shalt  }
0x64: {  	_ =	shalt  }
0x65: {  	_ =	shalt  }
0x66: {  	_ =	shalt  }
0x67: {  	_ =	shalt  }
0x68: {  	_ =	shalt  }
0x69: {  	_ =	shalt  }
0x6a: {  	_ =	shalt  }
0x6b: {  	_ =	shalt  }
0x6c: {  	_ =	shalt  }
0x6d: {  	_ =	shalt  }
0x6e: {  	_ =	shalt  }
0x6f: {  	_ =	shalt  }
0x70: {  	_ =	shalt  }
0x71: {  	_ =	shalt  }
0x72: {  	_ =	shalt  }
0x73: {  	_ =	shalt  }
0x74: {  	_ =	shalt  }
0x75: {  	_ =	shalt  }
0x76: {  	_ =	shalt  }
0x77: {  	_ =	shalt  }
0x78: {  	_ =	shalt  }
0x79: {  	_ =	shalt  }
0x7a: {  	_ =	shalt  }
0x7b: {  	_ =	shalt  }
0x7c: {  	_ =	shalt  }
0x7d: {  	_ =	shalt  }
0x7e: {  	_ =	shalt  }
0x7f: {  	_ =	shalt  }
0x80: {  	_ =	shalt  }
0x81: {  	_ =	shalt  }
0x82: {  	_ =	shalt  }
0x83: {  	_ =	shalt  }
0x84: {  	_ =	shalt  }
0x85: {  	_ =	shalt  }
0x86: {  	_ =	shalt  }
0x87: {  	_ =	shalt  }
.Lfunc_end0:
.L_simem_size_0:
called_computation_lowered:
.L_overlay_start_0:
0x88: {  	s2 =	sld [smem:$0x3FD9]  }
0x89: {  	s3 =	sld [smem:$0x3FFE];
	_ =	sdelay $0x1  }
0x8a: {  	s1 =	srdreg.scid  }
0x8b: {  	s0 =	sand.u32 $0x1, s1  }
0x8c: {  	s17 =	sshll.u32 s0, $0xA;
	s2 =	sadd.s32 s3, s2  }
0x8d: {  	s2 =	sadd.s32 s2, s17  }
0x8e: {  	[smem:$0x3FC3] =	sst s2  }
0x8f: {  	_ = 	snop  }
0x90: {  	s2 =	sld [smem:$0x3FC9]  }
0x91: {  	s18 =	sld [smem:$0x3FD0];
	(tm) =	ssettm $0x1  }
0x92: {  	s4 =	sld [smem:$0x3FFB];
	_ =	sdelay $0x3  }
0x93: {  	_ =	strace s4  }
0x94: {  	s4 =	sld [smem:$0x3FFC];
	_ =	sdelay $0x3  }
0x95: {  	_ =	strace s4  }
0x96: {  	s4 =	sld [smem:$0x3FFD];
	_ =	sdelay $0x3  }
0x97: {  	_ =	strace s4  }
0x98: {  	_ =	strace $0x8FFFFFFF  }
0x99: {  	s19 =	sld [smem:$0x3FDB];
	_ =	sdelay $0x1  }
0x9a: {  	s5 =	simm.s32 $_scs_section_size  }
0x9b: {  	s6 =	simm.s32 $_size__tile_overlayer_lowered;
	s7 =	simm.s32 $_tile_overlayer_lowered  }
0x9c: {  	s22 =	simm.s32 $0x1BFF;
	s21 =	sshll.u32 s7, $0x1;
	s4 =	sadd.s32 s5, s19  }
0x9d: {  	s8 =	simm.s32 $0x0;
	s20 =	sshll.u32 s6, $0x1;
	s6 =	sadd.s32 s21, s4  }
0x9e: {  	[timem:s8], [sflag:s22] =	dma.local [hbm:s6], s20  }
0x9f: {  	_ =	swait.ge [sflag:s22], s20  }
0xa0: {  	s5 =	ssub.s32 $0x0, s20;
	[sflag:s22] =	ssyncset.done $0x0  }
0xa1: {  	[sflag:s22] =	ssyncadd.s32 s5;
	_ =	sdelay $0x1  }
0xa2: {  	s23 =	simm.s32 $0x1B8B  }
0xa3: {  	_ =	swait.ge [sflag:s23], $0x1  }
0xa4: {  	[sflag:s23] =	ssyncset.done $0x0  }
0xa5: {  	s25 =	simm.s32 $0x1B8E;
	s24 =	sld [smem:$0x3FFE];
	[sflag:s23] =	ssyncadd.s32 $0xFFFFFFFF  }
0xa6: {  	s26 =	simm.s32 $execute0_lowered;
	[smem:$0x3FD2] =	sst s25  }
0xa7: {  	s6 =	sshll.u32 s26, $0x1;
	_ =	strace $0x80000046;
	[dreg:$0x1] =	wrdreg $0xFFFFFFFF  }
0xa8: {  	s28 =	simm.s32 $_size_execute0_lowered;
	s4 =	sadd.s32 s4, s6;
	[dreg:$0x0] =	wrdreg $0x0  }
0xa9: {  	s6 =	sshll.u32 s28, $0x1;
	[dreg:$0x2] =	wrdreg s4  }
0xaa: {  	[dreg:$0x3] =	wrdreg s6  }
0xab: {  	[dreg:$0x4] =	wrdreg $0xC0  }
0xac: {  	_ =	task [dreg:s8], $0x5FFFF  }
0xad: {  	[dreg:$0x1] =	wrdreg $0xFFFFFFFF  }
0xae: {  	[dreg:$0x0] =	wrdreg $0x60  }
0xaf: {  	[dreg:$0x2] =	wrdreg s24  }
0xb0: {  	[dreg:$0x3] =	wrdreg s2  }
0xb1: {  	[dreg:$0x4] =	wrdreg s18  }
0xb2: {  	[dreg:$0x5] =	wrdreg $0x9  }
0xb3: {  	_ =	task.clear_ibuf [dreg:s8], $0x6FFFF;
	_ =	strace $0x90000046  }
0xb4: {  	s29 =	simm.s32 $0x9;
	_ =	strace $0x80000048  }
0xb5: {  	_ =	swait.ge [sflag:s29], $0x1  }
0xb6: {  	[sflag:s29] =	ssyncadd.s32 $0xFFFFFFFF  }
0xb7: {  	_ =	strace $0x90000048  }
0xb8: {  	_ =	sfence  }
0xb9: {  	s30 =	sld [smem:$0x0];
	_ =	sdelay $0x2  }
0xba: {  	s31 =	sshll.u32 s1, $0xD;
	s1 =	sshrl.u32 s1, $0x2  }
0xbb: {  	s3 =	sand.u32 $0x4000, s31;
	s1 =	sadd.s32 s1, s30  }
0xbc: {  	s0 =	sor.u32 s3, s0;
	s1 =	sshll.u32 s1, $0x11  }
0xbd: {  	s0 =	sor.u32 s1, s0  }
0xbe: {  	s0 =	sadd.s32 $0x8F2B, s0  }
0xbf: {  	[sflag:s0] =	ssyncadd.remote.s32 $0x1  }
0xc0: {  	_ =	sfence.sel $0xFFFF  }
0xc1: {  	[dreg:$0x0] =	wrdreg $0xFFFFFFFF;
	(pc) =	sbr.abs _section_cstart, $3  }
0xc2: {  	[dreg:$0x1] =	wrdreg $0xFFFFFFFF  }
0xc3: {  	_ =	task.clear_ibuf [dreg:s8], $0x2FFFF;
	_ =	strace $0x9FFFFFFF  }
0xc4: {  	(tm) =	ssettm $0x7FFFFFFF  }
0xc5: {  	_ =	shalt  }
tec
execute0_lowered:
.L_overlay_start_1:
0x0: {  	(tag) =	ssettag $0x1  }
0x1: {  	s0 =	rddreg [dreg:$0x0]  }
0x2: {  	s1 =	rddreg [dreg:$0x1];
	s4 =	simm.s32 $0x0;
	s2 =	srdreg.scid  }
0x3: {  	s3 =	stileid.u32;
	s28 =	simm.s32 $0x4000;
	s29 =	simm.s32 $0x4080  }
0x4: {  	s30 =	simm.s32 $0x4100;
	s31 =	simm.s32 $0x1;
	s20 =	simm.s32 $0x0  }
0x5: {  	[smem:$0x7FF] =	sst s4;
	s2 =	sand.u32 $0x1, s2;
	s3 =	sshll.u32 s3, $0x1  }
0x6: {  	s6 =	sadd.s32 $0xA00, s0;
	s7 =	sadd.s32 $0x800, s0;
	s14 =	sadd.s32 $0x810, s0  }
0x7: {  	s15 =	sadd.s32 $0x820, s0;
	_ =	strace $0x80000047;
	s5 =	sor.u32 s2, s3  }
0x8: {  	s2 =	ssub.s32 $0x2, s2;
	[dreg:$0x4] =	wrdreg s7;
	s3 =	smul.u32 $0x30E0, s5  }
0x9: {  	s24 =	sshrl.u32 s2, $0x1;
	s11 =	sshll.u32 s5, $0x7;
	s16 =	sor.u32 $0x20, s5  }
0xa: {  	s17 =	sor.u32 $0x40, s5;
	s2 =	ssub.s32 s2, s24;
	s8 =	sadd.s32 s6, s11  }
.Ltmp0:
0xb: {  	s10 =	sadd.s32 s1, s11;
	s26 =	sor.u32 $0x1000, s11;
	(pc) =	sbr.rel .LBB2_1-.Ltmp0, $4  }
0xc: {  	s3 =	sadd.s32 s3, s0;
	s25 =	sadd.s32 $0x61A80, s8;
	s11 =	sadd.s32 s6, s26  }
0xd: {  	s12 =	sadd.s32 $0x62A80, s8;
	s13 =	sadd.s32 s1, s26;
	s19 =	smax.u32 s2, $0x1  }
0xe: {  	s26 =	simm.s32 $0x4;
	s0 =	simm.s32 $0x6580;
	s2 =	simm.s32 $0x2  }
0xf: {  	v0 =	vimm.f32 $0.0e+00;
	[dreg:$0x5] =	wrdreg s25;
	s18 =	sadd.s32 $0xC4000, s3;
	s3 =	simm.s32 $0x3  }
.LBB2_15:
0x10: {  	s20 =	sadd.s32 $0x1, s20  }
0x11: {  	p0 =	sne.s32 s20, s19  }
.Ltmp1:
0x12: {  	_ = 	snop;
	(pc) =	sbr.rel @!p0 .LBB2_16-.Ltmp1, $4  }
0x13: {  	[hbm4b:s18+s4] =	stream.linear.scatter [tilespmem:s0], [sflag:$0x4], $0x18700, $0x38;
	[tilespmem:$0x1EC80] =	vst v63  }
0x14: {  	_ =	swait.ge [sflag:s26], $0x18700  }
0x15: {  	[sflag:s26] =	ssyncset.done $0x0  }
0x16: {  	v0 =	vimm.f32 $0.0e+00;
	[sflag:s26] =	ssyncadd.s32 $0xFFFE7900  }
.LBB2_1:
0x17: {  	s7 =	simm.s32 $0x4180  }
0x18: {  	[tilespmem:s7], [sflag:$0x1] =	stream.linear.gather [hbm4b:s8+s4], $0x400, $0x38;
	[tilespmem:$0x1EC80] =	vst v63  }
0x19: {  	s25 =	rddreg [dreg:$0x5];
	s9 =	simm.s32 $0x4580  }
0x1a: {  	[tilespmem:s9], [sflag:$0x1] =	stream.linear.gather [hbm4b:s25+s4], $0x400, $0x38;
	[tilespmem:$0x1EC80] =	vst v63  }
0x1b: {  	s9 =	simm.s32 $0x4980  }
0x1c: {  	[tilespmem:s9], [sflag:$0x1] =	stream.linear.gather [hbm4b:s10+s4], $0x400, $0x38;
	[tilespmem:$0x1EC80] =	vst v63  }
0x1d: {  	s21 =	simm.s32 $0x4D80  }
0x1e: {  	[tilespmem:s21], [sflag:$0x2] =	stream.linear.gather [hbm4b:s11+s4], $0x400, $0x38;
	[tilespmem:$0x1EC80] =	vst v63  }
0x1f: {  	s22 =	simm.s32 $0x5180  }
0x20: {  	[tilespmem:s22], [sflag:$0x2] =	stream.linear.gather [hbm4b:s12+s4], $0x400, $0x38;
	[tilespmem:$0x1EC80] =	vst v63  }
0x21: {  	s23 =	simm.s32 $0x5580  }
0x22: {  	[tilespmem:s23], [sflag:$0x2] =	stream.linear.gather [hbm4b:s13+s4], $0x400, $0x38;
	[tilespmem:$0x1EC80] =	vst v63  }
0x23: {  	s24 =	rddreg [dreg:$0x2]  }
0x24: {  	[tilespmem:s4], [sflag:$0x4] =	stream.linear.gather [hbm4b:s24+s4], $0x4000, $0x38;
	[tilespmem:$0x1EC80] =	vst v63  }
0x25: {  	_ =	swait.ge [sflag:s26], $0x4000  }
0x26: {  	[sflag:s26] =	ssyncset.done $0x0  }
0x27: {  	s25 =	rddreg [dreg:$0x4];
	[sflag:s26] =	ssyncadd.s32 $0xFFFFC000  }
0x28: {  	[tilespmem:s28], [sflag:$0x4] =	stream.linear.gather [hbm4b:s25+s4], $0x80, $0x38;
	[tilespmem:$0x1EC80] =	vst v63  }
0x29: {  	_ =	swait.ge [sflag:s26], $0x80  }
0x2a: {  	[sflag:s26] =	ssyncset.done $0x0  }
0x2b: {  	[sflag:s26] =	ssyncadd.s32 $0xFFFFFF80  }
0x2c: {  	[tilespmem:s29], [sflag:$0x4] =	stream.linear.gather [hbm4b:s14+s4], $0x80, $0x38;
	[tilespmem:$0x1EC80] =	vst v63  }
0x2d: {  	_ =	swait.ge [sflag:s26], $0x80  }
0x2e: {  	[sflag:s26] =	ssyncset.done $0x0  }
0x2f: {  	[sflag:s26] =	ssyncadd.s32 $0xFFFFFF80  }
0x30: {  	[tilespmem:s30], [sflag:$0x4] =	stream.linear.gather [hbm4b:s15+s4], $0x80, $0x38;
	[tilespmem:$0x1EC80] =	vst v63  }
0x31: {  	_ =	swait.ge [sflag:s26], $0x80  }
0x32: {  	[sflag:s26] =	ssyncset.done $0x0  }
0x33: {  	s7 =	simm.s32 $0x65C0;
	[sflag:s26] =	ssyncadd.s32 $0xFFFFFF80  }
0x34: {  	[tilespmem:s7+$0xFFFFFFC0] =	vst v0  }
0x35: {  	[tilespmem:s7+$0x30] =	vst v0  }
0x36: {  	[tilespmem:s7+$0x20] =	vst v0  }
0x37: {  	[tilespmem:s7+$0x10] =	vst v0  }
0x38: {  	[tilespmem:s7+$0x0] =	vst v0  }
0x39: {  	[tilespmem:s7+$0xFFFFFFF0] =	vst v0  }
0x3a: {  	s21 =	simm.s32 $0x0;
	[tilespmem:s7+$0xFFFFFFE0] =	vst v0  }
.LBB2_2:
0x3b: {  	s21 =	sadd.s32 $0x80, s21;
	[tilespmem:s7+$0xFFFFFFD0] =	vst v0;
	s7 =	sadd.s32 $0x80, s7  }
0x3c: {  	[tilespmem:s7+$0xFFFFFFC0] =	vst v0;
	p0 =	slt.u32 s21, $0x18680  }
0x3d: {  	[tilespmem:s7+$0x30] =	vst v0  }
.Ltmp2:
0x3e: {  	[tilespmem:s7+$0x20] =	vst v0;
	(pc) =	sbr.rel @p0 .LBB2_2-.Ltmp2, $4  }
0x3f: {  	[tilespmem:s7+$0x10] =	vst v0  }
0x40: {  	[tilespmem:s7+$0x0] =	vst v0  }
0x41: {  	[tilespmem:s7+$0xFFFFFFF0] =	vst v0  }
0x42: {  	[tilespmem:s7+$0xFFFFFFE0] =	vst v0  }
.Ltmp3:
0x43: {  	(pc) =	sbr.rel .LBB2_4-.Ltmp3, $2  }
0x44: {  	_ =	sdelay $0x2  }
0x45: {  	[tilespmem:s7+$0xFFFFFFD0] =	vst v0;
	s21 =	simm.s32 $0x0  }
.LBB2_14:
0x46: {  	s21 =	sadd.s32 $0x1, s21  }
0x47: {  	p0 =	sne.s32 s21, $0x21  }
.Ltmp4:
0x48: {  	_ = 	snop;
	(pc) =	sbr.rel @!p0 .LBB2_15-.Ltmp4, $1  }
0x49: {  	_ =	sdelay $0x3  }
.LBB2_4:
0x4a: {  	_ =	swait.ge [sflag:s31], $0x400  }
0x4b: {  	s22 =	smul.u32 $0x60, s21;
	[sflag:s31] =	ssyncset.done $0x0  }
0x4c: {  	[sflag:s31] =	ssyncadd.s32 $0xFFFFFC00  }
0x4d: {  	s7 =	sor.u32 s5, s22;
	_ =	swait.ge [sflag:s31], $0x400  }
0x4e: {  	p0 =	sgt.u32 s7, $0xBF4;
	[sflag:s31] =	ssyncset.done $0x0  }
0x4f: {  	s7 =	sshll.u32 @!p0 s7, $0x7;
	[sflag:s31] =	ssyncadd.s32 $0xFFFFFC00  }
0x50: {  	s25 =	simm.s32 @!p0 $0x0;
	s7 =	sand.u32 @!p0 $0x1FFFFF80, s7;
	_ =	swait.ge [sflag:s31], $0x400  }
0x51: {  	s9 =	simm.s32 @!p0 $0x5980;
	s23 =	sadd.s32 @!p0 $0x2000, s7;
	[sflag:s31] =	ssyncset.done $0x0  }
0x52: {  	s7 =	sadd.s32 @!p0 s6, s7;
	s24 =	sadd.s32 @!p0 s6, s23;
	[sflag:s31] =	ssyncadd.s32 $0xFFFFFC00  }
0x53: {  	[tilespmem:s9], [sflag:$0x3] =	stream.linear.gather @!p0 [hbm4b:s24+s25], $0x400, $0x38;
	[tilespmem:$0x1EC80] =	vst v63  }
0x54: {  	s7 =	sadd.s32 @!p0 $0x63A80, s7;
	s9 =	simm.s32 @!p0 $0x5D80  }
0x55: {  	[tilespmem:s9], [sflag:$0x3] =	stream.linear.gather @!p0 [hbm4b:s7+s25], $0x400, $0x38;
	[tilespmem:$0x1EC80] =	vst v63  }
0x56: {  	s7 =	sadd.s32 @!p0 s1, s23;
	s9 =	simm.s32 @!p0 $0x6180  }
0x57: {  	[tilespmem:s9], [sflag:$0x3] =	stream.linear.gather @!p0 [hbm4b:s7+s25], $0x400, $0x38;
	[tilespmem:$0x1EC80] =	vst v63  }
0x58: {  	s9 =	simm.s32 $0x41C0  }
0x59: {  	s23 =	simm.s32 $0x45C0;
	v1 =	vld [tilespmem:s9+$0x30]  }
0x5a: {  	v4 =	vld [tilespmem:s23+$0x30]  }
0x5b: {  	v2 =	vld [tilespmem:s9+$0xFFFFFFD0]  }
0x5c: {  	v3 =	vld [tilespmem:s9+$0xFFFFFFE0]  }
0x5d: {  	v5 =	vld [tilespmem:s9+$0xFFFFFFF0]  }
0x5e: {  	v7 =	vld [tilespmem:s9+$0x0]  }
0x5f: {  	v8 =	vld [tilespmem:s9+$0x10]  }
0x60: {  	v10 =	vld [tilespmem:s9+$0x20]  }
0x61: {  	v11 =	vld [tilespmem:s9+$0xFFFFFFC0]  }
0x62: {  	v16 =	vld [tilespmem:s23+$0xFFFFFFC0]  }
0x63: {  	v17 =	vld [tilespmem:s23+$0xFFFFFFD0]  }
0x64: {  	v18 =	vld [tilespmem:s23+$0xFFFFFFE0]  }
0x65: {  	v19 =	vld [tilespmem:s23+$0xFFFFFFF0];
	v6 =	vand.u32 $0x3FFF, v1;
	v9 =	vand.u32 $0x3FFF, v4  }
0x66: {  	v61 =	vld [tilespmem:s23+$0x0];
	v12 =	vand.u32 $0x3FFF, v2;
	v2 =	vshrl.u32 v2, $0xC;
	v13 =	vshrl.u32 v3, $0xC  }
0x67: {  	v63 =	vld [tilespmem:s23+$0x10];
	v15 =	vand.u32 $0x3FFF, v3;
	v54 =	vshrl.u32 v5, $0xC;
	v21 =	vand.u32 $0x3FFF, v11  }
0x68: {  	s24 =	simm.s32 $0x49C0;
	v62 =	vld [tilespmem:s23+$0x20];
	v1 =	vshrl.u32 v1, $0xC;
	v20 =	vand.u32 $0x3FFF, v7;
	v55 =	vshrl.u32 v4, $0xC  }
0x69: {  	v58 =	vld [tilespmem:s24+$0xFFFFFFD0];
	v7 =	vshrl.u32 v7, $0xC;
	v23 =	vand.u32 $0x3FFF, v8;
	v8 =	vshrl.u32 v8, $0xC  }
0x6a: {  	v25 =	vand.u32 $0x3FFF, v10;
	v10 =	vshrl.u32 v10, $0xC;
	v11 =	vshrl.u32 v11, $0xC;
	v6 =	vld.idx.msk [tilespmem:v6+s4+$0x0], $0xffff  }
0x6b: {  	v26 =	vshrl.u32 v16, $0xC;
	v27 =	vand.u32 $0x3FFF, v17;
	v29 =	vshrl.u32 v17, $0xC;
	v53 =	vld.idx.msk [tilespmem:v9+s4+$0x0], $0xffff  }
0x6c: {  	v30 =	vand.u32 $0x3FFF, v18;
	v31 =	vshrl.u32 v18, $0xC;
	v32 =	vand.u32 $0x3FFF, v19;
	v21 =	vld.idx.msk [tilespmem:v21+s4+$0x0], $0xffff  }
0x6d: {  	v33 =	vshrl.u32 v19, $0xC;
	v36 =	vand.u32 $0x3FFF, v61;
	v37 =	vshrl.u32 v61, $0xC;
	v12 =	vld.idx.msk [tilespmem:v12+s4+$0x0], $0xffff  }
0x6e: {  	v38 =	vand.u32 $0x3FFF, v63;
	v40 =	vshrl.u32 v63, $0xC;
	v41 =	vand.u32 $0x3FFF, v62;
	v15 =	vld.idx.msk [tilespmem:v15+s4+$0x0], $0xffff  }
0x6f: {  	v42 =	vshrl.u32 v62, $0xC;
	v1 =	vand.u32 $0x7C, v1;
	v9 =	vand.u32 $0x3FFF, v5;
	v20 =	vld.idx.msk [tilespmem:v20+s4+$0x0], $0xffff  }
0x70: {  	v14 =	vand.u32 $0x7C, v2;
	v13 =	vand.u32 $0x7C, v13;
	v1 =	vshrl.u32 v6, v1;
	v6 =	vld [tilespmem:s24+$0x30]  }
0x71: {  	v3 =	vand.u32 $0x7C, v55;
	v7 =	vand.u32 $0x7C, v7;
	v23 =	vld.idx.msk [tilespmem:v23+s4+$0x0], $0xffff;
	v22 =	vand.u32 $0xF, v1  }
0x72: {  	v8 =	vand.u32 $0x7C, v8;
	v25 =	vld.idx.msk [tilespmem:v25+s4+$0x0], $0xffff;
	v2 =	vshrl.u32 v53, v3;
	v22 =	vmul.u32 $0xA, v22  }
0x73: {  	v10 =	vand.u32 $0x7C, v10;
	v11 =	vand.u32 $0x7C, v11;
	v0 =	vld.idx.msk [tilespmem:v38+s4+$0x0], $0xffff;
	v24 =	vand.u32 $0xF, v2  }
0x74: {  	v26 =	vand.u32 $0x7C, v26;
	v29 =	vand.u32 $0x7C, v29;
	v9 =	vld.idx.msk [tilespmem:v9+s4+$0x0], $0xffff;
	v22 =	vadd.s32 v24, v22  }
0x75: {  	v31 =	vand.u32 $0x7C, v31;
	v11 =	vshrl.u32 v21, v11;
	v21 =	vld [tilespmem:s24+$0xFFFFFFC0];
	v6 =	vmul.f32 v6, v6  }
0x76: {  	v56 =	vand.u32 $0x7C, v37;
	v57 =	vand.u32 $0x7C, v40;
	v12 =	vshrl.u32 v12, v14;
	v14 =	vld [tilespmem:s24+$0xFFFFFFE0]  }
0x77: {  	v59 =	vand.u32 $0x7C, v42;
	v13 =	vshrl.u32 v15, v13;
	v15 =	vld [tilespmem:s24+$0xFFFFFFF0];
	v28 =	vmul.f32 v6, v6  }
0x78: {  	v5 =	vand.u32 $0x7C, v54;
	v7 =	vshrl.u32 v20, v7;
	v8 =	vshrl.u32 v23, v8;
	v20 =	vld [tilespmem:s24+$0x10]  }
0x79: {  	v10 =	vshrl.u32 v25, v10;
	v25 =	vmul.f32 v58, v58;
	v34 =	vld.idx.msk [tilespmem:v22+s29+$0x0], $0xffff;
	v35 =	vmul.f32 v28, v28  }
0x7a: {  	v48 =	vshrl.u32 v0, v57;
	v11 =	vand.u32 $0xF, v11;
	v12 =	vand.u32 $0xF, v12;
	v39 =	vld.idx.msk [tilespmem:v22+s30+$0x0], $0xffff  }
0x7b: {  	v23 =	vld.idx.msk [tilespmem:v27+s4+$0x0], $0xffff;
	v13 =	vand.u32 $0xF, v13;
	v24 =	vand.u32 $0x3FFF, v16;
	v35 =	vmul.f32 v35, v28  }
0x7c: {  	v7 =	vand.u32 $0xF, v7;
	v10 =	vand.u32 $0xF, v10;
	v11 =	vmul.u32 $0xA, v11  }
0x7d: {  	v27 =	vld.idx.msk [tilespmem:v30+s4+$0x0], $0xffff;
	v12 =	vmul.u32 $0xA, v12;
	v35 =	vmul.f32 v35, v6;
	v6 =	vmul.f32 v28, v6  }
0x7e: {  	v10 =	vmul.u32 $0xA, v10;
	v5 =	vshrl.u32 v9, v5;
	v21 =	vmul.f32 v21, v21  }
0x7f: {  	v30 =	vld.idx.msk [tilespmem:v32+s4+$0x0], $0xffff;
	v14 =	vmul.f32 v14, v14;
	v34 =	vadd.f32 v35, v34;
	v6 =	vadd.f32 v6, v39  }
0x80: {  	v15 =	vmul.f32 v15, v15;
	v20 =	vmul.f32 v20, v20;
	v23 =	vshrl.u32 v23, v29;
	v24 =	vld.idx.msk [tilespmem:v24+s4+$0x0], $0xffff  }
0x81: {  	v5 =	vand.u32 $0xF, v5;
	v23 =	vand.u32 $0xF, v23;
	v6 =	vmul.f32 v34, v6  }
0x82: {  	v9 =	vld [tilespmem:s24+$0x0];
	v27 =	vshrl.u32 v27, v31;
	v5 =	vmul.u32 $0xA, v5;
	v12 =	vadd.s32 v23, v12  }
0x83: {  	v1 =	vld.idx.msk [tilespmem:v41+s4+$0x0], $0xffff;
	v31 =	vmul.f32 v15, v15;
	v28 =	vand.u32 $0x7C, v33;
	v6 =	vmax.f32 v6, $1.000000000e-30  }
0x84: {  	v29 =	vmul.f32 v14, v14;
	v22 =	vld.idx.msk [tilespmem:v22+s28+$0x0], $0xffff;
	v28 =	vshrl.u32 v30, v28;
	(erf) = vrcp.f32 v6  }
0x85: {  	s23 =	simm.s32 $0x4640;
	v60 =	vld.idx.msk [tilespmem:v36+s4+$0x0], $0xffff;
	v52 =	vmul.f32 v31, v31;
	v24 =	vshrl.u32 v24, v26;
	v28 =	vand.u32 $0xF, v28  }
0x86: {  	v0 =	vld [tilespmem:s23+$0x30];
	v50 =	vmul.f32 v29, v29;
	v24 =	vand.u32 $0xF, v24;
	v5 =	vadd.s32 v28, v5  }
0x87: {  	v9 =	vmul.f32 v9, v9;
	v57 =	vmul.f32 v52, v31;
	v49 =	vld.idx.msk [tilespmem:v12+s29+$0x0], $0xffff;
	v11 =	vadd.s32 v24, v11  }
0x88: {  	v33 =	vmul.f32 v50, v29;
	v26 =	vmul.f32 v21, v21;
	v6 =	vmul.u32 $0xA, v13;
	v13 =	vld [tilespmem:s24+$0x20]  }
0x89: {  	v51 =	vld.idx.msk [tilespmem:v12+s30+$0x0], $0xffff;
	v22 =	vmul.f32 v35, v22;
	v35 =	vshrl.u32 v1, v59;
	v24 =	vmul.f32 v25, v25  }
0x8a: {  	v12 =	vld.idx.msk [tilespmem:v12+s28+$0x0], $0xffff;
	v30 =	vmul.f32 v20, v20;
	v33 =	vmul.f32 v33, v14;
	v35 =	vand.u32 $0xF, v35  }
0x8b: {  	v14 =	vmul.f32 v29, v14;
	v10 =	vadd.s32 v35, v10;
	v47 =	vmul.f32 v24, v24;
	v58 =	vld.idx.msk [tilespmem:v5+s30+$0x0], $0xffff  }
0x8c: {  	v8 =	vand.u32 $0xF, v8;
	v35 =	vmul.f32 v57, v15;
	v15 =	vmul.f32 v31, v15;
	v28 =	vld.idx.msk [tilespmem:v11+s30+$0x0], $0xffff  }
0x8d: {  	v27 =	vand.u32 $0xF, v27;
	v32 =	vmul.f32 v47, v24;
	v43 =	vld.idx.msk [tilespmem:v5+s29+$0x0], $0xffff;
	v13 =	vmul.f32 v13, v13;
	v23 =	vpop (erf)  }
0x8e: {  	v5 =	vld.idx.msk [tilespmem:v5+s28+$0x0], $0xffff;
	v6 =	vadd.s32 v27, v6;
	v22 =	vmul.f32 v23, v22;
	v23 =	vmul.f32 v9, v9  }
0x8f: {  	v7 =	vmul.u32 $0xA, v7;
	v24 =	vmul.f32 v24, v25;
	v27 =	vld.idx.msk [tilespmem:v11+s29+$0x0], $0xffff;
	v2 =	vmul.f32 v13, v13  }
0x90: {  	v32 =	vmul.f32 v32, v25;
	v59 =	vld.idx.msk [tilespmem:v10+s30+$0x0], $0xffff;
	v15 =	vadd.f32 v15, v58;
	v53 =	vmul.f32 v23, v23  }
0x91: {  	v8 =	vmul.u32 $0xA, v8;
	v55 =	vmul.f32 v2, v2;
	[tilespmem:v4+s0+$0x0] =	vst.idx.add.f32.msk $0xffff, v22;
	v22 =	vshrl.u32 v60, v56  }
0x92: {  	v11 =	vld.idx.msk [tilespmem:v11+s28+$0x0], $0xffff;
	v4 =	vmul.f32 v26, v26;
	v22 =	vand.u32 $0xF, v22;
	v39 =	vmul.f32 v53, v23  }
0x93: {  	v54 =	vld.idx.msk [tilespmem:v6+s29+$0x0], $0xffff;
	v41 =	vmul.f32 v55, v2;
	v7 =	vadd.s32 v22, v7;
	v22 =	vand.u32 $0xF, v48  }
0x94: {  	v56 =	vld.idx.msk [tilespmem:v6+s30+$0x0], $0xffff;
	v4 =	vmul.f32 v4, v26;
	v8 =	vadd.s32 v22, v8;
	v39 =	vmul.f32 v39, v9  }
0x95: {  	v6 =	vld.idx.msk [tilespmem:v6+s28+$0x0], $0xffff;
	v9 =	vmul.f32 v23, v9;
	v23 =	vadd.f32 v24, v51;
	v24 =	vadd.f32 v35, v43  }
0x96: {  	s25 =	simm.s32 $0x4240;
	v4 =	vmul.f32 v4, v21;
	v21 =	vmul.f32 v26, v21;
	v26 =	vld.idx.msk [tilespmem:v10+s29+$0x0], $0xffff  }
0x97: {  	v22 =	vmul.f32 v30, v30;
	v15 =	vmul.f32 v24, v15;
	v24 =	vld [tilespmem:s25+$0xFFFFFFD0]  }
0x98: {  	v41 =	vmul.f32 v41, v13;
	v27 =	vadd.f32 v4, v27;
	v21 =	vadd.f32 v21, v28;
	v44 =	vld.idx.msk [tilespmem:v7+s29+$0x0], $0xffff  }
0x99: {  	v34 =	vadd.f32 v32, v49;
	v13 =	vmul.f32 v2, v13;
	v22 =	vmul.f32 v22, v30;
	v45 =	vld.idx.msk [tilespmem:v7+s30+$0x0], $0xffff  }
0x9a: {  	v25 =	vadd.f32 v33, v54;
	v14 =	vadd.f32 v14, v56;
	v46 =	vld.idx.msk [tilespmem:v8+s29+$0x0], $0xffff;
	v21 =	vmul.f32 v27, v21  }
0x9b: {  	v13 =	vadd.f32 v13, v59;
	v23 =	vmul.f32 v34, v23;
	v22 =	vmul.f32 v22, v20;
	v47 =	vld.idx.msk [tilespmem:v8+s30+$0x0], $0xffff  }
0x9c: {  	v20 =	vmul.f32 v30, v20;
	v14 =	vmul.f32 v25, v14;
	v8 =	vld.idx.msk [tilespmem:v8+s28+$0x0], $0xffff;
	v21 =	vmax.f32 v21, $1.000000000e-30  }
0x9d: {  	v7 =	vld.idx.msk [tilespmem:v7+s28+$0x0], $0xffff;
	v23 =	vmax.f32 v23, $1.000000000e-30;
	v15 =	vmax.f32 v15, $1.000000000e-30;
	(erf) = vrcp.f32 v21  }
0x9e: {  	v10 =	vld.idx.msk [tilespmem:v10+s28+$0x0], $0xffff;
	v14 =	vmax.f32 v14, $1.000000000e-30;
	v31 =	vand.u32 $0x3FFF, v24;
	(erf) = vrcp.f32 v23  }
0x9f: {  	v27 =	vadd.f32 v39, v44;
	v9 =	vadd.f32 v9, v45;
	(erf) = vrcp.f32 v14;
	v14 =	vld [tilespmem:s25+$0x30]  }
0xa0: {  	v21 =	vadd.f32 v22, v46;
	v20 =	vadd.f32 v20, v47;
	(erf) = vrcp.f32 v15;
	v15 =	vld [tilespmem:s25+$0xFFFFFFF0]  }
0xa1: {  	v23 =	vadd.f32 v41, v26;
	v60 =	vmul.f32 v22, v8;
	v9 =	vmul.f32 v27, v9;
	v27 =	vld [tilespmem:s25+$0x0]  }
0xa2: {  	v21 =	vmul.f32 v21, v20;
	v20 =	vmul.f32 v39, v7;
	v7 =	vld [tilespmem:s25+$0x10]  }
0xa3: {  	v11 =	vmul.f32 v4, v11;
	v4 =	vmax.f32 v9, $1.000000000e-30;
	v9 =	vmul.f32 v23, v13;
	v13 =	vld [tilespmem:s25+$0xFFFFFFE0];
	[tilespmem:$0x1FFF0] =	vst v60  }
0xa4: {  	v52 =	vshrl.u32 v0, $0xC;
	s24 =	simm.s32 $0x4A40;
	v29 =	vld [tilespmem:s25+$0x20]  }
0xa5: {  	v38 =	vand.u32 $0x7C, v52;
	v12 =	vmul.f32 v32, v12;
	v53 =	vld [tilespmem:s24+$0x30]  }
0xa6: {  	v25 =	vmul.f32 v33, v6;
	v30 =	vand.u32 $0x3FFF, v0;
	v21 =	vmax.f32 v21, $1.000000000e-30;
	v31 =	vld.idx.msk [tilespmem:v31+s4+$0x0], $0xffff  }
0xa7: {  	(erf) = vrcp.f32 v4;
	v6 =	vmax.f32 v9, $1.000000000e-30;
	v9 =	vshrl.u32 v24, $0xC;
	v24 =	vld [tilespmem:s25+$0xFFFFFFC0]  }
0xa8: {  	v28 =	vand.u32 $0x3FFF, v14;
	(erf) = vrcp.f32 v21;
	v32 =	vand.u32 $0x7C, v9;
	v9 =	vld [tilespmem:s23+$0xFFFFFFC0];
	v8 =	vpop (erf)  }
0xa9: {  	v3 =	vand.u32 $0x3FFF, v7;
	v7 =	vshrl.u32 v7, $0xC;
	v23 =	vmul.f32 v8, v11;
	v11 =	vld [tilespmem:s23+$0xFFFFFFD0]  }
0xaa: {  	(erf) = vrcp.f32 v6;
	v6 =	vmul.f32 v41, v10;
	v10 =	vpop (erf);
	v36 =	vand.u32 $0x7C, v7;
	v7 =	vld [tilespmem:s23+$0x0]  }
0xab: {  	v26 =	vmul.f32 v35, v5;
	v2 =	vand.u32 $0x3FFF, v27;
	v21 =	vmul.f32 v10, v12;
	v12 =	vld [tilespmem:s23+$0xFFFFFFE0]  }
0xac: {  	v1 =	vand.u32 $0x3FFF, v13;
	v8 =	vpop (erf);
	v10 =	vshrl.u32 v13, $0xC;
	v31 =	vshrl.u32 v31, v32;
	v32 =	vld [tilespmem:s24+$0xFFFFFFD0]  }
0xad: {  	v13 =	vshrl.u32 v14, $0xC;
	v14 =	vand.u32 $0x3FFF, v29;
	v22 =	vmul.f32 v8, v25;
	v8 =	vld.idx.msk [tilespmem:v28+s4+$0x0], $0xffff  }
0xae: {  	v29 =	vshrl.u32 v29, $0xC;
	v25 =	vand.u32 $0x7C, v10;
	v10 =	vshrl.u32 v15, $0xC;
	[tilespmem:v16+s0+$0x0] =	vst.idx.add.f32.msk $0xffff, v23  }
0xaf: {  	v28 =	vand.u32 $0x3FFF, v15;
	v15 =	vand.u32 $0x7C, v10;
	v10 =	vshrl.u32 v27, $0xC;
	v27 =	vld.idx.msk [tilespmem:v30+s4+$0x0], $0xffff  }
0xb0: {  	v39 =	vmul.f32 v53, v53;
	v51 =	vand.u32 $0x3FFF, v24;
	v13 =	vand.u32 $0x7C, v13;
	v34 =	vld.idx.msk [tilespmem:v2+s4+$0x0], $0xffff  }
0xb1: {  	v24 =	vshrl.u32 v24, $0xC;
	v29 =	vand.u32 $0x7C, v29;
	v31 =	vand.u32 $0xF, v31;
	v2 =	vld [tilespmem:s24+$0xFFFFFFE0]  }
0xb2: {  	v56 =	vpop (erf);
	v24 =	vand.u32 $0x7C, v24;
	v41 =	vand.u32 $0x3FFF, v9;
	v57 =	vshrl.u32 v9, $0xC;
	[tilespmem:v17+s0+$0x0] =	vst.idx.add.f32.msk $0xffff, v21  }
0xb3: {  	v26 =	vmul.f32 v56, v26;
	v49 =	vmul.f32 v39, v39;
	v30 =	vand.u32 $0x7C, v10;
	v10 =	vld [tilespmem:s23+$0xFFFFFFF0]  }
0xb4: {  	v31 =	vmul.u32 $0xA, v31;
	v42 =	vand.u32 $0x7C, v57;
	v35 =	vld.idx.msk [tilespmem:v3+s4+$0x0], $0xffff;
	v40 =	vand.u32 $0x3FFF, v11  }
0xb5: {  	v58 =	vshrl.u32 v11, $0xC;
	v33 =	vld.idx.msk [tilespmem:v1+s4+$0x0], $0xffff;
	v47 =	vand.u32 $0x3FFF, v7;
	v48 =	vshrl.u32 v7, $0xC  }
0xb6: {  	v53 =	vmul.f32 v49, v49;
	v43 =	vand.u32 $0x3FFF, v12;
	v59 =	vshrl.u32 v12, $0xC;
	v14 =	vld.idx.msk [tilespmem:v14+s4+$0x0], $0xffff  }
0xb7: {  	v48 =	vand.u32 $0x7C, v48;
	v32 =	vmul.f32 v32, v32;
	v13 =	vshrl.u32 v8, v13;
	v8 =	vld [tilespmem:s23+$0x10]  }
0xb8: {  	v28 =	vld.idx.msk [tilespmem:v28+s4+$0x0], $0xffff;
	v44 =	vand.u32 $0x7C, v59;
	v1 =	vmul.f32 v53, v49;
	v54 =	vand.u32 $0xF, v13  }
0xb9: {  	v13 =	vld [tilespmem:s23+$0x20];
	v27 =	vshrl.u32 v27, v38;
	v38 =	vand.u32 $0x7C, v58;
	v55 =	vmul.u32 $0xA, v54  }
0xba: {  	v37 =	vld.idx.msk [tilespmem:v51+s4+$0x0], $0xffff;
	v30 =	vshrl.u32 v34, v30;
	v27 =	vand.u32 $0xF, v27;
	v45 =	vand.u32 $0x3FFF, v10  }
0xbb: {  	v58 =	vld [tilespmem:s24+$0x10];
	v60 =	vshrl.u32 v10, $0xC;
	v57 =	vshrl.u32 v35, v36;
	v27 =	vadd.s32 v27, v55  }
0xbc: {  	v30 =	vand.u32 $0xF, v30;
	v46 =	vand.u32 $0x7C, v60;
	v25 =	vshrl.u32 v33, v25;
	v60 =	vld [tilespmem:s24+$0x20]  }
0xbd: {  	v34 =	vand.u32 $0xF, v57;
	v30 =	vmul.u32 $0xA, v30;
	v40 =	vld.idx.msk [tilespmem:v40+s4+$0x0], $0xffff;
	v25 =	vand.u32 $0xF, v25  }
0xbe: {  	v14 =	vshrl.u32 v14, v29;
	v15 =	vshrl.u32 v28, v15;
	v28 =	vld [tilespmem:s24+$0xFFFFFFF0];
	v55 =	vshrl.u32 v13, $0xC  }
0xbf: {  	v29 =	vmul.f32 v2, v2;
	v50 =	vand.u32 $0x3FFF, v8;
	v53 =	vand.u32 $0x7C, v55;
	v55 =	vld [tilespmem:s24+$0xFFFFFFC0]  }
0xc0: {  	v51 =	vshrl.u32 v8, $0xC;
	v24 =	vshrl.u32 v37, v24;
	v37 =	vmul.f32 v1, v39;
	v52 =	vld.idx.msk [tilespmem:v27+s29+$0x0], $0xffff  }
0xc1: {  	v39 =	vmul.f32 v49, v39;
	v25 =	vmul.u32 $0xA, v25;
	v35 =	vmul.f32 v58, v58;
	v56 =	vld.idx.msk [tilespmem:v27+s30+$0x0], $0xffff  }
0xc2: {  	v54 =	vand.u32 $0x3FFF, v13;
	v51 =	vand.u32 $0x7C, v51;
	v24 =	vand.u32 $0xF, v24;
	v27 =	vld.idx.msk [tilespmem:v27+s28+$0x0], $0xffff  }
0xc3: {  	v15 =	vand.u32 $0xF, v15;
	v24 =	vmul.u32 $0xA, v24;
	v45 =	vld.idx.msk [tilespmem:v45+s4+$0x0], $0xffff;
	v58 =	vmul.f32 v35, v35  }
0xc4: {  	v1 =	vmul.u32 $0xA, v15;
	v15 =	vld.idx.msk [tilespmem:v41+s4+$0x0], $0xffff;
	v38 =	vshrl.u32 v40, v38;
	v55 =	vmul.f32 v55, v55  }
0xc5: {  	[tilespmem:v19+s0+$0x0] =	vst.idx.add.f32.msk $0xffff, v26;
	v23 =	vand.u32 $0xF, v38;
	v28 =	vmul.f32 v28, v28;
	v49 =	vmul.f32 v58, v58  }
0xc6: {  	v3 =	vadd.f32 v37, v52;
	v39 =	vadd.f32 v39, v56;
	v33 =	vmul.f32 v55, v55  }
0xc7: {  	v2 =	vld.idx.msk [tilespmem:v43+s4+$0x0], $0xffff;
	v21 =	vadd.s32 v23, v31;
	v56 =	vmul.f32 v29, v29;
	v17 =	vmul.f32 v37, v27  }
0xc8: {  	v52 =	vld [tilespmem:s24+$0x0];
	v27 =	vshrl.u32 v45, v46;
	v59 =	vmul.f32 v3, v39;
	v3 =	vand.u32 $0xF, v14  }
0xc9: {  	v39 =	vmul.f32 v60, v60;
	v14 =	vshrl.u32 v15, v42;
	v42 =	vmul.f32 v28, v28  }
0xca: {  	v47 =	vld.idx.msk [tilespmem:v47+s4+$0x0], $0xffff;
	v41 =	vmul.f32 v33, v33;
	v26 =	vmul.f32 v56, v56;
	v36 =	vmax.f32 v59, $1.000000000e-30  }
0xcb: {  	v50 =	vld.idx.msk [tilespmem:v50+s4+$0x0], $0xffff;
	v15 =	vand.u32 $0xF, v14;
	v59 =	vmul.f32 v39, v39;
	(erf) = vrcp.f32 v36  }
0xcc: {  	v54 =	vld.idx.msk [tilespmem:v54+s4+$0x0], $0xffff;
	v60 =	vadd.s32 v15, v24;
	v24 =	vmul.u32 $0xA, v3;
	v36 =	vshrl.u32 v2, v44  }
0xcd: {  	v26 =	vmul.f32 v26, v56;
	v43 =	vmul.f32 v52, v52;
	v23 =	vand.u32 $0xF, v36  }
0xce: {  	[tilespmem:v18+s0+$0x0] =	vst.idx.add.f32.msk $0xffff, v22;
	v52 =	vmul.f32 v32, v32;
	v22 =	vadd.s32 v23, v25;
	v23 =	vand.u32 $0xF, v27  }
0xcf: {  	v37 =	vld.idx.msk [tilespmem:v21+s29+$0x0], $0xffff;
	v36 =	vmul.f32 v49, v58;
	v19 =	vadd.s32 v23, v1;
	v23 =	vshrl.u32 v47, v48  }
0xd0: {  	v40 =	vld.idx.msk [tilespmem:v21+s30+$0x0], $0xffff;
	v57 =	vmul.f32 v43, v43;
	v48 =	vshrl.u32 v50, v51;
	v23 =	vand.u32 $0xF, v23  }
0xd1: {  	v14 =	vpop (erf);
	v50 =	vmul.f32 v41, v33;
	v51 =	vshrl.u32 v54, v53;
	v25 =	vld.idx.msk [tilespmem:v60+s29+$0x0], $0xffff;
	v30 =	vadd.s32 v23, v30  }
0xd2: {  	v15 =	vpop (erf);
	v47 =	vmul.f32 v26, v29;
	v33 =	vmul.f32 v33, v55;
	v27 =	vld.idx.msk [tilespmem:v60+s30+$0x0], $0xffff;
	v41 =	vand.u32 $0xF, v51  }
0xd3: {  	v16 =	vpop (erf);
	v29 =	vmul.f32 v56, v29;
	v31 =	vmul.f32 v57, v57;
	v41 =	vadd.s32 v41, v24;
	v44 =	vld.idx.msk [tilespmem:v22+s29+$0x0], $0xffff  }
0xd4: {  	v23 =	vmul.f32 v59, v59;
	v38 =	vmul.f32 v50, v55;
	v45 =	vld.idx.msk [tilespmem:v19+s29+$0x0], $0xffff;
	v18 =	vpop (erf)  }
0xd5: {  	v50 =	vmul.f32 v57, v43;
	v54 =	vld.idx.msk [tilespmem:v19+s30+$0x0], $0xffff;
	v17 =	vmul.f32 v18, v17  }
0xd6: {  	v34 =	vmul.u32 $0xA, v34;
	v31 =	vmul.f32 v31, v57;
	v18 =	vmul.f32 v52, v52;
	v49 =	vld.idx.msk [tilespmem:v30+s29+$0x0], $0xffff  }
0xd7: {  	v53 =	vmul.f32 v23, v59;
	[tilespmem:v0+s0+$0x0] =	vst.idx.add.f32.msk $0xffff, v17;
	v17 =	vmul.f32 v42, v42;
	v0 =	vand.u32 $0xF, v48  }
0xd8: {  	v23 =	vmul.f32 v31, v43;
	v51 =	vld.idx.msk [tilespmem:v41+s29+$0x0], $0xffff;
	v18 =	vmul.f32 v18, v52;
	v0 =	vadd.s32 v0, v34  }
0xd9: {  	v24 =	vmul.f32 v53, v39;
	v34 =	vld.idx.msk [tilespmem:v22+s30+$0x0], $0xffff;
	v17 =	vmul.f32 v17, v42  }
0xda: {  	v27 =	vadd.f32 v33, v27;
	v1 =	vadd.f32 v47, v44;
	v22 =	vld.idx.msk [tilespmem:v22+s28+$0x0], $0xffff;
	v18 =	vmul.f32 v18, v32  }
0xdb: {  	v32 =	vmul.f32 v52, v32;
	v52 =	vld.idx.msk [tilespmem:v41+s30+$0x0], $0xffff;
	v26 =	vmul.f32 v17, v28;
	v17 =	vadd.f32 v38, v25  }
0xdc: {  	v25 =	vmul.f32 v36, v35;
	v31 =	vadd.f32 v18, v37;
	v36 =	vld.idx.msk [tilespmem:v30+s30+$0x0], $0xffff;
	v28 =	vmul.f32 v42, v28  }
0xdd: {  	v35 =	vmul.f32 v58, v35;
	v32 =	vadd.f32 v32, v40;
	v58 =	vadd.f32 v24, v51;
	v2 =	vld.idx.msk [tilespmem:v0+s29+$0x0], $0xffff  }
0xde: {  	v39 =	vmul.f32 v59, v39;
	v3 =	vld.idx.msk [tilespmem:v0+s30+$0x0], $0xffff;
	v29 =	vadd.f32 v29, v34;
	v53 =	vadd.f32 v26, v45  }
0xdf: {  	v21 =	vld.idx.msk [tilespmem:v21+s28+$0x0], $0xffff;
	v28 =	vadd.f32 v28, v54;
	v17 =	vmul.f32 v17, v27;
	v27 =	vmul.f32 v31, v32  }
0xe0: {  	v31 =	vadd.f32 v23, v49;
	v22 =	vmul.f32 v47, v22;
	v59 =	vadd.f32 v39, v52  }
0xe1: {  	v54 =	vld.idx.msk [tilespmem:v60+s28+$0x0], $0xffff;
	v29 =	vmul.f32 v1, v29;
	v28 =	vmul.f32 v53, v28;
	v17 =	vmax.f32 v17, $1.000000000e-30  }
0xe2: {  	v57 =	vmax.f32 v27, $1.000000000e-30;
	v55 =	vadd.f32 v50, v36;
	(erf) = vrcp.f32 v17  }
0xe3: {  	v17 =	vmul.f32 v58, v59;
	v56 =	vadd.f32 v25, v2;
	v35 =	vadd.f32 v35, v3  }
0xe4: {  	v37 =	vmax.f32 v29, $1.000000000e-30;
	v29 =	vld.idx.msk [tilespmem:v30+s28+$0x0], $0xffff;
	(erf) = vrcp.f32 v57;
	v30 =	vmul.f32 v18, v21  }
0xe5: {  	v32 =	vld.idx.msk [tilespmem:v19+s28+$0x0], $0xffff;
	v60 =	vmax.f32 v28, $1.000000000e-30;
	v31 =	vmul.f32 v31, v55;
	v33 =	vmul.f32 v56, v35  }
0xe6: {  	v28 =	vld.idx.msk [tilespmem:v0+s28+$0x0], $0xffff;
	v27 =	vmul.f32 v38, v54;
	(erf) = vrcp.f32 v37;
	v19 =	vmax.f32 v17, $1.000000000e-30  }
0xe7: {  	s7 =	simm.s32 $0x42C0;
	s25 =	simm.s32 $0x80;
	(erf) = vrcp.f32 v60;
	v34 =	vmax.f32 v31, $1.000000000e-30;
	v31 =	vld.idx.msk [tilespmem:v41+s28+$0x0], $0xffff;
	v33 =	vmax.f32 v33, $1.000000000e-30  }
.LBB2_5:
0xe8: {  	v21 =	vld [tilespmem:s7+$0x30]  }
0xe9: {  	v5 =	vmov v13;
	v13 =	vld [tilespmem:s7+$0xFFFFFFD0]  }
0xea: {  	v57 =	vmul.f32 v14, v20;
	v14 =	vld [tilespmem:s7+$0xFFFFFFF0]  }
0xeb: {  	v58 =	vld [tilespmem:$0x1FFF0]  }
0xec: {  	v35 =	vld [tilespmem:s7+$0xFFFFFFC0];
	s24 =	sadd.s32 $0x80, s24  }
0xed: {  	v53 =	vld [tilespmem:s24+$0x30]  }
0xee: {  	(erf) = vrcp.f32 v34;
	s23 =	sadd.s32 $0x80, s23;
	v1 =	vmul.f32 v16, v6;
	v6 =	vmov v63;
	v63 =	vld [tilespmem:s24+$0xFFFFFFD0]  }
0xef: {  	(erf) = vrcp.f32 v33;
	v18 =	vmul.f32 v23, v29;
	v23 =	vld [tilespmem:s23+$0x30]  }
0xf0: {  	(erf) = vrcp.f32 v19;
	v32 =	vmul.f32 v26, v32;
	v26 =	vld [tilespmem:s7+$0xFFFFFFE0]  }
0xf1: {  	v2 =	vmul.f32 v25, v28;
	v3 =	vmul.f32 v24, v31;
	v31 =	vld [tilespmem:s7+$0x10];
	v16 =	vand.u32 $0x3FFF, v21;
	v25 =	vpop (erf)  }
0xf2: {  	v60 =	vand.u32 $0x3FFF, v13;
	v13 =	vshrl.u32 v13, $0xC;
	v19 =	vmovc v18;
	v18 =	vmul.f32 v15, v58;
	v15 =	vld [tilespmem:s7+$0x0]  }
0xf3: {  	v48 =	vand.u32 $0x3FFF, v35;
	v24 =	vpop (erf);
	v34 =	vand.u32 $0x7C, v13;
	v13 =	vld [tilespmem:s7+$0x20]  }
0xf4: {  	v28 =	vmul.f32 v25, v27;
	v25 =	vld [tilespmem:s23+$0xFFFFFFC0];
	v29 =	vmul.f32 v24, v30;
	v24 =	vpop (erf)  }
0xf5: {  	v39 =	vand.u32 $0x3FFF, v14;
	v30 =	vmul.f32 v24, v22;
	v24 =	vld [tilespmem:s23+$0xFFFFFFD0]  }
0xf6: {  	v36 =	vand.u32 $0x3FFF, v26;
	v26 =	vshrl.u32 v26, $0xC;
	v42 =	vld.idx.msk [tilespmem:v16+s4+$0x0], $0xffff  }
0xf7: {  	v22 =	vshrl.u32 v14, $0xC;
	v27 =	vand.u32 $0x3FFF, v23;
	v38 =	vand.u32 $0x7C, v26;
	v26 =	vld [tilespmem:s23+$0xFFFFFFE0]  }
0xf8: {  	v40 =	vand.u32 $0x7C, v22;
	v48 =	vld.idx.msk [tilespmem:v48+s4+$0x0], $0xffff;
	v22 =	vshrl.u32 v15, $0xC  }
0xf9: {  	v44 =	vand.u32 $0x3FFF, v31;
	v33 =	vld.idx.msk [tilespmem:v60+s4+$0x0], $0xffff;
	v43 =	vand.u32 $0x7C, v22;
	v22 =	vshrl.u32 v31, $0xC  }
0xfa: {  	v39 =	vld.idx.msk [tilespmem:v39+s4+$0x0], $0xffff;
	v46 =	vand.u32 $0x3FFF, v13;
	v13 =	vshrl.u32 v13, $0xC;
	v45 =	vand.u32 $0x7C, v22  }
0xfb: {  	v22 =	vshrl.u32 v35, $0xC;
	v35 =	vand.u32 $0x7C, v13;
	v13 =	vshrl.u32 v21, $0xC;
	v21 =	vld [tilespmem:s23+$0x10]  }
0xfc: {  	v0 =	vmov v62;
	v53 =	vmul.f32 v53, v53;
	v62 =	vshrl.u32 v23, $0xC;
	v47 =	vld.idx.msk [tilespmem:v27+s4+$0x0], $0xffff  }
0xfd: {  	v37 =	vpop (erf);
	v41 =	vand.u32 $0x3FFF, v15;
	v50 =	vand.u32 $0x3FFF, v25;
	v51 =	vshrl.u32 v25, $0xC;
	v27 =	vld [tilespmem:s23+$0xFFFFFFF0]  }
0xfe: {  	v31 =	vmul.f32 v37, v32;
	v37 =	vand.u32 $0x7C, v62;
	v49 =	vand.u32 $0x7C, v22;
	v22 =	vld [tilespmem:s23+$0x0]  }
0xff: {  	v51 =	vand.u32 $0x7C, v51;
	v32 =	vand.u32 $0x3FFF, v24;
	v13 =	vand.u32 $0x7C, v13;
	v36 =	vld.idx.msk [tilespmem:v36+s4+$0x0], $0xffff  }
0x100: {  	[tilespmem:$0x1FFD0] =	vst v0;
	v0 =	vshrl.u32 v24, $0xC;
	v44 =	vld.idx.msk [tilespmem:v44+s4+$0x0], $0xffff;
	v13 =	vshrl.u32 v42, v13;
	v54 =	vand.u32 $0x3FFF, v26  }
0x101: {  	v59 =	vmovc v2;
	v2 =	vshrl.u32 v26, $0xC;
	v42 =	vand.u32 $0x7C, v0;
	v52 =	vand.u32 $0xF, v13;
	v13 =	vld [tilespmem:s23+$0x20]  }
0x102: {  	v48 =	vshrl.u32 v48, v49;
	v33 =	vshrl.u32 v33, v34;
	v39 =	vshrl.u32 v39, v40;
	v41 =	vld.idx.msk [tilespmem:v41+s4+$0x0], $0xffff  }
0x103: {  	v48 =	vand.u32 $0xF, v48;
	v33 =	vand.u32 $0xF, v33;
	v39 =	vand.u32 $0xF, v39;
	v50 =	vld.idx.msk [tilespmem:v50+s4+$0x0], $0xffff  }
0x104: {  	[tilespmem:$0x1FFE0] =	vst v1;
	v1 =	vmul.u32 $0xA, v52;
	v52 =	vand.u32 $0x7C, v2;
	v48 =	vmul.u32 $0xA, v48;
	v32 =	vld.idx.msk [tilespmem:v32+s4+$0x0], $0xffff  }
0x105: {  	v33 =	vmul.u32 $0xA, v33;
	v58 =	vand.u32 $0x3FFF, v21;
	v36 =	vshrl.u32 v36, v38;
	v38 =	vld.idx.msk [tilespmem:v46+s4+$0x0], $0xffff  }
0x106: {  	[tilespmem:$0x1FFF0] =	vst v59;
	v39 =	vmul.u32 $0xA, v39;
	v59 =	vshrl.u32 v21, $0xC;
	v37 =	vshrl.u32 v47, v37;
	v46 =	vld [tilespmem:s24+$0xFFFFFFC0]  }
0x107: {  	v55 =	vand.u32 $0x3FFF, v27;
	v56 =	vshrl.u32 v27, $0xC;
	[tilespmem:v9+s0+$0x0] =	vst.idx.add.f32.msk $0xffff, v28;
	v37 =	vand.u32 $0xF, v37  }
0x108: {  	[tilespmem:$0x1FFC0] =	vst v57;
	v17 =	vmovc v3;
	v57 =	vand.u32 $0x3FFF, v22;
	v3 =	vshrl.u32 v22, $0xC;
	v54 =	vld.idx.msk [tilespmem:v54+s4+$0x0], $0xffff;
	v37 =	vadd.s32 v37, v1  }
0x109: {  	v49 =	vand.u32 $0x7C, v59;
	v44 =	vshrl.u32 v44, v45;
	v41 =	vshrl.u32 v41, v43;
	v43 =	vld [tilespmem:s24+$0xFFFFFFE0]  }
0x10a: {  	v56 =	vand.u32 $0x7C, v56;
	v47 =	vand.u32 $0x7C, v3;
	v50 =	vshrl.u32 v50, v51;
	v51 =	vld.idx.msk [tilespmem:v58+s4+$0x0], $0xffff  }
0x10b: {  	v1 =	vmul.f32 v53, v53;
	v35 =	vshrl.u32 v38, v35;
	v38 =	vmul.f32 v63, v63;
	v63 =	vld [tilespmem:s24+$0x20]  }
0x10c: {  	v36 =	vand.u32 $0xF, v36;
	v44 =	vand.u32 $0xF, v44;
	v60 =	vand.u32 $0x3FFF, v13;
	v55 =	vld.idx.msk [tilespmem:v55+s4+$0x0], $0xffff  }
0x10d: {  	v20 =	vmovc v61;
	v0 =	vshrl.u32 v13, $0xC;
	v36 =	vmul.u32 $0xA, v36;
	v2 =	vmul.f32 v1, v1;
	v61 =	vld.idx.msk [tilespmem:v37+s29+$0x0], $0xffff  }
0x10e: {  	v44 =	vmul.u32 $0xA, v44;
	v59 =	vand.u32 $0x7C, v0;
	v41 =	vand.u32 $0xF, v41;
	v34 =	vld.idx.msk [tilespmem:v37+s30+$0x0], $0xffff  }
0x10f: {  	v50 =	vand.u32 $0xF, v50;
	v0 =	vmul.f32 v1, v53;
	v57 =	vld.idx.msk [tilespmem:v57+s4+$0x0], $0xffff;
	v3 =	vmul.f32 v2, v1  }
0x110: {  	v41 =	vmul.u32 $0xA, v41;
	v32 =	vshrl.u32 v32, v42;
	v48 =	vadd.s32 v50, v48;
	v1 =	vld [tilespmem:s24+$0xFFFFFFF0]  }
0x111: {  	v45 =	vmul.f32 v46, v46;
	v32 =	vand.u32 $0xF, v32;
	v2 =	vld [tilespmem:s24+$0x0];
	v40 =	vmul.f32 v3, v53  }
0x112: {  	v52 =	vshrl.u32 v54, v52;
	v28 =	vadd.s32 v32, v33;
	v43 =	vmul.f32 v43, v43  }
0x113: {  	[tilespmem:v11+s0+$0x0] =	vst.idx.add.f32.msk $0xffff, v29;
	v9 =	vand.u32 $0xF, v52;
	v61 =	vadd.f32 v40, v61;
	v34 =	vadd.f32 v0, v34  }
0x114: {  	v3 =	vld [tilespmem:s24+$0x10];
	v29 =	vadd.s32 v9, v36;
	v63 =	vmul.f32 v63, v63;
	v54 =	vshrl.u32 v55, v56  }
0x115: {  	v37 =	vld.idx.msk [tilespmem:v37+s28+$0x0], $0xffff;
	v55 =	vshrl.u32 v57, v47;
	v57 =	vshrl.u32 v51, v49;
	v34 =	vmul.f32 v61, v34  }
0x116: {  	v14 =	vpop (erf);
	[tilespmem:v12+s0+$0x0] =	vst.idx.add.f32.msk $0xffff, v30;
	v53 =	vmul.f32 v1, v1;
	v62 =	vmul.f32 v2, v2;
	v9 =	vand.u32 $0xF, v54  }
0x117: {  	v15 =	vpop (erf);
	[tilespmem:v10+s0+$0x0] =	vst.idx.add.f32.msk $0xffff, v31;
	v56 =	vand.u32 $0xF, v55;
	v32 =	vadd.s32 v9, v39;
	v34 =	vmax.f32 v34, $1.000000000e-30  }
0x118: {  	v16 =	vpop (erf);
	v60 =	vld.idx.msk [tilespmem:v60+s4+$0x0], $0xffff;
	v0 =	vmul.f32 v43, v43;
	v36 =	vadd.s32 v56, v41;
	(erf) = vrcp.f32 v34  }
0x119: {  	v31 =	vld.idx.msk [tilespmem:v48+s29+$0x0], $0xffff;
	v10 =	vand.u32 $0xF, v57;
	v46 =	vmul.f32 v3, v3;
	v3 =	vmul.f32 v63, v63  }
0x11a: {  	v11 =	vmul.f32 v40, v37;
	v33 =	vadd.s32 v10, v44;
	v37 =	vld.idx.msk [tilespmem:v48+s30+$0x0], $0xffff;
	v1 =	vmul.f32 v53, v53  }
0x11b: {  	v44 =	vld.idx.msk [tilespmem:v28+s30+$0x0], $0xffff;
	v2 =	vmul.f32 v62, v62;
	v52 =	vmul.f32 v3, v3  }
0x11c: {  	v61 =	vmul.f32 v45, v45;
	v9 =	vmov v25;
	v25 =	vmul.f32 v0, v0;
	v47 =	vld.idx.msk [tilespmem:v32+s29+$0x0], $0xffff  }
0x11d: {  	v58 =	vmul.f32 v46, v46;
	v42 =	vmul.f32 v52, v3;
	v52 =	vld.idx.msk [tilespmem:v36+s29+$0x0], $0xffff  }
0x11e: {  	v4 =	vmul.f32 v61, v61;
	v25 =	vmul.f32 v25, v0;
	v54 =	vld.idx.msk [tilespmem:v36+s30+$0x0], $0xffff  }
0x11f: {  	v55 =	vmul.f32 v61, v45;
	v34 =	vmul.f32 v38, v38;
	v56 =	vld.idx.msk [tilespmem:v33+s29+$0x0], $0xffff  }
0x120: {  	v35 =	vand.u32 $0xF, v35;
	v0 =	vmul.f32 v0, v43;
	v57 =	vld.idx.msk [tilespmem:v33+s30+$0x0], $0xffff;
	v4 =	vmul.f32 v4, v61  }
0x121: {  	v35 =	vmul.u32 $0xA, v35;
	v51 =	vmul.f32 v58, v58;
	v61 =	vld.idx.msk [tilespmem:v48+s28+$0x0], $0xffff;
	v30 =	vmul.f32 v34, v34;
	v12 =	vpop (erf)  }
0x122: {  	v37 =	vadd.f32 v55, v37;
	v48 =	vld.idx.msk [tilespmem:v28+s28+$0x0], $0xffff;
	v4 =	vmul.f32 v4, v45;
	v11 =	vmul.f32 v12, v11  }
0x123: {  	v41 =	vmul.f32 v51, v58;
	v51 =	vld.idx.msk [tilespmem:v32+s30+$0x0], $0xffff;
	v12 =	vshrl.u32 v60, v59;
	v59 =	vmul.f32 v2, v2  }
0x124: {  	v31 =	vadd.f32 v4, v31;
	v10 =	vand.u32 $0xF, v12;
	[tilespmem:v23+s0+$0x0] =	vst.idx.add.f32.msk $0xffff, v11;
	v23 =	vmul.f32 v1, v1  }
0x125: {  	v60 =	vld.idx.msk [tilespmem:v28+s29+$0x0], $0xffff;
	v35 =	vadd.s32 v10, v35;
	v39 =	vmul.f32 v59, v2;
	v59 =	vmul.f32 v58, v46  }
0x126: {  	v58 =	vld [tilespmem:$0x1FFC0];
	v11 =	vmov v24;
	v24 =	vmul.f32 v30, v34;
	v23 =	vmul.f32 v23, v1  }
0x127: {  	v31 =	vmul.f32 v31, v37;
	v30 =	vld.idx.msk [tilespmem:v29+s30+$0x0], $0xffff;
	v1 =	vmul.f32 v1, v53  }
0x128: {  	v12 =	vmovc v26;
	v10 =	vmov v27;
	v27 =	vld.idx.msk [tilespmem:v29+s29+$0x0], $0xffff;
	v49 =	vmul.f32 v24, v38;
	v26 =	vmul.f32 v23, v53  }
0x129: {  	v23 =	vmul.f32 v39, v62;
	v53 =	vmax.f32 v31, $1.000000000e-30;
	v31 =	vadd.f32 v59, v57;
	v59 =	vld [tilespmem:$0x1FFD0]  }
0x12a: {  	v50 =	vmul.f32 v25, v43;
	v2 =	vmul.f32 v2, v62;
	v39 =	vadd.f32 v49, v60;
	v60 =	vld.idx.msk [tilespmem:v35+s29+$0x0], $0xffff  }
0x12b: {  	v34 =	vmul.f32 v34, v38;
	v1 =	vadd.f32 v1, v51;
	v51 =	vadd.f32 v23, v52;
	v52 =	vld.idx.msk [tilespmem:v29+s28+$0x0], $0xffff  }
0x12c: {  	v3 =	vmul.f32 v3, v63;
	v2 =	vadd.f32 v2, v54;
	v0 =	vadd.f32 v0, v30;
	v30 =	vld.idx.msk [tilespmem:v35+s30+$0x0], $0xffff  }
0x12d: {  	v25 =	vmul.f32 v41, v46;
	v34 =	vadd.f32 v34, v44;
	v29 =	vld.idx.msk [tilespmem:v36+s28+$0x0], $0xffff;
	v27 =	vadd.f32 v50, v27  }
0x12e: {  	v24 =	vmul.f32 v42, v63;
	(erf) = vrcp.f32 v53;
	v63 =	vadd.f32 v26, v47;
	[tilespmem:v20+s0+$0x0] =	vst.idx.add.f32.msk $0xffff, v58  }
0x12f: {  	s25 =	sadd.s32 $0x80, s25;
	v32 =	vld.idx.msk [tilespmem:v32+s28+$0x0], $0xffff;
	v28 =	vmul.f32 v39, v34;
	v0 =	vmul.f32 v27, v0;
	v27 =	vadd.f32 v25, v56  }
0x130: {  	p0 =	slt.u32 s25, $0x380;
	v1 =	vmul.f32 v63, v1;
	v2 =	vmul.f32 v51, v2;
	v55 =	vadd.f32 v24, v60;
	v60 =	vld [tilespmem:$0x1FFE0]  }
.Ltmp5:
0x131: {  	v54 =	vmax.f32 v28, $1.000000000e-30;
	v28 =	vld.idx.msk [tilespmem:v33+s28+$0x0], $0xffff;
	v56 =	vmul.f32 v27, v31;
	v3 =	vadd.f32 v3, v30;
	(pc) =	sbr.rel @p0 .LBB2_5-.Ltmp5, $4  }
0x132: {  	v62 =	vmovc v5;
	v1 =	vmax.f32 v1, $1.000000000e-30;
	[tilespmem:v6+s0+$0x0] =	vst.idx.add.f32.msk $0xffff, v18;
	v27 =	vmul.f32 v4, v61;
	(erf) = vrcp.f32 v54  }
0x133: {  	v0 =	vmax.f32 v0, $1.000000000e-30;
	v61 =	vmovc v7;
	v7 =	vmovc v22;
	v22 =	vmul.f32 v50, v52;
	v57 =	vmul.f32 v55, v3  }
0x134: {  	v20 =	vmovc v19;
	v34 =	vmax.f32 v2, $1.000000000e-30;
	v6 =	vmovc v17;
	v31 =	vld.idx.msk [tilespmem:v35+s28+$0x0], $0xffff;
	v30 =	vmul.f32 v49, v48;
	(erf) = vrcp.f32 v0  }
0x135: {  	s7 =	sadd.s32 $0x80, s7;
	v63 =	vmovc v8;
	v8 =	vmovc v21;
	v33 =	vmax.f32 v56, $1.000000000e-30;
	(erf) = vrcp.f32 v1;
	v19 =	vmax.f32 v57, $1.000000000e-30;
	[tilespmem:v59+s0+$0x0] =	vst.idx.add.f32.msk $0xffff, v60  }
0x136: {  	_ =	sdelay $0x4  }
0x137: {  	v0 =	vpop (erf)  }
0x138: {  	v0 =	vmul.f32 v0, v27;
	v1 =	vpop (erf)  }
0x139: {  	(erf) = vrcp.f32 v34;
	v1 =	vmul.f32 v1, v30;
	v3 =	vpop (erf)  }
0x13a: {  	(erf) = vrcp.f32 v33;
	[tilespmem:v9+s0+$0x0] =	vst.idx.add.f32.msk $0xffff, v0;
	v3 =	vmul.f32 v3, v22  }
0x13b: {  	(erf) = vrcp.f32 v19;
	[tilespmem:v11+s0+$0x0] =	vst.idx.add.f32.msk $0xffff, v1  }
0x13c: {  	[tilespmem:v12+s0+$0x0] =	vst.idx.add.f32.msk $0xffff, v3  }
0x13d: {  	v2 =	vmul.f32 v26, v32;
	v3 =	vld [tilespmem:$0x1FFF0]  }
0x13e: {  	v4 =	vpop (erf)  }
0x13f: {  	v55 =	vmul.f32 v4, v2  }
0x140: {  	v56 =	vmul.f32 v14, v20  }
0x141: {  	v57 =	vmul.f32 v23, v29;
	v59 =	vmul.f32 v16, v6;
	s7 =	sadd.s32 s16, s22;
	[tilespmem:v10+s0+$0x0] =	vst.idx.add.f32.msk $0xffff, v55  }
0x142: {  	v58 =	vmul.f32 v25, v28;
	p0 =	sgt.u32 s7, $0xC34;
	v5 =	vpop (erf);
	[tilespmem:v61+s0+$0x0] =	vst.idx.add.f32.msk $0xffff, v56;
	v3 =	vmul.f32 v15, v3  }
.Ltmp6:
0x143: {  	v60 =	vmul.f32 v24, v31;
	v2 =	vmul.f32 v5, v57;
	v61 =	vpop (erf);
	[tilespmem:v62+s0+$0x0] =	vst.idx.add.f32.msk $0xffff, v59;
	(pc) =	sbr.rel @p0 .LBB2_10-.Ltmp6, $4  }
0x144: {  	v0 =	vmul.f32 v61, v58;
	[tilespmem:v63+s0+$0x0] =	vst.idx.add.f32.msk $0xffff, v3;
	v63 =	vpop (erf)  }
0x145: {  	[tilespmem:v7+s0+$0x0] =	vst.idx.add.f32.msk $0xffff, v2;
	v1 =	vmul.f32 v63, v60  }
0x146: {  	[tilespmem:v8+s0+$0x0] =	vst.idx.add.f32.msk $0xffff, v0  }
0x147: {  	[tilespmem:v13+s0+$0x0] =	vst.idx.add.f32.msk $0xffff, v1  }
0x148: {  	_ =	swait.ge [sflag:s2], $0x400  }
0x149: {  	[sflag:s2] =	ssyncset.done $0x0  }
0x14a: {  	[sflag:s2] =	ssyncadd.s32 $0xFFFFFC00  }
0x14b: {  	_ =	swait.ge [sflag:s2], $0x400  }
0x14c: {  	p0 =	sgt.u32 s7, $0xBF4;
	[sflag:s2] =	ssyncset.done $0x0  }
0x14d: {  	s7 =	sshll.u32 @!p0 s7, $0x7;
	[sflag:s2] =	ssyncadd.s32 $0xFFFFFC00  }
0x14e: {  	s24 =	simm.s32 @!p0 $0x0;
	s7 =	sand.u32 @!p0 $0x1FFFFF80, s7;
	_ =	swait.ge [sflag:s2], $0x400  }
0x14f: {  	s25 =	simm.s32 @!p0 $0x4180;
	s9 =	sadd.s32 @!p0 $0x2000, s7;
	[sflag:s2] =	ssyncset.done $0x0  }
0x150: {  	s7 =	sadd.s32 @!p0 s6, s7;
	s23 =	sadd.s32 @!p0 s6, s9;
	[sflag:s2] =	ssyncadd.s32 $0xFFFFFC00  }
0x151: {  	[tilespmem:s25], [sflag:$0x1] =	stream.linear.gather @!p0 [hbm4b:s23+s24], $0x400, $0x38;
	[tilespmem:$0x1EC80] =	vst v63  }
0x152: {  	s7 =	sadd.s32 @!p0 $0x63A80, s7;
	s23 =	simm.s32 @!p0 $0x4580  }
0x153: {  	[tilespmem:s23], [sflag:$0x1] =	stream.linear.gather @!p0 [hbm4b:s7+s24], $0x400, $0x38;
	[tilespmem:$0x1EC80] =	vst v63  }
0x154: {  	s7 =	sadd.s32 @!p0 s1, s9;
	s9 =	simm.s32 @!p0 $0x4980  }
0x155: {  	[tilespmem:s9], [sflag:$0x1] =	stream.linear.gather @!p0 [hbm4b:s7+s24], $0x400, $0x38;
	[tilespmem:$0x1EC80] =	vst v63  }
0x156: {  	s9 =	simm.s32 $0x4DC0  }
0x157: {  	s23 =	simm.s32 $0x51C0;
	v0 =	vld [tilespmem:s9+$0x30]  }
0x158: {  	v4 =	vld [tilespmem:s23+$0x30]  }
0x159: {  	v1 =	vld [tilespmem:s9+$0xFFFFFFD0]  }
0x15a: {  	v2 =	vld [tilespmem:s9+$0xFFFFFFE0]  }
0x15b: {  	v3 =	vld [tilespmem:s9+$0xFFFFFFF0]  }
0x15c: {  	v6 =	vld [tilespmem:s9+$0x0]  }
0x15d: {  	v9 =	vld [tilespmem:s9+$0x20]  }
0x15e: {  	v10 =	vld [tilespmem:s9+$0xFFFFFFC0]  }
0x15f: {  	v16 =	vld [tilespmem:s23+$0xFFFFFFC0]  }
0x160: {  	v17 =	vld [tilespmem:s23+$0xFFFFFFD0]  }
0x161: {  	v18 =	vld [tilespmem:s23+$0xFFFFFFE0];
	v5 =	vand.u32 $0x3FFF, v0  }
0x162: {  	v19 =	vld [tilespmem:s23+$0xFFFFFFF0];
	v8 =	vand.u32 $0x3FFF, v4;
	v11 =	vand.u32 $0x3FFF, v1  }
0x163: {  	v60 =	vld [tilespmem:s23+$0x0];
	v1 =	vshrl.u32 v1, $0xC;
	v12 =	vshrl.u32 v2, $0xC;
	v14 =	vand.u32 $0x3FFF, v2  }
0x164: {  	v62 =	vld [tilespmem:s23+$0x10];
	v51 =	vshrl.u32 v3, $0xC;
	v0 =	vshrl.u32 v0, $0xC;
	v20 =	vand.u32 $0x3FFF, v6  }
0x165: {  	v61 =	vld [tilespmem:s23+$0x20];
	v21 =	vand.u32 $0x3FFF, v10;
	v52 =	vshrl.u32 v4, $0xC;
	v53 =	vshrl.u32 v6, $0xC  }
0x166: {  	v24 =	vand.u32 $0x3FFF, v9;
	v9 =	vshrl.u32 v9, $0xC;
	v10 =	vshrl.u32 v10, $0xC;
	v5 =	vld.idx.msk [tilespmem:v5+s4+$0x0], $0xffff  }
0x167: {  	v7 =	vld [tilespmem:s9+$0x10];
	v25 =	vshrl.u32 v16, $0xC;
	v26 =	vand.u32 $0x3FFF, v17;
	v28 =	vshrl.u32 v17, $0xC  }
0x168: {  	s24 =	simm.s32 $0x55C0;
	v29 =	vand.u32 $0x3FFF, v18;
	v30 =	vshrl.u32 v18, $0xC;
	v31 =	vand.u32 $0x3FFF, v19;
	v50 =	vld.idx.msk [tilespmem:v8+s4+$0x0], $0xffff  }
0x169: {  	v56 =	vld [tilespmem:s24+$0xFFFFFFD0];
	v32 =	vshrl.u32 v19, $0xC;
	v35 =	vand.u32 $0x3FFF, v60;
	v36 =	vshrl.u32 v60, $0xC  }
0x16a: {  	v37 =	vand.u32 $0x3FFF, v62;
	v39 =	vshrl.u32 v62, $0xC;
	v0 =	vand.u32 $0x7C, v0;
	v21 =	vld.idx.msk [tilespmem:v21+s4+$0x0], $0xffff  }
0x16b: {  	v40 =	vand.u32 $0x3FFF, v61;
	v41 =	vshrl.u32 v61, $0xC;
	v0 =	vshrl.u32 v5, v0;
	v5 =	vld [tilespmem:s24+$0x30]  }
0x16c: {  	v6 =	vand.u32 $0x7C, v52;
	v8 =	vand.u32 $0x3FFF, v3;
	v11 =	vld.idx.msk [tilespmem:v11+s4+$0x0], $0xffff;
	v0 =	vand.u32 $0xF, v0  }
0x16d: {  	v13 =	vand.u32 $0x7C, v1;
	v14 =	vld.idx.msk [tilespmem:v14+s4+$0x0], $0xffff;
	v2 =	vshrl.u32 v50, v6;
	v0 =	vmul.u32 $0xA, v0  }
0x16e: {  	v12 =	vand.u32 $0x7C, v12;
	v15 =	vand.u32 $0x7C, v51;
	v20 =	vld.idx.msk [tilespmem:v20+s4+$0x0], $0xffff;
	v23 =	vand.u32 $0xF, v2  }
0x16f: {  	v22 =	vand.u32 $0x7C, v53;
	v9 =	vand.u32 $0x7C, v9;
	v24 =	vld.idx.msk [tilespmem:v24+s4+$0x0], $0xffff;
	v0 =	vadd.s32 v23, v0  }
0x170: {  	v10 =	vand.u32 $0x7C, v10;
	v25 =	vand.u32 $0x7C, v25;
	v58 =	vld.idx.msk [tilespmem:v37+s4+$0x0], $0xffff;
	v5 =	vmul.f32 v5, v5  }
0x171: {  	v28 =	vand.u32 $0x7C, v28;
	v30 =	vand.u32 $0x7C, v30;
	v54 =	vand.u32 $0x7C, v36;
	v8 =	vld.idx.msk [tilespmem:v8+s4+$0x0], $0xffff  }
0x172: {  	v55 =	vand.u32 $0x7C, v39;
	v10 =	vshrl.u32 v21, v10;
	v21 =	vld [tilespmem:s24+$0xFFFFFFC0];
	v27 =	vmul.f32 v5, v5  }
0x173: {  	v57 =	vand.u32 $0x7C, v41;
	v6 =	vand.u32 $0x3FFF, v7;
	v11 =	vshrl.u32 v11, v13;
	v13 =	vld [tilespmem:s24+$0xFFFFFFE0]  }
0x174: {  	v7 =	vshrl.u32 v7, $0xC;
	v12 =	vshrl.u32 v14, v12;
	v33 =	vld.idx.msk [tilespmem:v0+s29+$0x0], $0xffff;
	v34 =	vmul.f32 v27, v27  }
0x175: {  	v20 =	vshrl.u32 v20, v22;
	v9 =	vshrl.u32 v24, v9;
	v24 =	vmul.f32 v56, v56;
	v38 =	vld.idx.msk [tilespmem:v0+s30+$0x0], $0xffff  }
0x176: {  	v14 =	vld [tilespmem:s24+$0xFFFFFFF0];
	v47 =	vshrl.u32 v58, v55;
	v7 =	vand.u32 $0x7C, v7;
	v34 =	vmul.f32 v34, v27  }
0x177: {  	v22 =	vld.idx.msk [tilespmem:v26+s4+$0x0], $0xffff;
	v10 =	vand.u32 $0xF, v10;
	v11 =	vand.u32 $0xF, v11;
	v23 =	vand.u32 $0x3FFF, v16  }
0x178: {  	v26 =	vld.idx.msk [tilespmem:v29+s4+$0x0], $0xffff;
	v12 =	vand.u32 $0xF, v12;
	v34 =	vmul.f32 v34, v5;
	v5 =	vmul.f32 v27, v5  }
0x179: {  	v9 =	vand.u32 $0xF, v9;
	v10 =	vmul.u32 $0xA, v10;
	v11 =	vmul.u32 $0xA, v11  }
0x17a: {  	v9 =	vmul.u32 $0xA, v9;
	v6 =	vld.idx.msk [tilespmem:v6+s4+$0x0], $0xffff;
	v33 =	vadd.f32 v34, v33;
	v5 =	vadd.f32 v5, v38  }
0x17b: {  	v8 =	vshrl.u32 v8, v15;
	v15 =	vld [tilespmem:s24+$0x0];
	v21 =	vmul.f32 v21, v21;
	v14 =	vmul.f32 v14, v14  }
0x17c: {  	v13 =	vmul.f32 v13, v13;
	v22 =	vshrl.u32 v22, v28;
	v23 =	vld.idx.msk [tilespmem:v23+s4+$0x0], $0xffff;
	v5 =	vmul.f32 v33, v5  }
0x17d: {  	v59 =	vld.idx.msk [tilespmem:v40+s4+$0x0], $0xffff;
	v26 =	vshrl.u32 v26, v30;
	v22 =	vand.u32 $0xF, v22;
	v30 =	vmul.f32 v14, v14  }
0x17e: {  	v26 =	vand.u32 $0xF, v26;
	v28 =	vmul.f32 v13, v13;
	v0 =	vld.idx.msk [tilespmem:v0+s28+$0x0], $0xffff;
	v5 =	vmax.f32 v5, $1.000000000e-30  }
0x17f: {  	v11 =	vadd.s32 v22, v11;
	v51 =	vmul.f32 v30, v30;
	(erf) = vrcp.f32 v5  }
0x180: {  	s23 =	simm.s32 $0x5240;
	v49 =	vmul.f32 v28, v28;
	v6 =	vshrl.u32 v6, v7;
	v7 =	vld [tilespmem:s24+$0x10];
	v15 =	vmul.f32 v15, v15  }
0x181: {  	v1 =	vld [tilespmem:s23+$0x30];
	v56 =	vmul.f32 v51, v30;
	v27 =	vand.u32 $0x7C, v32;
	v23 =	vshrl.u32 v23, v25  }
0x182: {  	v29 =	vld.idx.msk [tilespmem:v31+s4+$0x0], $0xffff;
	v32 =	vmul.f32 v49, v28;
	v23 =	vand.u32 $0xF, v23;
	v5 =	vmul.u32 $0xA, v12  }
0x183: {  	v31 =	vld.idx.msk [tilespmem:v35+s4+$0x0], $0xffff;
	v0 =	vmul.f32 v34, v0;
	v34 =	vshrl.u32 v59, v57;
	v10 =	vadd.s32 v23, v10  }
0x184: {  	v34 =	vand.u32 $0xF, v34;
	v12 =	vand.u32 $0xF, v20;
	v20 =	vld [tilespmem:s24+$0x20];
	v5 =	vadd.s32 v26, v5  }
0x185: {  	v48 =	vld.idx.msk [tilespmem:v11+s29+$0x0], $0xffff;
	v25 =	vmul.f32 v21, v21;
	v7 =	vmul.f32 v7, v7;
	v9 =	vadd.s32 v34, v9  }
0x186: {  	v8 =	vand.u32 $0xF, v8;
	v50 =	vld.idx.msk [tilespmem:v11+s30+$0x0], $0xffff;
	v32 =	vmul.f32 v32, v13;
	v13 =	vmul.f32 v28, v13  }
0x187: {  	v8 =	vmul.u32 $0xA, v8;
	v11 =	vld.idx.msk [tilespmem:v11+s28+$0x0], $0xffff;
	v23 =	vmul.f32 v24, v24;
	v46 =	vmul.f32 v25, v25  }
0x188: {  	v27 =	vshrl.u32 v29, v27;
	v29 =	vmul.f32 v7, v7;
	v34 =	vmul.f32 v56, v14;
	v26 =	vld.idx.msk [tilespmem:v10+s29+$0x0], $0xffff;
	v22 =	vpop (erf)  }
0x189: {  	v6 =	vand.u32 $0xF, v6;
	v20 =	vmul.f32 v20, v20;
	v55 =	vld.idx.msk [tilespmem:v5+s30+$0x0], $0xffff;
	v0 =	vmul.f32 v22, v0  }
0x18a: {  	v27 =	vand.u32 $0xF, v27;
	v14 =	vmul.f32 v30, v14;
	v58 =	vld.idx.msk [tilespmem:v9+s30+$0x0], $0xffff;
	v22 =	vmul.f32 v15, v15  }
0x18b: {  	v6 =	vmul.u32 $0xA, v6;
	v63 =	vmul.f32 v20, v20;
	[tilespmem:v4+s0+$0x0] =	vst.idx.add.f32.msk $0xffff, v0;
	v4 =	vadd.s32 v27, v8  }
0x18c: {  	v53 =	vld.idx.msk [tilespmem:v5+s29+$0x0], $0xffff;
	v8 =	vshrl.u32 v31, v54;
	v31 =	vmul.f32 v23, v23;
	v52 =	vmul.f32 v22, v22  }
0x18d: {  	v12 =	vmul.u32 $0xA, v12;
	v5 =	vld.idx.msk [tilespmem:v5+s28+$0x0], $0xffff;
	v54 =	vmul.f32 v63, v63;
	v0 =	vmul.f32 v46, v25  }
0x18e: {  	v27 =	vld.idx.msk [tilespmem:v10+s30+$0x0], $0xffff;
	v13 =	vadd.f32 v13, v55;
	v8 =	vand.u32 $0xF, v8;
	v31 =	vmul.f32 v31, v23  }
0x18f: {  	v10 =	vld.idx.msk [tilespmem:v10+s28+$0x0], $0xffff;
	v8 =	vadd.s32 v8, v12;
	v38 =	vmul.f32 v52, v22;
	v0 =	vmul.f32 v0, v21  }
0x190: {  	v12 =	vand.u32 $0xF, v47;
	v21 =	vmul.f32 v25, v21;
	v25 =	vld.idx.msk [tilespmem:v9+s29+$0x0], $0xffff;
	v23 =	vmul.f32 v23, v24  }
0x191: {  	s24 =	simm.s32 $0x5640;
	v40 =	vmul.f32 v54, v63;
	v9 =	vld.idx.msk [tilespmem:v9+s28+$0x0], $0xffff;
	v6 =	vadd.s32 v12, v6;
	v12 =	vmul.f32 v29, v29  }
0x192: {  	v38 =	vmul.f32 v38, v15;
	v15 =	vmul.f32 v22, v15;
	v22 =	vadd.f32 v23, v50;
	v50 =	vld [tilespmem:s24+$0x30]  }
0x193: {  	v31 =	vmul.f32 v31, v24;
	v26 =	vadd.f32 v0, v26;
	v24 =	vadd.f32 v32, v53;
	v42 =	vld.idx.msk [tilespmem:v4+s29+$0x0], $0xffff  }
0x194: {  	s25 =	simm.s32 $0x4E40;
	v40 =	vmul.f32 v40, v20;
	v20 =	vmul.f32 v63, v20;
	v57 =	vld.idx.msk [tilespmem:v4+s30+$0x0], $0xffff;
	v21 =	vadd.f32 v21, v27  }
0x195: {  	v12 =	vmul.f32 v12, v29;
	v33 =	vadd.f32 v31, v48;
	v13 =	vmul.f32 v24, v13;
	v24 =	vld [tilespmem:s25+$0xFFFFFFD0]  }
0x196: {  	v0 =	vmul.f32 v0, v10;
	v43 =	vld.idx.msk [tilespmem:v8+s29+$0x0], $0xffff;
	v21 =	vmul.f32 v26, v21  }
0x197: {  	v44 =	vld.idx.msk [tilespmem:v8+s30+$0x0], $0xffff;
	v12 =	vmul.f32 v12, v7;
	v22 =	vmul.f32 v33, v22  }
0x198: {  	v7 =	vmul.f32 v29, v7;
	v63 =	vmul.f32 v40, v9;
	v45 =	vld.idx.msk [tilespmem:v6+s29+$0x0], $0xffff;
	v21 =	vmax.f32 v21, $1.000000000e-30  }
0x199: {  	v46 =	vld.idx.msk [tilespmem:v6+s30+$0x0], $0xffff;
	v13 =	vmax.f32 v13, $1.000000000e-30;
	v22 =	vmax.f32 v22, $1.000000000e-30;
	(erf) = vrcp.f32 v21  }
0x19a: {  	v6 =	vld.idx.msk [tilespmem:v6+s28+$0x0], $0xffff;
	v23 =	vadd.f32 v34, v42;
	v14 =	vadd.f32 v14, v57;
	(erf) = vrcp.f32 v22  }
0x19b: {  	v4 =	vld.idx.msk [tilespmem:v4+s28+$0x0], $0xffff;
	v22 =	vadd.f32 v40, v25;
	v28 =	vand.u32 $0x3FFF, v24;
	v9 =	vshrl.u32 v24, $0xC  }
0x19c: {  	v8 =	vld.idx.msk [tilespmem:v8+s28+$0x0], $0xffff;
	v26 =	vadd.f32 v38, v43;
	v15 =	vadd.f32 v15, v44;
	v14 =	vmul.f32 v23, v14  }
0x19d: {  	v24 =	vld [tilespmem:s25+$0xFFFFFFC0];
	(erf) = vrcp.f32 v13;
	v23 =	vadd.f32 v20, v58;
	v21 =	vadd.f32 v12, v45  }
0x19e: {  	v13 =	vld [tilespmem:s25+$0x30];
	v7 =	vadd.f32 v7, v46;
	v15 =	vmul.f32 v26, v15;
	v14 =	vmax.f32 v14, $1.000000000e-30  }
0x19f: {  	v6 =	vmul.f32 v12, v6;
	v12 =	vand.u32 $0x3FFF, v1;
	(erf) = vrcp.f32 v14;
	v14 =	vld [tilespmem:s25+$0xFFFFFFF0]  }
0x1a0: {  	v7 =	vmul.f32 v21, v7;
	v10 =	vmax.f32 v15, $1.000000000e-30;
	v15 =	vmul.f32 v22, v23;
	v22 =	vld [tilespmem:s25+$0xFFFFFFE0]  }
0x1a1: {  	v28 =	vld.idx.msk [tilespmem:v28+s4+$0x0], $0xffff  }
0x1a2: {  	v7 =	vmax.f32 v7, $1.000000000e-30;
	(erf) = vrcp.f32 v10;
	v10 =	vld [tilespmem:s25+$0x0]  }
0x1a3: {  	v2 =	vand.u32 $0x3FFF, v24;
	(erf) = vrcp.f32 v7;
	v7 =	vld [tilespmem:s25+$0x10]  }
0x1a4: {  	v11 =	vmul.f32 v31, v11;
	v31 =	vld.idx.msk [tilespmem:v12+s4+$0x0], $0xffff  }
0x1a5: {  	v27 =	vand.u32 $0x3FFF, v13;
	v15 =	vmax.f32 v15, $1.000000000e-30;
	v12 =	vld [tilespmem:s23+$0xFFFFFFE0]  }
0x1a6: {  	v20 =	vmul.f32 v38, v8;
	(erf) = vrcp.f32 v15;
	v8 =	vpop (erf);
	v15 =	vld [tilespmem:s25+$0x20]  }
0x1a7: {  	v49 =	vshrl.u32 v1, $0xC;
	v23 =	vmul.f32 v8, v0;
	v0 =	vand.u32 $0x7C, v9;
	v9 =	vld [tilespmem:s23+$0xFFFFFFC0]  }
0x1a8: {  	v37 =	vand.u32 $0x7C, v49;
	v25 =	vmul.f32 v32, v5;
	v38 =	vmul.f32 v50, v50;
	v21 =	vpop (erf);
	v35 =	vld.idx.msk [tilespmem:v2+s4+$0x0], $0xffff  }
0x1a9: {  	v26 =	vmul.f32 v34, v4;
	v21 =	vmul.f32 v21, v11;
	v8 =	vpop (erf);
	v0 =	vshrl.u32 v28, v0;
	v28 =	vld [tilespmem:s24+$0xFFFFFFD0]  }
0x1aa: {  	v29 =	vand.u32 $0x3FFF, v22;
	v11 =	vshrl.u32 v22, $0xC;
	v22 =	vmul.f32 v8, v25;
	v8 =	vld.idx.msk [tilespmem:v27+s4+$0x0], $0xffff  }
0x1ab: {  	v48 =	vmul.f32 v38, v38;
	v24 =	vshrl.u32 v24, $0xC;
	v25 =	vand.u32 $0x7C, v11;
	v11 =	vld [tilespmem:s23+$0xFFFFFFD0]  }
0x1ac: {  	v13 =	vshrl.u32 v13, $0xC;
	v30 =	vand.u32 $0x3FFF, v10;
	v10 =	vshrl.u32 v10, $0xC;
	[tilespmem:v16+s0+$0x0] =	vst.idx.add.f32.msk $0xffff, v23  }
0x1ad: {  	v24 =	vand.u32 $0x7C, v24;
	v13 =	vand.u32 $0x7C, v13;
	v32 =	vand.u32 $0x7C, v10;
	v10 =	vld [tilespmem:s23+$0xFFFFFFF0]  }
0x1ae: {  	v27 =	vand.u32 $0x3FFF, v14;
	v59 =	vand.u32 $0x3FFF, v7;
	v7 =	vshrl.u32 v7, $0xC;
	[tilespmem:v17+s0+$0x0] =	vst.idx.add.f32.msk $0xffff, v21  }
0x1af: {  	v14 =	vshrl.u32 v14, $0xC;
	v0 =	vand.u32 $0xF, v0;
	v34 =	vand.u32 $0x7C, v7;
	v7 =	vld [tilespmem:s23+$0x0]  }
0x1b0: {  	v14 =	vand.u32 $0x7C, v14;
	v31 =	vshrl.u32 v31, v37;
	v42 =	vand.u32 $0x3FFF, v12;
	[tilespmem:v18+s0+$0x0] =	vst.idx.add.f32.msk $0xffff, v22  }
0x1b1: {  	v56 =	vshrl.u32 v12, $0xC;
	v0 =	vmul.u32 $0xA, v0;
	v3 =	vand.u32 $0x3FFF, v15;
	v29 =	vld.idx.msk [tilespmem:v29+s4+$0x0], $0xffff  }
0x1b2: {  	v15 =	vshrl.u32 v15, $0xC;
	v53 =	vpop (erf);
	v31 =	vand.u32 $0xF, v31;
	v13 =	vshrl.u32 v8, v13;
	v8 =	vld [tilespmem:s23+$0x10]  }
0x1b3: {  	v43 =	vand.u32 $0x7C, v56;
	v54 =	vshrl.u32 v9, $0xC;
	v26 =	vmul.f32 v53, v26;
	v27 =	vld.idx.msk [tilespmem:v27+s4+$0x0], $0xffff  }
0x1b4: {  	v15 =	vand.u32 $0x7C, v15;
	v40 =	vand.u32 $0x3FFF, v9;
	v41 =	vand.u32 $0x7C, v54;
	v30 =	vld.idx.msk [tilespmem:v30+s4+$0x0], $0xffff  }
0x1b5: {  	v24 =	vshrl.u32 v35, v24;
	v28 =	vmul.f32 v28, v28;
	v39 =	vand.u32 $0x3FFF, v11;
	[tilespmem:v19+s0+$0x0] =	vst.idx.add.f32.msk $0xffff, v26  }
0x1b6: {  	v55 =	vshrl.u32 v11, $0xC;
	v24 =	vand.u32 $0xF, v24;
	v51 =	vand.u32 $0xF, v13;
	v13 =	vld [tilespmem:s23+$0x20]  }
0x1b7: {  	v44 =	vand.u32 $0x3FFF, v10;
	v57 =	vshrl.u32 v10, $0xC;
	v33 =	vld.idx.msk [tilespmem:v59+s4+$0x0], $0xffff;
	v52 =	vmul.u32 $0xA, v51  }
0x1b8: {  	v37 =	vand.u32 $0x7C, v55;
	v24 =	vmul.u32 $0xA, v24;
	v2 =	vld.idx.msk [tilespmem:v42+s4+$0x0], $0xffff;
	v46 =	vand.u32 $0x3FFF, v7  }
0x1b9: {  	v47 =	vshrl.u32 v7, $0xC;
	v45 =	vand.u32 $0x7C, v57;
	v35 =	vld.idx.msk [tilespmem:v3+s4+$0x0], $0xffff;
	v31 =	vadd.s32 v31, v52  }
0x1ba: {  	v57 =	vld [tilespmem:s24+$0x10];
	v47 =	vand.u32 $0x7C, v47;
	v52 =	vmul.f32 v48, v48;
	v25 =	vshrl.u32 v29, v25  }
0x1bb: {  	v29 =	vld [tilespmem:s24+$0xFFFFFFE0];
	v49 =	vand.u32 $0x3FFF, v8;
	v50 =	vshrl.u32 v8, $0xC;
	v14 =	vshrl.u32 v27, v14  }
0x1bc: {  	v27 =	vld [tilespmem:s24+$0xFFFFFFF0];
	v25 =	vand.u32 $0xF, v25;
	v30 =	vshrl.u32 v30, v32;
	v53 =	vand.u32 $0x3FFF, v13  }
0x1bd: {  	v39 =	vld.idx.msk [tilespmem:v39+s4+$0x0], $0xffff;
	v54 =	vshrl.u32 v13, $0xC;
	v58 =	vmul.f32 v52, v48;
	v50 =	vand.u32 $0x7C, v50  }
0x1be: {  	v14 =	vand.u32 $0xF, v14;
	v56 =	vshrl.u32 v33, v34;
	v30 =	vand.u32 $0xF, v30;
	v51 =	vld.idx.msk [tilespmem:v31+s29+$0x0], $0xffff  }
0x1bf: {  	v25 =	vmul.u32 $0xA, v25;
	v52 =	vand.u32 $0x7C, v54;
	v30 =	vmul.u32 $0xA, v30;
	v55 =	vld.idx.msk [tilespmem:v31+s30+$0x0], $0xffff  }
0x1c0: {  	v54 =	vld [tilespmem:s24+$0xFFFFFFC0];
	v15 =	vshrl.u32 v35, v15;
	v33 =	vmul.f32 v57, v57;
	v35 =	vshrl.u32 v2, v43  }
0x1c1: {  	v44 =	vld.idx.msk [tilespmem:v44+s4+$0x0], $0xffff;
	v36 =	vmul.f32 v58, v38;
	v38 =	vmul.f32 v48, v38;
	v48 =	vmul.u32 $0xA, v14  }
0x1c2: {  	v14 =	vld.idx.msk [tilespmem:v40+s4+$0x0], $0xffff;
	v3 =	vand.u32 $0xF, v15;
	v21 =	vand.u32 $0xF, v35;
	v29 =	vmul.f32 v29, v29  }
0x1c3: {  	v57 =	vmul.f32 v33, v33;
	v21 =	vadd.s32 v21, v25;
	v27 =	vmul.f32 v27, v27  }
0x1c4: {  	v46 =	vld.idx.msk [tilespmem:v46+s4+$0x0], $0xffff;
	v37 =	vshrl.u32 v39, v37;
	v59 =	vadd.f32 v36, v51;
	v38 =	vadd.f32 v38, v55  }
0x1c5: {  	v31 =	vld.idx.msk [tilespmem:v31+s28+$0x0], $0xffff;
	v23 =	vand.u32 $0xF, v37;
	v35 =	vmul.f32 v57, v57;
	v54 =	vmul.f32 v54, v54  }
0x1c6: {  	v49 =	vld.idx.msk [tilespmem:v49+s4+$0x0], $0xffff;
	v0 =	vadd.s32 v23, v0;
	v23 =	vshrl.u32 v44, v45;
	v58 =	vmul.f32 v59, v38  }
0x1c7: {  	v14 =	vshrl.u32 v14, v41;
	v41 =	vmul.f32 v27, v27;
	v51 =	vld [tilespmem:s24+$0x0];
	v55 =	vmul.f32 v29, v29  }
0x1c8: {  	v53 =	vld.idx.msk [tilespmem:v53+s4+$0x0], $0xffff;
	v22 =	vand.u32 $0xF, v23;
	v35 =	vmul.f32 v35, v57;
	v34 =	vmax.f32 v58, $1.000000000e-30  }
0x1c9: {  	v15 =	vand.u32 $0xF, v14;
	v59 =	vld [tilespmem:s24+$0x20];
	v25 =	vmul.f32 v55, v55;
	(erf) = vrcp.f32 v34  }
0x1ca: {  	v17 =	vmul.f32 v36, v31;
	v19 =	vadd.s32 v22, v48;
	v22 =	vshrl.u32 v46, v47  }
0x1cb: {  	v22 =	vand.u32 $0xF, v22;
	v47 =	vshrl.u32 v49, v50;
	v25 =	vmul.f32 v25, v55  }
0x1cc: {  	v22 =	vadd.s32 v22, v30;
	v34 =	vmul.f32 v54, v54;
	v42 =	vmul.f32 v51, v51  }
0x1cd: {  	v43 =	vld.idx.msk [tilespmem:v21+s29+$0x0], $0xffff;
	v50 =	vshrl.u32 v53, v52;
	v51 =	vmul.f32 v28, v28;
	v46 =	vmul.f32 v25, v29  }
0x1ce: {  	v53 =	vld.idx.msk [tilespmem:v21+s30+$0x0], $0xffff;
	v25 =	vmul.f32 v35, v33;
	v38 =	vmul.f32 v59, v59;
	v59 =	vadd.s32 v15, v24  }
0x1cf: {  	v32 =	vand.u32 $0xF, v56;
	v14 =	vpop (erf);
	v21 =	vld.idx.msk [tilespmem:v21+s28+$0x0], $0xffff;
	v29 =	vmul.f32 v55, v29;
	v56 =	vmul.f32 v42, v42  }
0x1d0: {  	v30 =	vld.idx.msk [tilespmem:v0+s29+$0x0], $0xffff;
	v15 =	vpop (erf);
	v40 =	vmul.f32 v34, v34;
	v58 =	vmul.f32 v38, v38  }
0x1d1: {  	v32 =	vmul.u32 $0xA, v32;
	v39 =	vld.idx.msk [tilespmem:v0+s30+$0x0], $0xffff;
	v33 =	vmul.f32 v57, v33;
	v16 =	vpop (erf);
	v26 =	vmul.f32 v56, v56  }
0x1d2: {  	v24 =	vmul.u32 $0xA, v3;
	v2 =	vld.idx.msk [tilespmem:v22+s30+$0x0], $0xffff;
	v49 =	vmul.f32 v40, v34;
	v48 =	vmul.f32 v58, v58;
	v18 =	vpop (erf)  }
0x1d3: {  	v52 =	vmul.f32 v26, v56;
	v26 =	vand.u32 $0xF, v50;
	v23 =	vld.idx.msk [tilespmem:v59+s29+$0x0], $0xffff;
	v17 =	vmul.f32 v18, v17  }
0x1d4: {  	v34 =	vmul.f32 v34, v54;
	v31 =	vld.idx.msk [tilespmem:v59+s30+$0x0], $0xffff;
	v45 =	vadd.s32 v26, v24;
	v18 =	vmul.f32 v51, v51  }
0x1d5: {  	v36 =	vmul.f32 v48, v58;
	[tilespmem:v1+s0+$0x0] =	vst.idx.add.f32.msk $0xffff, v17;
	v17 =	vmul.f32 v41, v41;
	v1 =	vand.u32 $0xF, v47  }
0x1d6: {  	v40 =	vld.idx.msk [tilespmem:v19+s29+$0x0], $0xffff;
	v37 =	vmul.f32 v49, v54;
	v18 =	vmul.f32 v18, v51;
	v1 =	vadd.s32 v1, v32  }
0x1d7: {  	v3 =	vadd.f32 v46, v43;
	v24 =	vmul.f32 v36, v38;
	v47 =	vld.idx.msk [tilespmem:v19+s30+$0x0], $0xffff;
	v17 =	vmul.f32 v17, v41  }
0x1d8: {  	v29 =	vadd.f32 v29, v53;
	v48 =	vld.idx.msk [tilespmem:v22+s29+$0x0], $0xffff;
	v38 =	vmul.f32 v58, v38;
	v18 =	vmul.f32 v18, v28  }
0x1d9: {  	v31 =	vadd.f32 v34, v31;
	v53 =	vld.idx.msk [tilespmem:v45+s30+$0x0], $0xffff;
	v28 =	vmul.f32 v51, v28;
	v26 =	vmul.f32 v17, v27  }
0x1da: {  	v17 =	vadd.f32 v37, v23;
	v23 =	vmul.f32 v52, v42;
	v27 =	vmul.f32 v41, v27;
	v52 =	vld.idx.msk [tilespmem:v45+s29+$0x0], $0xffff  }
0x1db: {  	v51 =	vmul.f32 v56, v42;
	v30 =	vadd.f32 v18, v30;
	v28 =	vadd.f32 v28, v39;
	v49 =	vld.idx.msk [tilespmem:v1+s29+$0x0], $0xffff  }
0x1dc: {  	v50 =	vld.idx.msk [tilespmem:v1+s30+$0x0], $0xffff;
	v54 =	vadd.f32 v26, v40;
	v27 =	vadd.f32 v27, v47;
	v17 =	vmul.f32 v17, v31  }
0x1dd: {  	v55 =	vld.idx.msk [tilespmem:v59+s28+$0x0], $0xffff;
	v28 =	vmul.f32 v30, v28;
	v30 =	vadd.f32 v23, v48;
	v31 =	vadd.f32 v51, v2  }
0x1de: {  	v29 =	vmul.f32 v3, v29;
	v58 =	vadd.f32 v38, v53;
	v27 =	vmul.f32 v54, v27  }
0x1df: {  	v0 =	vld.idx.msk [tilespmem:v0+s28+$0x0], $0xffff;
	v17 =	vmax.f32 v17, $1.000000000e-30;
	v30 =	vmul.f32 v30, v31;
	v28 =	vmax.f32 v28, $1.000000000e-30  }
0x1e0: {  	v31 =	vmax.f32 v29, $1.000000000e-30;
	v29 =	vld.idx.msk [tilespmem:v22+s28+$0x0], $0xffff;
	v22 =	vmul.f32 v46, v21;
	v57 =	vadd.f32 v24, v52  }
0x1e1: {  	(erf) = vrcp.f32 v17;
	v56 =	vadd.f32 v25, v49;
	v33 =	vadd.f32 v33, v50  }
0x1e2: {  	v59 =	vmax.f32 v27, $1.000000000e-30;
	v27 =	vmul.f32 v37, v55;
	(erf) = vrcp.f32 v28  }
0x1e3: {  	v32 =	vld.idx.msk [tilespmem:v19+s28+$0x0], $0xffff;
	v17 =	vmul.f32 v57, v58;
	v33 =	vmul.f32 v56, v33  }
0x1e4: {  	v34 =	vmax.f32 v30, $1.000000000e-30;
	v28 =	vld.idx.msk [tilespmem:v1+s28+$0x0], $0xffff;
	v30 =	vmul.f32 v18, v0;
	(erf) = vrcp.f32 v31  }
0x1e5: {  	s7 =	simm.s32 $0x4EC0;
	s25 =	simm.s32 $0x80;
	v31 =	vld.idx.msk [tilespmem:v45+s28+$0x0], $0xffff;
	(erf) = vrcp.f32 v59;
	v19 =	vmax.f32 v17, $1.000000000e-30;
	v33 =	vmax.f32 v33, $1.000000000e-30  }
.LBB2_8:
0x1e6: {  	v0 =	vld [tilespmem:s7+$0x30]  }
0x1e7: {  	v5 =	vmov v13;
	v13 =	vld [tilespmem:s7+$0xFFFFFFD0]  }
0x1e8: {  	v55 =	vmul.f32 v14, v20;
	v14 =	vld [tilespmem:s7+$0xFFFFFFF0]  }
0x1e9: {  	v56 =	vmul.f32 v15, v6;
	v15 =	vld [tilespmem:s7+$0x0]  }
0x1ea: {  	v59 =	vld [tilespmem:s7+$0xFFFFFFC0];
	s24 =	sadd.s32 $0x80, s24  }
0x1eb: {  	(erf) = vrcp.f32 v34;
	v52 =	vld [tilespmem:s24+$0x30]  }
0x1ec: {  	s23 =	sadd.s32 $0x80, s23;
	v57 =	vmul.f32 v16, v63;
	v6 =	vmov v62;
	(erf) = vrcp.f32 v33;
	v62 =	vld [tilespmem:s24+$0xFFFFFFD0]  }
0x1ed: {  	v21 =	vmul.f32 v26, v32;
	v2 =	vmul.f32 v23, v29;
	v23 =	vld [tilespmem:s23+$0x30]  }
0x1ee: {  	v3 =	vmul.f32 v25, v28;
	v26 =	vld [tilespmem:s7+$0xFFFFFFE0];
	v4 =	vmul.f32 v24, v31;
	v16 =	vand.u32 $0x3FFF, v0  }
0x1ef: {  	v31 =	vld [tilespmem:s7+$0x10];
	v25 =	vpop (erf);
	v58 =	vand.u32 $0x3FFF, v13;
	v13 =	vshrl.u32 v13, $0xC;
	v38 =	vand.u32 $0x3FFF, v14  }
0x1f0: {  	v40 =	vand.u32 $0x3FFF, v15;
	v28 =	vmul.f32 v25, v27;
	v24 =	vpop (erf);
	v33 =	vand.u32 $0x7C, v13;
	v13 =	vld [tilespmem:s7+$0x20]  }
0x1f1: {  	v47 =	vand.u32 $0x3FFF, v59;
	v25 =	vld [tilespmem:s23+$0xFFFFFFC0];
	v52 =	vmul.f32 v52, v52;
	v29 =	vmul.f32 v24, v30;
	v24 =	vpop (erf)  }
0x1f2: {  	v30 =	vmul.f32 v24, v22;
	v22 =	vshrl.u32 v14, $0xC;
	v24 =	vld [tilespmem:s23+$0xFFFFFFD0];
	v27 =	vand.u32 $0x3FFF, v23  }
0x1f3: {  	v35 =	vand.u32 $0x3FFF, v26;
	v26 =	vshrl.u32 v26, $0xC;
	v39 =	vand.u32 $0x7C, v22;
	v41 =	vld.idx.msk [tilespmem:v16+s4+$0x0], $0xffff  }
0x1f4: {  	v36 =	vpop (erf);
	v22 =	vshrl.u32 v15, $0xC;
	v43 =	vand.u32 $0x3FFF, v31;
	v37 =	vand.u32 $0x7C, v26;
	v26 =	vld [tilespmem:s23+$0xFFFFFFE0]  }
0x1f5: {  	v42 =	vand.u32 $0x7C, v22;
	v22 =	vshrl.u32 v31, $0xC;
	v31 =	vmul.f32 v36, v21;
	v21 =	vld [tilespmem:s23+$0x10]  }
0x1f6: {  	v0 =	vshrl.u32 v0, $0xC;
	v47 =	vld.idx.msk [tilespmem:v47+s4+$0x0], $0xffff  }
0x1f7: {  	(erf) = vrcp.f32 v19;
	v18 =	vmovc v3;
	v0 =	vand.u32 $0x7C, v0;
	v3 =	vmul.f32 v52, v52;
	v32 =	vld.idx.msk [tilespmem:v58+s4+$0x0], $0xffff  }
0x1f8: {  	v38 =	vld.idx.msk [tilespmem:v38+s4+$0x0], $0xffff;
	v44 =	vand.u32 $0x7C, v22;
	v45 =	vand.u32 $0x3FFF, v13;
	v13 =	vshrl.u32 v13, $0xC  }
0x1f9: {  	v22 =	vshrl.u32 v59, $0xC;
	v49 =	vand.u32 $0x3FFF, v25;
	v50 =	vshrl.u32 v25, $0xC;
	v46 =	vld.idx.msk [tilespmem:v27+s4+$0x0], $0xffff  }
0x1fa: {  	v40 =	vld.idx.msk [tilespmem:v40+s4+$0x0], $0xffff;
	v34 =	vand.u32 $0x7C, v13;
	v48 =	vand.u32 $0x7C, v22;
	v13 =	vshrl.u32 v23, $0xC  }
0x1fb: {  	v1 =	vmovc v61;
	v22 =	vld [tilespmem:s23+$0x0];
	v50 =	vand.u32 $0x7C, v50;
	v36 =	vand.u32 $0x3FFF, v24;
	v61 =	vshrl.u32 v24, $0xC  }
0x1fc: {  	v51 =	vand.u32 $0x7C, v13;
	v13 =	vld [tilespmem:s23+$0x20];
	v0 =	vshrl.u32 v41, v0;
	v53 =	vand.u32 $0x3FFF, v26  }
0x1fd: {  	[tilespmem:$0x1FFB0] =	vst v57;
	v27 =	vld [tilespmem:s23+$0xFFFFFFF0];
	v63 =	vshrl.u32 v26, $0xC;
	v57 =	vand.u32 $0x3FFF, v21;
	v0 =	vand.u32 $0xF, v0  }
0x1fe: {  	v35 =	vld.idx.msk [tilespmem:v35+s4+$0x0], $0xffff;
	v58 =	vshrl.u32 v21, $0xC;
	v0 =	vmul.u32 $0xA, v0;
	v46 =	vshrl.u32 v46, v51  }
0x1ff: {  	v43 =	vld.idx.msk [tilespmem:v43+s4+$0x0], $0xffff;
	v41 =	vand.u32 $0x7C, v61;
	v47 =	vshrl.u32 v47, v48;
	v46 =	vand.u32 $0xF, v46  }
0x200: {  	v32 =	vshrl.u32 v32, v33;
	v40 =	vshrl.u32 v40, v42;
	v42 =	vld [tilespmem:s24+$0xFFFFFFE0];
	v0 =	vadd.s32 v46, v0  }
0x201: {  	v38 =	vshrl.u32 v38, v39;
	v48 =	vand.u32 $0x7C, v58;
	v47 =	vand.u32 $0xF, v47;
	v49 =	vld.idx.msk [tilespmem:v49+s4+$0x0], $0xffff  }
0x202: {  	[tilespmem:$0x1FFA0] =	vst v1;
	v32 =	vand.u32 $0xF, v32;
	v38 =	vand.u32 $0xF, v38;
	v40 =	vand.u32 $0xF, v40;
	v36 =	vld.idx.msk [tilespmem:v36+s4+$0x0], $0xffff  }
0x203: {  	[tilespmem:$0x1FF90] =	vst v56;
	v56 =	vand.u32 $0x3FFF, v22;
	v1 =	vshrl.u32 v22, $0xC;
	v35 =	vshrl.u32 v35, v37;
	v37 =	vld.idx.msk [tilespmem:v45+s4+$0x0], $0xffff  }
0x204: {  	v47 =	vmul.u32 $0xA, v47;
	v32 =	vmul.u32 $0xA, v32;
	v38 =	vmul.u32 $0xA, v38;
	v45 =	vld [tilespmem:s24+$0xFFFFFFC0]  }
0x205: {  	v20 =	vmovc v60;
	v40 =	vmul.u32 $0xA, v40;
	v46 =	vand.u32 $0x7C, v1;
	v1 =	vmul.f32 v3, v3;
	v60 =	vld.idx.msk [tilespmem:v0+s29+$0x0], $0xffff  }
0x206: {  	[tilespmem:$0x1FF80] =	vst v55;
	v19 =	vmovc v2;
	v59 =	vand.u32 $0x3FFF, v13;
	v2 =	vshrl.u32 v13, $0xC;
	v54 =	vand.u32 $0x3FFF, v27;
	v33 =	vld.idx.msk [tilespmem:v0+s30+$0x0], $0xffff  }
0x207: {  	v55 =	vshrl.u32 v27, $0xC;
	v58 =	vand.u32 $0x7C, v2;
	[tilespmem:v9+s0+$0x0] =	vst.idx.add.f32.msk $0xffff, v28;
	v2 =	vmul.f32 v1, v3  }
0x208: {  	v51 =	vand.u32 $0x7C, v63;
	v43 =	vshrl.u32 v43, v44;
	v55 =	vand.u32 $0x7C, v55;
	v53 =	vld.idx.msk [tilespmem:v53+s4+$0x0], $0xffff  }
0x209: {  	v49 =	vshrl.u32 v49, v50;
	v56 =	vld.idx.msk [tilespmem:v56+s4+$0x0], $0xffff;
	v3 =	vmul.f32 v3, v52;
	v39 =	vmul.f32 v2, v52  }
0x20a: {  	v35 =	vand.u32 $0xF, v35;
	v42 =	vmul.f32 v42, v42;
	v49 =	vand.u32 $0xF, v49;
	v1 =	vld [tilespmem:s24+$0x0]  }
0x20b: {  	v36 =	vshrl.u32 v36, v41;
	v41 =	vld.idx.msk [tilespmem:v59+s4+$0x0], $0xffff;
	v60 =	vadd.f32 v39, v60;
	v33 =	vadd.f32 v3, v33  }
0x20c: {  	v35 =	vmul.u32 $0xA, v35;
	v63 =	vmul.f32 v42, v42;
	v47 =	vadd.s32 v49, v47;
	v54 =	vld.idx.msk [tilespmem:v54+s4+$0x0], $0xffff  }
0x20d: {  	v44 =	vmul.f32 v45, v45;
	v34 =	vshrl.u32 v37, v34;
	v52 =	vld [tilespmem:s24+$0xFFFFFFF0];
	v33 =	vmul.f32 v60, v33  }
0x20e: {  	v14 =	vpop (erf);
	v37 =	vmul.f32 v62, v62;
	v36 =	vand.u32 $0xF, v36;
	v2 =	vld [tilespmem:s24+$0x10];
	v59 =	vshrl.u32 v53, v51  }
0x20f: {  	v15 =	vpop (erf);
	v28 =	vadd.s32 v36, v32;
	v0 =	vld.idx.msk [tilespmem:v0+s28+$0x0], $0xffff;
	v9 =	vand.u32 $0xF, v59;
	v33 =	vmax.f32 v33, $1.000000000e-30  }
0x210: {  	v16 =	vpop (erf);
	[tilespmem:v11+s0+$0x0] =	vst.idx.add.f32.msk $0xffff, v29;
	v29 =	vadd.s32 v9, v35;
	v49 =	vshrl.u32 v56, v46;
	(erf) = vrcp.f32 v33  }
0x211: {  	[tilespmem:v12+s0+$0x0] =	vst.idx.add.f32.msk $0xffff, v30;
	v61 =	vmul.f32 v1, v1;
	v51 =	vand.u32 $0xF, v49;
	v36 =	vshrl.u32 v54, v55  }
0x212: {  	[tilespmem:v10+s0+$0x0] =	vst.idx.add.f32.msk $0xffff, v31;
	v35 =	vadd.s32 v51, v40;
	v52 =	vmul.f32 v52, v52;
	v9 =	vand.u32 $0xF, v36  }
0x213: {  	v50 =	vld.idx.msk [tilespmem:v57+s4+$0x0], $0xffff;
	v45 =	vmul.f32 v2, v2;
	v2 =	vmul.f32 v61, v61;
	v32 =	vadd.s32 v9, v38  }
0x214: {  	v31 =	vld.idx.msk [tilespmem:v47+s29+$0x0], $0xffff;
	v0 =	vmul.f32 v39, v0;
	v1 =	vmul.f32 v52, v52  }
0x215: {  	v43 =	vand.u32 $0xF, v43;
	v54 =	vld.idx.msk [tilespmem:v28+s29+$0x0], $0xffff;
	v57 =	vmul.f32 v45, v45;
	v53 =	vmul.f32 v2, v2  }
0x216: {  	v17 =	vmovc v7;
	v43 =	vmul.u32 $0xA, v43;
	v3 =	vld [tilespmem:s24+$0x20];
	v60 =	vmul.f32 v44, v44;
	v9 =	vmovc v25;
	v25 =	vmul.f32 v63, v63  }
0x217: {  	v7 =	vmovc v4;
	v34 =	vand.u32 $0xF, v34;
	v55 =	vmul.f32 v57, v57;
	v38 =	vmul.f32 v53, v2;
	v51 =	vld.idx.msk [tilespmem:v35+s29+$0x0], $0xffff  }
0x218: {  	v12 =	vshrl.u32 v50, v48;
	v53 =	vmul.f32 v63, v42;
	v4 =	vmul.f32 v60, v60;
	v46 =	vld.idx.msk [tilespmem:v32+s29+$0x0], $0xffff  }
0x219: {  	v10 =	vand.u32 $0xF, v12;
	v25 =	vmul.f32 v25, v63;
	v59 =	vmul.f32 v60, v44;
	v50 =	vld.idx.msk [tilespmem:v32+s30+$0x0], $0xffff;
	v11 =	vpop (erf)  }
0x21a: {  	v36 =	vadd.s32 v10, v43;
	v33 =	vmul.f32 v37, v37;
	v32 =	vld.idx.msk [tilespmem:v32+s28+$0x0], $0xffff;
	v0 =	vmul.f32 v11, v0  }
0x21b: {  	v62 =	vmul.f32 v3, v3;
	v40 =	vmul.f32 v55, v57;
	v11 =	vshrl.u32 v41, v58;
	v58 =	vld.idx.msk [tilespmem:v28+s30+$0x0], $0xffff  }
0x21c: {  	v55 =	vmul.f32 v57, v45;
	v30 =	vmul.f32 v33, v33;
	v10 =	vand.u32 $0xF, v11;
	[tilespmem:v23+s0+$0x0] =	vst.idx.add.f32.msk $0xffff, v0  }
0x21d: {  	v34 =	vmul.u32 $0xA, v34;
	v4 =	vmul.f32 v4, v60;
	v3 =	vmul.f32 v62, v62;
	v0 =	vld.idx.msk [tilespmem:v47+s30+$0x0], $0xffff  }
0x21e: {  	v23 =	vmul.f32 v1, v1;
	v11 =	vmov v24;
	v24 =	vmul.f32 v30, v33;
	v30 =	vld.idx.msk [tilespmem:v29+s30+$0x0], $0xffff  }
0x21f: {  	v39 =	vadd.s32 v10, v34;
	v33 =	vmul.f32 v33, v37;
	v10 =	vmov v27;
	v27 =	vld.idx.msk [tilespmem:v29+s29+$0x0], $0xffff  }
0x220: {  	v23 =	vmul.f32 v23, v1;
	v48 =	vmul.f32 v24, v37;
	v37 =	vld.idx.msk [tilespmem:v36+s29+$0x0], $0xffff  }
0x221: {  	v4 =	vmul.f32 v4, v44;
	v56 =	vmul.f32 v3, v3;
	v33 =	vadd.f32 v33, v58;
	v58 =	vld.idx.msk [tilespmem:v47+s28+$0x0], $0xffff  }
0x222: {  	v12 =	vmov v26;
	v26 =	vmul.f32 v23, v52;
	v23 =	vmul.f32 v38, v61;
	v38 =	vld.idx.msk [tilespmem:v35+s30+$0x0], $0xffff  }
0x223: {  	v49 =	vmul.f32 v25, v42;
	v31 =	vadd.f32 v4, v31;
	v34 =	vadd.f32 v48, v54;
	v54 =	vld.idx.msk [tilespmem:v36+s30+$0x0], $0xffff  }
0x224: {  	v41 =	vmul.f32 v56, v3;
	v1 =	vmul.f32 v1, v52;
	v0 =	vadd.f32 v59, v0;
	v56 =	vld.idx.msk [tilespmem:v39+s29+$0x0], $0xffff  }
0x225: {  	v25 =	vmul.f32 v40, v45;
	v57 =	vld.idx.msk [tilespmem:v39+s30+$0x0], $0xffff;
	v30 =	vadd.f32 v53, v30;
	v27 =	vadd.f32 v49, v27  }
0x226: {  	v1 =	vadd.f32 v1, v50;
	v59 =	vld.idx.msk [tilespmem:v28+s28+$0x0], $0xffff;
	v0 =	vmul.f32 v31, v0;
	v31 =	vadd.f32 v26, v46  }
0x227: {  	v24 =	vmul.f32 v41, v62;
	v50 =	vadd.f32 v23, v51;
	v51 =	vld.idx.msk [tilespmem:v29+s28+$0x0], $0xffff;
	v27 =	vmul.f32 v27, v30  }
0x228: {  	v29 =	vld.idx.msk [tilespmem:v35+s28+$0x0], $0xffff;
	v1 =	vmul.f32 v31, v1;
	v30 =	vadd.f32 v25, v37;
	v31 =	vadd.f32 v55, v54  }
0x229: {  	v3 =	vmul.f32 v3, v62;
	v53 =	vmax.f32 v27, $1.000000000e-30;
	v27 =	vmul.f32 v4, v58;
	v58 =	vld [tilespmem:$0x1FFA0]  }
0x22a: {  	v2 =	vmul.f32 v2, v61;
	v54 =	vadd.f32 v24, v56;
	v56 =	vld [tilespmem:$0x1FF80];
	v30 =	vmul.f32 v30, v31  }
0x22b: {  	s25 =	sadd.s32 $0x80, s25;
	v28 =	vmul.f32 v34, v33;
	v3 =	vadd.f32 v3, v57;
	v57 =	vld [tilespmem:$0x1FF90]  }
0x22c: {  	p0 =	slt.u32 s25, $0x380;
	v2 =	vadd.f32 v2, v38;
	v33 =	vmax.f32 v30, $1.000000000e-30;
	v30 =	vmul.f32 v48, v59;
	v59 =	vld [tilespmem:$0x1FFB0]  }
.Ltmp7:
0x22d: {  	v0 =	vmax.f32 v0, $1.000000000e-30;
	v52 =	vmax.f32 v28, $1.000000000e-30;
	v28 =	vld.idx.msk [tilespmem:v36+s28+$0x0], $0xffff;
	(pc) =	sbr.rel @p0 .LBB2_8-.Ltmp7, $4  }
0x22e: {  	v63 =	vmovc v7;
	v7 =	vmovc v22;
	v60 =	vmov v17;
	(erf) = vrcp.f32 v0;
	v2 =	vmul.f32 v50, v2;
	v31 =	vld.idx.msk [tilespmem:v39+s28+$0x0], $0xffff  }
0x22f: {  	v62 =	vmovc v8;
	v8 =	vmov v21;
	(erf) = vrcp.f32 v52;
	v55 =	vmul.f32 v54, v3;
	[tilespmem:v20+s0+$0x0] =	vst.idx.add.f32.msk $0xffff, v56  }
0x230: {  	v61 =	vmovc v5;
	v1 =	vmax.f32 v1, $1.000000000e-30;
	v22 =	vmul.f32 v49, v51;
	(erf) = vrcp.f32 v53;
	[tilespmem:v6+s0+$0x0] =	vst.idx.add.f32.msk $0xffff, v57  }
0x231: {  	s7 =	sadd.s32 $0x80, s7;
	v34 =	vmax.f32 v2, $1.000000000e-30;
	(erf) = vrcp.f32 v1;
	v20 =	vmovc v19;
	v6 =	vmovc v18;
	v19 =	vmax.f32 v55, $1.000000000e-30;
	[tilespmem:v58+s0+$0x0] =	vst.idx.add.f32.msk $0xffff, v59  }
0x232: {  	(erf) = vrcp.f32 v34  }
0x233: {  	(erf) = vrcp.f32 v33  }
0x234: {  	(erf) = vrcp.f32 v19  }
0x235: {  	v54 =	vmul.f32 v14, v20  }
0x236: {  	v56 =	vmul.f32 v15, v6  }
0x237: {  	v58 =	vmul.f32 v16, v63;
	[tilespmem:v60+s0+$0x0] =	vst.idx.add.f32.msk $0xffff, v54;
	v0 =	vpop (erf)  }
0x238: {  	[tilespmem:v62+s0+$0x0] =	vst.idx.add.f32.msk $0xffff, v56;
	v0 =	vmul.f32 v0, v27;
	v1 =	vpop (erf)  }
0x239: {  	v2 =	vmul.f32 v26, v32;
	[tilespmem:v61+s0+$0x0] =	vst.idx.add.f32.msk $0xffff, v58;
	v1 =	vmul.f32 v1, v30;
	v3 =	vpop (erf)  }
0x23a: {  	v55 =	vmul.f32 v23, v29;
	v3 =	vmul.f32 v3, v22;
	v4 =	vpop (erf);
	[tilespmem:v9+s0+$0x0] =	vst.idx.add.f32.msk $0xffff, v0  }
0x23b: {  	v57 =	vmul.f32 v25, v28;
	v53 =	vmul.f32 v4, v2;
	[tilespmem:v11+s0+$0x0] =	vst.idx.add.f32.msk $0xffff, v1;
	v5 =	vpop (erf)  }
0x23c: {  	v59 =	vmul.f32 v24, v31;
	[tilespmem:v12+s0+$0x0] =	vst.idx.add.f32.msk $0xffff, v3;
	v60 =	vpop (erf);
	v2 =	vmul.f32 v5, v55  }
0x23d: {  	[tilespmem:v10+s0+$0x0] =	vst.idx.add.f32.msk $0xffff, v53;
	v63 =	vpop (erf);
	v0 =	vmul.f32 v60, v57  }
0x23e: {  	v1 =	vmul.f32 v63, v59;
	[tilespmem:v7+s0+$0x0] =	vst.idx.add.f32.msk $0xffff, v2  }
0x23f: {  	[tilespmem:v8+s0+$0x0] =	vst.idx.add.f32.msk $0xffff, v0  }
0x240: {  	[tilespmem:v13+s0+$0x0] =	vst.idx.add.f32.msk $0xffff, v1  }
.LBB2_10:
0x241: {  	s7 =	sadd.s32 s17, s22  }
0x242: {  	p0 =	sgt.u32 s7, $0xC34  }
.Ltmp8:
0x243: {  	_ = 	snop;
	(pc) =	sbr.rel @p0 .LBB2_14-.Ltmp8, $1  }
0x244: {  	_ =	sdelay $0x3  }
0x245: {  	_ =	swait.ge [sflag:s3], $0x400  }
0x246: {  	[sflag:s3] =	ssyncset.done $0x0  }
0x247: {  	[sflag:s3] =	ssyncadd.s32 $0xFFFFFC00  }
0x248: {  	_ =	swait.ge [sflag:s3], $0x400  }
0x249: {  	p0 =	sgt.u32 s7, $0xBF4;
	[sflag:s3] =	ssyncset.done $0x0  }
0x24a: {  	s7 =	sshll.u32 @!p0 s7, $0x7;
	[sflag:s3] =	ssyncadd.s32 $0xFFFFFC00  }
0x24b: {  	s23 =	simm.s32 @!p0 $0x0;
	s7 =	sand.u32 @!p0 $0x1FFFFF80, s7;
	_ =	swait.ge [sflag:s3], $0x400  }
0x24c: {  	s24 =	simm.s32 @!p0 $0x4D80;
	s9 =	sadd.s32 @!p0 $0x2000, s7;
	[sflag:s3] =	ssyncset.done $0x0  }
0x24d: {  	s7 =	sadd.s32 @!p0 s6, s7;
	s22 =	sadd.s32 @!p0 s6, s9;
	[sflag:s3] =	ssyncadd.s32 $0xFFFFFC00  }
0x24e: {  	[tilespmem:s24], [sflag:$0x2] =	stream.linear.gather @!p0 [hbm4b:s22+s23], $0x400, $0x38;
	[tilespmem:$0x1EC80] =	vst v63  }
0x24f: {  	s7 =	sadd.s32 @!p0 $0x63A80, s7;
	s22 =	simm.s32 @!p0 $0x5180  }
0x250: {  	[tilespmem:s22], [sflag:$0x2] =	stream.linear.gather @!p0 [hbm4b:s7+s23], $0x400, $0x38;
	[tilespmem:$0x1EC80] =	vst v63  }
0x251: {  	s7 =	sadd.s32 @!p0 s1, s9;
	s9 =	simm.s32 @!p0 $0x5580;
	s22 =	simm.s32 $0x59C0  }
0x252: {  	[tilespmem:s9], [sflag:$0x2] =	stream.linear.gather @!p0 [hbm4b:s7+s23], $0x400, $0x38;
	[tilespmem:$0x1EC80] =	vst v63  }
0x253: {  	s23 =	simm.s32 $0x5DC0;
	v0 =	vld [tilespmem:s22+$0x30]  }
0x254: {  	v4 =	vld [tilespmem:s23+$0x30]  }
0x255: {  	v1 =	vld [tilespmem:s22+$0xFFFFFFD0]  }
0x256: {  	v2 =	vld [tilespmem:s22+$0xFFFFFFE0]  }
0x257: {  	v3 =	vld [tilespmem:s22+$0xFFFFFFF0]  }
0x258: {  	v6 =	vld [tilespmem:s22+$0x0]  }
0x259: {  	v9 =	vld [tilespmem:s22+$0x20]  }
0x25a: {  	v10 =	vld [tilespmem:s22+$0xFFFFFFC0]  }
0x25b: {  	v16 =	vld [tilespmem:s23+$0xFFFFFFC0]  }
0x25c: {  	v17 =	vld [tilespmem:s23+$0xFFFFFFD0]  }
0x25d: {  	v18 =	vld [tilespmem:s23+$0xFFFFFFE0];
	v5 =	vand.u32 $0x3FFF, v0  }
0x25e: {  	v19 =	vld [tilespmem:s23+$0xFFFFFFF0];
	v8 =	vand.u32 $0x3FFF, v4;
	v11 =	vand.u32 $0x3FFF, v1  }
0x25f: {  	v60 =	vld [tilespmem:s23+$0x0];
	v1 =	vshrl.u32 v1, $0xC;
	v12 =	vshrl.u32 v2, $0xC;
	v14 =	vand.u32 $0x3FFF, v2  }
0x260: {  	v62 =	vld [tilespmem:s23+$0x10];
	v51 =	vshrl.u32 v3, $0xC;
	v0 =	vshrl.u32 v0, $0xC;
	v20 =	vand.u32 $0x3FFF, v6  }
0x261: {  	v61 =	vld [tilespmem:s23+$0x20];
	v21 =	vand.u32 $0x3FFF, v10;
	v52 =	vshrl.u32 v4, $0xC;
	v53 =	vshrl.u32 v6, $0xC  }
0x262: {  	v24 =	vand.u32 $0x3FFF, v9;
	v9 =	vshrl.u32 v9, $0xC;
	v10 =	vshrl.u32 v10, $0xC;
	v5 =	vld.idx.msk [tilespmem:v5+s4+$0x0], $0xffff  }
0x263: {  	v7 =	vld [tilespmem:s22+$0x10];
	v25 =	vshrl.u32 v16, $0xC;
	v26 =	vand.u32 $0x3FFF, v17;
	v28 =	vshrl.u32 v17, $0xC  }
0x264: {  	s24 =	simm.s32 $0x61C0;
	v29 =	vand.u32 $0x3FFF, v18;
	v30 =	vshrl.u32 v18, $0xC;
	v31 =	vand.u32 $0x3FFF, v19;
	v50 =	vld.idx.msk [tilespmem:v8+s4+$0x0], $0xffff  }
0x265: {  	v56 =	vld [tilespmem:s24+$0xFFFFFFD0];
	v32 =	vshrl.u32 v19, $0xC;
	v35 =	vand.u32 $0x3FFF, v60;
	v36 =	vshrl.u32 v60, $0xC  }
0x266: {  	v37 =	vand.u32 $0x3FFF, v62;
	v39 =	vshrl.u32 v62, $0xC;
	v0 =	vand.u32 $0x7C, v0;
	v21 =	vld.idx.msk [tilespmem:v21+s4+$0x0], $0xffff  }
0x267: {  	v40 =	vand.u32 $0x3FFF, v61;
	v41 =	vshrl.u32 v61, $0xC;
	v0 =	vshrl.u32 v5, v0;
	v5 =	vld [tilespmem:s24+$0x30]  }
0x268: {  	v6 =	vand.u32 $0x7C, v52;
	v8 =	vand.u32 $0x3FFF, v3;
	v11 =	vld.idx.msk [tilespmem:v11+s4+$0x0], $0xffff;
	v0 =	vand.u32 $0xF, v0  }
0x269: {  	v13 =	vand.u32 $0x7C, v1;
	v14 =	vld.idx.msk [tilespmem:v14+s4+$0x0], $0xffff;
	v2 =	vshrl.u32 v50, v6;
	v0 =	vmul.u32 $0xA, v0  }
0x26a: {  	v12 =	vand.u32 $0x7C, v12;
	v15 =	vand.u32 $0x7C, v51;
	v20 =	vld.idx.msk [tilespmem:v20+s4+$0x0], $0xffff;
	v23 =	vand.u32 $0xF, v2  }
0x26b: {  	v22 =	vand.u32 $0x7C, v53;
	v9 =	vand.u32 $0x7C, v9;
	v24 =	vld.idx.msk [tilespmem:v24+s4+$0x0], $0xffff;
	v0 =	vadd.s32 v23, v0  }
0x26c: {  	v10 =	vand.u32 $0x7C, v10;
	v25 =	vand.u32 $0x7C, v25;
	v58 =	vld.idx.msk [tilespmem:v37+s4+$0x0], $0xffff;
	v5 =	vmul.f32 v5, v5  }
0x26d: {  	v28 =	vand.u32 $0x7C, v28;
	v30 =	vand.u32 $0x7C, v30;
	v54 =	vand.u32 $0x7C, v36;
	v8 =	vld.idx.msk [tilespmem:v8+s4+$0x0], $0xffff  }
0x26e: {  	v55 =	vand.u32 $0x7C, v39;
	v10 =	vshrl.u32 v21, v10;
	v21 =	vld [tilespmem:s24+$0xFFFFFFC0];
	v27 =	vmul.f32 v5, v5  }
0x26f: {  	v57 =	vand.u32 $0x7C, v41;
	v6 =	vand.u32 $0x3FFF, v7;
	v11 =	vshrl.u32 v11, v13;
	v13 =	vld [tilespmem:s24+$0xFFFFFFE0]  }
0x270: {  	v7 =	vshrl.u32 v7, $0xC;
	v12 =	vshrl.u32 v14, v12;
	v33 =	vld.idx.msk [tilespmem:v0+s29+$0x0], $0xffff;
	v34 =	vmul.f32 v27, v27  }
0x271: {  	v20 =	vshrl.u32 v20, v22;
	v9 =	vshrl.u32 v24, v9;
	v24 =	vmul.f32 v56, v56;
	v38 =	vld.idx.msk [tilespmem:v0+s30+$0x0], $0xffff  }
0x272: {  	v14 =	vld [tilespmem:s24+$0xFFFFFFF0];
	v47 =	vshrl.u32 v58, v55;
	v7 =	vand.u32 $0x7C, v7;
	v34 =	vmul.f32 v34, v27  }
0x273: {  	v22 =	vld.idx.msk [tilespmem:v26+s4+$0x0], $0xffff;
	v10 =	vand.u32 $0xF, v10;
	v11 =	vand.u32 $0xF, v11;
	v23 =	vand.u32 $0x3FFF, v16  }
0x274: {  	v26 =	vld.idx.msk [tilespmem:v29+s4+$0x0], $0xffff;
	v12 =	vand.u32 $0xF, v12;
	v34 =	vmul.f32 v34, v5;
	v5 =	vmul.f32 v27, v5  }
0x275: {  	v9 =	vand.u32 $0xF, v9;
	v10 =	vmul.u32 $0xA, v10;
	v11 =	vmul.u32 $0xA, v11  }
0x276: {  	v9 =	vmul.u32 $0xA, v9;
	v6 =	vld.idx.msk [tilespmem:v6+s4+$0x0], $0xffff;
	v33 =	vadd.f32 v34, v33;
	v5 =	vadd.f32 v5, v38  }
0x277: {  	v8 =	vshrl.u32 v8, v15;
	v15 =	vld [tilespmem:s24+$0x0];
	v21 =	vmul.f32 v21, v21;
	v14 =	vmul.f32 v14, v14  }
0x278: {  	v13 =	vmul.f32 v13, v13;
	v22 =	vshrl.u32 v22, v28;
	v23 =	vld.idx.msk [tilespmem:v23+s4+$0x0], $0xffff;
	v5 =	vmul.f32 v33, v5  }
0x279: {  	v59 =	vld.idx.msk [tilespmem:v40+s4+$0x0], $0xffff;
	v26 =	vshrl.u32 v26, v30;
	v22 =	vand.u32 $0xF, v22;
	v30 =	vmul.f32 v14, v14  }
0x27a: {  	v26 =	vand.u32 $0xF, v26;
	v28 =	vmul.f32 v13, v13;
	v0 =	vld.idx.msk [tilespmem:v0+s28+$0x0], $0xffff;
	v5 =	vmax.f32 v5, $1.000000000e-30  }
0x27b: {  	v11 =	vadd.s32 v22, v11;
	v51 =	vmul.f32 v30, v30;
	(erf) = vrcp.f32 v5  }
0x27c: {  	s22 =	simm.s32 $0x5E40;
	v49 =	vmul.f32 v28, v28;
	v6 =	vshrl.u32 v6, v7;
	v7 =	vld [tilespmem:s24+$0x10];
	v15 =	vmul.f32 v15, v15  }
0x27d: {  	v1 =	vld [tilespmem:s22+$0x30];
	v56 =	vmul.f32 v51, v30;
	v27 =	vand.u32 $0x7C, v32;
	v23 =	vshrl.u32 v23, v25  }
0x27e: {  	v29 =	vld.idx.msk [tilespmem:v31+s4+$0x0], $0xffff;
	v32 =	vmul.f32 v49, v28;
	v23 =	vand.u32 $0xF, v23;
	v5 =	vmul.u32 $0xA, v12  }
0x27f: {  	v31 =	vld.idx.msk [tilespmem:v35+s4+$0x0], $0xffff;
	v0 =	vmul.f32 v34, v0;
	v34 =	vshrl.u32 v59, v57;
	v10 =	vadd.s32 v23, v10  }
0x280: {  	v34 =	vand.u32 $0xF, v34;
	v12 =	vand.u32 $0xF, v20;
	v20 =	vld [tilespmem:s24+$0x20];
	v5 =	vadd.s32 v26, v5  }
0x281: {  	v48 =	vld.idx.msk [tilespmem:v11+s29+$0x0], $0xffff;
	v25 =	vmul.f32 v21, v21;
	v7 =	vmul.f32 v7, v7;
	v9 =	vadd.s32 v34, v9  }
0x282: {  	v8 =	vand.u32 $0xF, v8;
	v50 =	vld.idx.msk [tilespmem:v11+s30+$0x0], $0xffff;
	v32 =	vmul.f32 v32, v13;
	v13 =	vmul.f32 v28, v13  }
0x283: {  	v8 =	vmul.u32 $0xA, v8;
	v11 =	vld.idx.msk [tilespmem:v11+s28+$0x0], $0xffff;
	v23 =	vmul.f32 v24, v24;
	v46 =	vmul.f32 v25, v25  }
0x284: {  	v27 =	vshrl.u32 v29, v27;
	v29 =	vmul.f32 v7, v7;
	v34 =	vmul.f32 v56, v14;
	v26 =	vld.idx.msk [tilespmem:v10+s29+$0x0], $0xffff;
	v22 =	vpop (erf)  }
0x285: {  	v6 =	vand.u32 $0xF, v6;
	v20 =	vmul.f32 v20, v20;
	v55 =	vld.idx.msk [tilespmem:v5+s30+$0x0], $0xffff;
	v0 =	vmul.f32 v22, v0  }
0x286: {  	v27 =	vand.u32 $0xF, v27;
	v14 =	vmul.f32 v30, v14;
	v58 =	vld.idx.msk [tilespmem:v9+s30+$0x0], $0xffff;
	v22 =	vmul.f32 v15, v15  }
0x287: {  	v6 =	vmul.u32 $0xA, v6;
	v63 =	vmul.f32 v20, v20;
	[tilespmem:v4+s0+$0x0] =	vst.idx.add.f32.msk $0xffff, v0;
	v4 =	vadd.s32 v27, v8  }
0x288: {  	v53 =	vld.idx.msk [tilespmem:v5+s29+$0x0], $0xffff;
	v8 =	vshrl.u32 v31, v54;
	v31 =	vmul.f32 v23, v23;
	v52 =	vmul.f32 v22, v22  }
0x289: {  	v12 =	vmul.u32 $0xA, v12;
	v5 =	vld.idx.msk [tilespmem:v5+s28+$0x0], $0xffff;
	v54 =	vmul.f32 v63, v63;
	v0 =	vmul.f32 v46, v25  }
0x28a: {  	v27 =	vld.idx.msk [tilespmem:v10+s30+$0x0], $0xffff;
	v13 =	vadd.f32 v13, v55;
	v8 =	vand.u32 $0xF, v8;
	v31 =	vmul.f32 v31, v23  }
0x28b: {  	v10 =	vld.idx.msk [tilespmem:v10+s28+$0x0], $0xffff;
	v8 =	vadd.s32 v8, v12;
	v38 =	vmul.f32 v52, v22;
	v0 =	vmul.f32 v0, v21  }
0x28c: {  	v12 =	vand.u32 $0xF, v47;
	v21 =	vmul.f32 v25, v21;
	v25 =	vld.idx.msk [tilespmem:v9+s29+$0x0], $0xffff;
	v23 =	vmul.f32 v23, v24  }
0x28d: {  	s23 =	simm.s32 $0x6240;
	v40 =	vmul.f32 v54, v63;
	v9 =	vld.idx.msk [tilespmem:v9+s28+$0x0], $0xffff;
	v6 =	vadd.s32 v12, v6;
	v12 =	vmul.f32 v29, v29  }
0x28e: {  	v38 =	vmul.f32 v38, v15;
	v15 =	vmul.f32 v22, v15;
	v22 =	vadd.f32 v23, v50;
	v50 =	vld [tilespmem:s23+$0x30]  }
0x28f: {  	v31 =	vmul.f32 v31, v24;
	v26 =	vadd.f32 v0, v26;
	v24 =	vadd.f32 v32, v53;
	v42 =	vld.idx.msk [tilespmem:v4+s29+$0x0], $0xffff  }
0x290: {  	s25 =	simm.s32 $0x5A40;
	v40 =	vmul.f32 v40, v20;
	v20 =	vmul.f32 v63, v20;
	v57 =	vld.idx.msk [tilespmem:v4+s30+$0x0], $0xffff;
	v21 =	vadd.f32 v21, v27  }
0x291: {  	v12 =	vmul.f32 v12, v29;
	v33 =	vadd.f32 v31, v48;
	v13 =	vmul.f32 v24, v13;
	v24 =	vld [tilespmem:s25+$0xFFFFFFD0]  }
0x292: {  	v0 =	vmul.f32 v0, v10;
	v43 =	vld.idx.msk [tilespmem:v8+s29+$0x0], $0xffff;
	v21 =	vmul.f32 v26, v21  }
0x293: {  	v44 =	vld.idx.msk [tilespmem:v8+s30+$0x0], $0xffff;
	v12 =	vmul.f32 v12, v7;
	v22 =	vmul.f32 v33, v22  }
0x294: {  	v7 =	vmul.f32 v29, v7;
	v63 =	vmul.f32 v40, v9;
	v45 =	vld.idx.msk [tilespmem:v6+s29+$0x0], $0xffff;
	v21 =	vmax.f32 v21, $1.000000000e-30  }
0x295: {  	v46 =	vld.idx.msk [tilespmem:v6+s30+$0x0], $0xffff;
	v13 =	vmax.f32 v13, $1.000000000e-30;
	v22 =	vmax.f32 v22, $1.000000000e-30;
	(erf) = vrcp.f32 v21  }
0x296: {  	v6 =	vld.idx.msk [tilespmem:v6+s28+$0x0], $0xffff;
	v23 =	vadd.f32 v34, v42;
	v14 =	vadd.f32 v14, v57;
	(erf) = vrcp.f32 v22  }
0x297: {  	v4 =	vld.idx.msk [tilespmem:v4+s28+$0x0], $0xffff;
	v22 =	vadd.f32 v40, v25;
	v28 =	vand.u32 $0x3FFF, v24;
	v9 =	vshrl.u32 v24, $0xC  }
0x298: {  	v8 =	vld.idx.msk [tilespmem:v8+s28+$0x0], $0xffff;
	v26 =	vadd.f32 v38, v43;
	v15 =	vadd.f32 v15, v44;
	v14 =	vmul.f32 v23, v14  }
0x299: {  	v24 =	vld [tilespmem:s25+$0xFFFFFFC0];
	(erf) = vrcp.f32 v13;
	v23 =	vadd.f32 v20, v58;
	v21 =	vadd.f32 v12, v45  }
0x29a: {  	v13 =	vld [tilespmem:s25+$0x30];
	v7 =	vadd.f32 v7, v46;
	v15 =	vmul.f32 v26, v15;
	v14 =	vmax.f32 v14, $1.000000000e-30  }
0x29b: {  	v6 =	vmul.f32 v12, v6;
	v12 =	vand.u32 $0x3FFF, v1;
	(erf) = vrcp.f32 v14;
	v14 =	vld [tilespmem:s25+$0xFFFFFFF0]  }
0x29c: {  	v7 =	vmul.f32 v21, v7;
	v10 =	vmax.f32 v15, $1.000000000e-30;
	v15 =	vmul.f32 v22, v23;
	v22 =	vld [tilespmem:s25+$0xFFFFFFE0]  }
0x29d: {  	v28 =	vld.idx.msk [tilespmem:v28+s4+$0x0], $0xffff  }
0x29e: {  	v7 =	vmax.f32 v7, $1.000000000e-30;
	(erf) = vrcp.f32 v10;
	v10 =	vld [tilespmem:s25+$0x0]  }
0x29f: {  	v2 =	vand.u32 $0x3FFF, v24;
	(erf) = vrcp.f32 v7;
	v7 =	vld [tilespmem:s25+$0x10]  }
0x2a0: {  	v11 =	vmul.f32 v31, v11;
	v31 =	vld.idx.msk [tilespmem:v12+s4+$0x0], $0xffff  }
0x2a1: {  	v27 =	vand.u32 $0x3FFF, v13;
	v15 =	vmax.f32 v15, $1.000000000e-30;
	v12 =	vld [tilespmem:s22+$0xFFFFFFE0]  }
0x2a2: {  	v20 =	vmul.f32 v38, v8;
	(erf) = vrcp.f32 v15;
	v8 =	vpop (erf);
	v15 =	vld [tilespmem:s25+$0x20]  }
0x2a3: {  	v49 =	vshrl.u32 v1, $0xC;
	v23 =	vmul.f32 v8, v0;
	v0 =	vand.u32 $0x7C, v9;
	v9 =	vld [tilespmem:s22+$0xFFFFFFC0]  }
0x2a4: {  	v37 =	vand.u32 $0x7C, v49;
	v25 =	vmul.f32 v32, v5;
	v38 =	vmul.f32 v50, v50;
	v21 =	vpop (erf);
	v35 =	vld.idx.msk [tilespmem:v2+s4+$0x0], $0xffff  }
0x2a5: {  	v26 =	vmul.f32 v34, v4;
	v21 =	vmul.f32 v21, v11;
	v8 =	vpop (erf);
	v0 =	vshrl.u32 v28, v0;
	v28 =	vld [tilespmem:s23+$0xFFFFFFD0]  }
0x2a6: {  	v29 =	vand.u32 $0x3FFF, v22;
	v11 =	vshrl.u32 v22, $0xC;
	v22 =	vmul.f32 v8, v25;
	v8 =	vld.idx.msk [tilespmem:v27+s4+$0x0], $0xffff  }
0x2a7: {  	v48 =	vmul.f32 v38, v38;
	v24 =	vshrl.u32 v24, $0xC;
	v25 =	vand.u32 $0x7C, v11;
	v11 =	vld [tilespmem:s22+$0xFFFFFFD0]  }
0x2a8: {  	v13 =	vshrl.u32 v13, $0xC;
	v30 =	vand.u32 $0x3FFF, v10;
	v10 =	vshrl.u32 v10, $0xC;
	[tilespmem:v16+s0+$0x0] =	vst.idx.add.f32.msk $0xffff, v23  }
0x2a9: {  	v24 =	vand.u32 $0x7C, v24;
	v13 =	vand.u32 $0x7C, v13;
	v32 =	vand.u32 $0x7C, v10;
	v10 =	vld [tilespmem:s22+$0xFFFFFFF0]  }
0x2aa: {  	v27 =	vand.u32 $0x3FFF, v14;
	v59 =	vand.u32 $0x3FFF, v7;
	v7 =	vshrl.u32 v7, $0xC;
	[tilespmem:v17+s0+$0x0] =	vst.idx.add.f32.msk $0xffff, v21  }
0x2ab: {  	v14 =	vshrl.u32 v14, $0xC;
	v0 =	vand.u32 $0xF, v0;
	v34 =	vand.u32 $0x7C, v7;
	v7 =	vld [tilespmem:s22+$0x0]  }
0x2ac: {  	v14 =	vand.u32 $0x7C, v14;
	v31 =	vshrl.u32 v31, v37;
	v42 =	vand.u32 $0x3FFF, v12;
	[tilespmem:v18+s0+$0x0] =	vst.idx.add.f32.msk $0xffff, v22  }
0x2ad: {  	v56 =	vshrl.u32 v12, $0xC;
	v0 =	vmul.u32 $0xA, v0;
	v3 =	vand.u32 $0x3FFF, v15;
	v29 =	vld.idx.msk [tilespmem:v29+s4+$0x0], $0xffff  }
0x2ae: {  	v15 =	vshrl.u32 v15, $0xC;
	v53 =	vpop (erf);
	v31 =	vand.u32 $0xF, v31;
	v13 =	vshrl.u32 v8, v13;
	v8 =	vld [tilespmem:s22+$0x10]  }
0x2af: {  	v43 =	vand.u32 $0x7C, v56;
	v54 =	vshrl.u32 v9, $0xC;
	v26 =	vmul.f32 v53, v26;
	v27 =	vld.idx.msk [tilespmem:v27+s4+$0x0], $0xffff  }
0x2b0: {  	v15 =	vand.u32 $0x7C, v15;
	v40 =	vand.u32 $0x3FFF, v9;
	v41 =	vand.u32 $0x7C, v54;
	v30 =	vld.idx.msk [tilespmem:v30+s4+$0x0], $0xffff  }
0x2b1: {  	v24 =	vshrl.u32 v35, v24;
	v28 =	vmul.f32 v28, v28;
	v39 =	vand.u32 $0x3FFF, v11;
	[tilespmem:v19+s0+$0x0] =	vst.idx.add.f32.msk $0xffff, v26  }
0x2b2: {  	v55 =	vshrl.u32 v11, $0xC;
	v24 =	vand.u32 $0xF, v24;
	v51 =	vand.u32 $0xF, v13;
	v13 =	vld [tilespmem:s22+$0x20]  }
0x2b3: {  	v44 =	vand.u32 $0x3FFF, v10;
	v57 =	vshrl.u32 v10, $0xC;
	v33 =	vld.idx.msk [tilespmem:v59+s4+$0x0], $0xffff;
	v52 =	vmul.u32 $0xA, v51  }
0x2b4: {  	v37 =	vand.u32 $0x7C, v55;
	v24 =	vmul.u32 $0xA, v24;
	v2 =	vld.idx.msk [tilespmem:v42+s4+$0x0], $0xffff;
	v46 =	vand.u32 $0x3FFF, v7  }
0x2b5: {  	v47 =	vshrl.u32 v7, $0xC;
	v45 =	vand.u32 $0x7C, v57;
	v35 =	vld.idx.msk [tilespmem:v3+s4+$0x0], $0xffff;
	v31 =	vadd.s32 v31, v52  }
0x2b6: {  	v57 =	vld [tilespmem:s23+$0x10];
	v47 =	vand.u32 $0x7C, v47;
	v52 =	vmul.f32 v48, v48;
	v25 =	vshrl.u32 v29, v25  }
0x2b7: {  	v29 =	vld [tilespmem:s23+$0xFFFFFFE0];
	v49 =	vand.u32 $0x3FFF, v8;
	v50 =	vshrl.u32 v8, $0xC;
	v14 =	vshrl.u32 v27, v14  }
0x2b8: {  	v27 =	vld [tilespmem:s23+$0xFFFFFFF0];
	v25 =	vand.u32 $0xF, v25;
	v30 =	vshrl.u32 v30, v32;
	v53 =	vand.u32 $0x3FFF, v13  }
0x2b9: {  	v39 =	vld.idx.msk [tilespmem:v39+s4+$0x0], $0xffff;
	v54 =	vshrl.u32 v13, $0xC;
	v58 =	vmul.f32 v52, v48;
	v50 =	vand.u32 $0x7C, v50  }
0x2ba: {  	v14 =	vand.u32 $0xF, v14;
	v56 =	vshrl.u32 v33, v34;
	v30 =	vand.u32 $0xF, v30;
	v51 =	vld.idx.msk [tilespmem:v31+s29+$0x0], $0xffff  }
0x2bb: {  	v25 =	vmul.u32 $0xA, v25;
	v52 =	vand.u32 $0x7C, v54;
	v30 =	vmul.u32 $0xA, v30;
	v55 =	vld.idx.msk [tilespmem:v31+s30+$0x0], $0xffff  }
0x2bc: {  	v54 =	vld [tilespmem:s23+$0xFFFFFFC0];
	v15 =	vshrl.u32 v35, v15;
	v33 =	vmul.f32 v57, v57;
	v35 =	vshrl.u32 v2, v43  }
0x2bd: {  	v44 =	vld.idx.msk [tilespmem:v44+s4+$0x0], $0xffff;
	v36 =	vmul.f32 v58, v38;
	v38 =	vmul.f32 v48, v38;
	v48 =	vmul.u32 $0xA, v14  }
0x2be: {  	v14 =	vld.idx.msk [tilespmem:v40+s4+$0x0], $0xffff;
	v3 =	vand.u32 $0xF, v15;
	v21 =	vand.u32 $0xF, v35;
	v29 =	vmul.f32 v29, v29  }
0x2bf: {  	v57 =	vmul.f32 v33, v33;
	v21 =	vadd.s32 v21, v25;
	v27 =	vmul.f32 v27, v27  }
0x2c0: {  	v46 =	vld.idx.msk [tilespmem:v46+s4+$0x0], $0xffff;
	v37 =	vshrl.u32 v39, v37;
	v59 =	vadd.f32 v36, v51;
	v38 =	vadd.f32 v38, v55  }
0x2c1: {  	v31 =	vld.idx.msk [tilespmem:v31+s28+$0x0], $0xffff;
	v23 =	vand.u32 $0xF, v37;
	v35 =	vmul.f32 v57, v57;
	v54 =	vmul.f32 v54, v54  }
0x2c2: {  	v49 =	vld.idx.msk [tilespmem:v49+s4+$0x0], $0xffff;
	v0 =	vadd.s32 v23, v0;
	v23 =	vshrl.u32 v44, v45;
	v58 =	vmul.f32 v59, v38  }
0x2c3: {  	v14 =	vshrl.u32 v14, v41;
	v41 =	vmul.f32 v27, v27;
	v51 =	vld [tilespmem:s23+$0x0];
	v55 =	vmul.f32 v29, v29  }
0x2c4: {  	v53 =	vld.idx.msk [tilespmem:v53+s4+$0x0], $0xffff;
	v22 =	vand.u32 $0xF, v23;
	v35 =	vmul.f32 v35, v57;
	v34 =	vmax.f32 v58, $1.000000000e-30  }
0x2c5: {  	v15 =	vand.u32 $0xF, v14;
	v59 =	vld [tilespmem:s23+$0x20];
	v25 =	vmul.f32 v55, v55;
	(erf) = vrcp.f32 v34  }
0x2c6: {  	v17 =	vmul.f32 v36, v31;
	v19 =	vadd.s32 v22, v48;
	v22 =	vshrl.u32 v46, v47  }
0x2c7: {  	v22 =	vand.u32 $0xF, v22;
	v47 =	vshrl.u32 v49, v50;
	v25 =	vmul.f32 v25, v55  }
0x2c8: {  	v22 =	vadd.s32 v22, v30;
	v34 =	vmul.f32 v54, v54;
	v42 =	vmul.f32 v51, v51  }
0x2c9: {  	v43 =	vld.idx.msk [tilespmem:v21+s29+$0x0], $0xffff;
	v50 =	vshrl.u32 v53, v52;
	v51 =	vmul.f32 v28, v28;
	v46 =	vmul.f32 v25, v29  }
0x2ca: {  	v53 =	vld.idx.msk [tilespmem:v21+s30+$0x0], $0xffff;
	v25 =	vmul.f32 v35, v33;
	v38 =	vmul.f32 v59, v59;
	v59 =	vadd.s32 v15, v24  }
0x2cb: {  	v32 =	vand.u32 $0xF, v56;
	v14 =	vpop (erf);
	v21 =	vld.idx.msk [tilespmem:v21+s28+$0x0], $0xffff;
	v29 =	vmul.f32 v55, v29;
	v56 =	vmul.f32 v42, v42  }
0x2cc: {  	v30 =	vld.idx.msk [tilespmem:v0+s29+$0x0], $0xffff;
	v15 =	vpop (erf);
	v40 =	vmul.f32 v34, v34;
	v58 =	vmul.f32 v38, v38  }
0x2cd: {  	v32 =	vmul.u32 $0xA, v32;
	v39 =	vld.idx.msk [tilespmem:v0+s30+$0x0], $0xffff;
	v33 =	vmul.f32 v57, v33;
	v16 =	vpop (erf);
	v26 =	vmul.f32 v56, v56  }
0x2ce: {  	v24 =	vmul.u32 $0xA, v3;
	v2 =	vld.idx.msk [tilespmem:v22+s30+$0x0], $0xffff;
	v49 =	vmul.f32 v40, v34;
	v48 =	vmul.f32 v58, v58;
	v18 =	vpop (erf)  }
0x2cf: {  	v52 =	vmul.f32 v26, v56;
	v26 =	vand.u32 $0xF, v50;
	v23 =	vld.idx.msk [tilespmem:v59+s29+$0x0], $0xffff;
	v17 =	vmul.f32 v18, v17  }
0x2d0: {  	v34 =	vmul.f32 v34, v54;
	v31 =	vld.idx.msk [tilespmem:v59+s30+$0x0], $0xffff;
	v45 =	vadd.s32 v26, v24;
	v18 =	vmul.f32 v51, v51  }
0x2d1: {  	v36 =	vmul.f32 v48, v58;
	[tilespmem:v1+s0+$0x0] =	vst.idx.add.f32.msk $0xffff, v17;
	v17 =	vmul.f32 v41, v41;
	v1 =	vand.u32 $0xF, v47  }
0x2d2: {  	v40 =	vld.idx.msk [tilespmem:v19+s29+$0x0], $0xffff;
	v37 =	vmul.f32 v49, v54;
	v18 =	vmul.f32 v18, v51;
	v1 =	vadd.s32 v1, v32  }
0x2d3: {  	v3 =	vadd.f32 v46, v43;
	v24 =	vmul.f32 v36, v38;
	v47 =	vld.idx.msk [tilespmem:v19+s30+$0x0], $0xffff;
	v17 =	vmul.f32 v17, v41  }
0x2d4: {  	v29 =	vadd.f32 v29, v53;
	v48 =	vld.idx.msk [tilespmem:v22+s29+$0x0], $0xffff;
	v38 =	vmul.f32 v58, v38;
	v18 =	vmul.f32 v18, v28  }
0x2d5: {  	v31 =	vadd.f32 v34, v31;
	v53 =	vld.idx.msk [tilespmem:v45+s30+$0x0], $0xffff;
	v28 =	vmul.f32 v51, v28;
	v26 =	vmul.f32 v17, v27  }
0x2d6: {  	v17 =	vadd.f32 v37, v23;
	v23 =	vmul.f32 v52, v42;
	v27 =	vmul.f32 v41, v27;
	v52 =	vld.idx.msk [tilespmem:v45+s29+$0x0], $0xffff  }
0x2d7: {  	v51 =	vmul.f32 v56, v42;
	v30 =	vadd.f32 v18, v30;
	v28 =	vadd.f32 v28, v39;
	v49 =	vld.idx.msk [tilespmem:v1+s29+$0x0], $0xffff  }
0x2d8: {  	v50 =	vld.idx.msk [tilespmem:v1+s30+$0x0], $0xffff;
	v54 =	vadd.f32 v26, v40;
	v27 =	vadd.f32 v27, v47;
	v17 =	vmul.f32 v17, v31  }
0x2d9: {  	v55 =	vld.idx.msk [tilespmem:v59+s28+$0x0], $0xffff;
	v28 =	vmul.f32 v30, v28;
	v30 =	vadd.f32 v23, v48;
	v31 =	vadd.f32 v51, v2  }
0x2da: {  	v29 =	vmul.f32 v3, v29;
	v58 =	vadd.f32 v38, v53;
	v27 =	vmul.f32 v54, v27  }
0x2db: {  	v0 =	vld.idx.msk [tilespmem:v0+s28+$0x0], $0xffff;
	v17 =	vmax.f32 v17, $1.000000000e-30;
	v30 =	vmul.f32 v30, v31;
	v28 =	vmax.f32 v28, $1.000000000e-30  }
0x2dc: {  	v31 =	vmax.f32 v29, $1.000000000e-30;
	v29 =	vld.idx.msk [tilespmem:v22+s28+$0x0], $0xffff;
	v22 =	vmul.f32 v46, v21;
	v57 =	vadd.f32 v24, v52  }
0x2dd: {  	(erf) = vrcp.f32 v17;
	v56 =	vadd.f32 v25, v49;
	v33 =	vadd.f32 v33, v50  }
0x2de: {  	v59 =	vmax.f32 v27, $1.000000000e-30;
	v27 =	vmul.f32 v37, v55;
	(erf) = vrcp.f32 v28  }
0x2df: {  	v32 =	vld.idx.msk [tilespmem:v19+s28+$0x0], $0xffff;
	v17 =	vmul.f32 v57, v58;
	v33 =	vmul.f32 v56, v33  }
0x2e0: {  	v34 =	vmax.f32 v30, $1.000000000e-30;
	v28 =	vld.idx.msk [tilespmem:v1+s28+$0x0], $0xffff;
	v30 =	vmul.f32 v18, v0;
	(erf) = vrcp.f32 v31  }
0x2e1: {  	s7 =	simm.s32 $0x5AC0;
	s24 =	simm.s32 $0x80;
	v31 =	vld.idx.msk [tilespmem:v45+s28+$0x0], $0xffff;
	(erf) = vrcp.f32 v59;
	v19 =	vmax.f32 v17, $1.000000000e-30;
	v33 =	vmax.f32 v33, $1.000000000e-30  }
.LBB2_12:
0x2e2: {  	v0 =	vld [tilespmem:s7+$0x30]  }
0x2e3: {  	v5 =	vmov v13;
	v13 =	vld [tilespmem:s7+$0xFFFFFFD0]  }
0x2e4: {  	v55 =	vmul.f32 v14, v20;
	v14 =	vld [tilespmem:s7+$0xFFFFFFF0]  }
0x2e5: {  	v56 =	vmul.f32 v15, v6;
	v15 =	vld [tilespmem:s7+$0x0]  }
0x2e6: {  	v59 =	vld [tilespmem:s7+$0xFFFFFFC0];
	s23 =	sadd.s32 $0x80, s23  }
0x2e7: {  	(erf) = vrcp.f32 v34;
	v52 =	vld [tilespmem:s23+$0x30]  }
0x2e8: {  	s22 =	sadd.s32 $0x80, s22;
	v57 =	vmul.f32 v16, v63;
	v6 =	vmov v62;
	(erf) = vrcp.f32 v33;
	v62 =	vld [tilespmem:s23+$0xFFFFFFD0]  }
0x2e9: {  	v21 =	vmul.f32 v26, v32;
	v2 =	vmul.f32 v23, v29;
	v23 =	vld [tilespmem:s22+$0x30]  }
0x2ea: {  	v3 =	vmul.f32 v25, v28;
	v26 =	vld [tilespmem:s7+$0xFFFFFFE0];
	v4 =	vmul.f32 v24, v31;
	v16 =	vand.u32 $0x3FFF, v0  }
0x2eb: {  	v31 =	vld [tilespmem:s7+$0x10];
	v25 =	vpop (erf);
	v58 =	vand.u32 $0x3FFF, v13;
	v13 =	vshrl.u32 v13, $0xC;
	v38 =	vand.u32 $0x3FFF, v14  }
0x2ec: {  	v40 =	vand.u32 $0x3FFF, v15;
	v28 =	vmul.f32 v25, v27;
	v24 =	vpop (erf);
	v33 =	vand.u32 $0x7C, v13;
	v13 =	vld [tilespmem:s7+$0x20]  }
0x2ed: {  	v47 =	vand.u32 $0x3FFF, v59;
	v25 =	vld [tilespmem:s22+$0xFFFFFFC0];
	v52 =	vmul.f32 v52, v52;
	v29 =	vmul.f32 v24, v30;
	v24 =	vpop (erf)  }
0x2ee: {  	v30 =	vmul.f32 v24, v22;
	v22 =	vshrl.u32 v14, $0xC;
	v24 =	vld [tilespmem:s22+$0xFFFFFFD0];
	v27 =	vand.u32 $0x3FFF, v23  }
0x2ef: {  	v35 =	vand.u32 $0x3FFF, v26;
	v26 =	vshrl.u32 v26, $0xC;
	v39 =	vand.u32 $0x7C, v22;
	v41 =	vld.idx.msk [tilespmem:v16+s4+$0x0], $0xffff  }
0x2f0: {  	v36 =	vpop (erf);
	v22 =	vshrl.u32 v15, $0xC;
	v43 =	vand.u32 $0x3FFF, v31;
	v37 =	vand.u32 $0x7C, v26;
	v26 =	vld [tilespmem:s22+$0xFFFFFFE0]  }
0x2f1: {  	v42 =	vand.u32 $0x7C, v22;
	v22 =	vshrl.u32 v31, $0xC;
	v31 =	vmul.f32 v36, v21;
	v21 =	vld [tilespmem:s22+$0x10]  }
0x2f2: {  	v0 =	vshrl.u32 v0, $0xC;
	v47 =	vld.idx.msk [tilespmem:v47+s4+$0x0], $0xffff  }
0x2f3: {  	(erf) = vrcp.f32 v19;
	v18 =	vmovc v3;
	v0 =	vand.u32 $0x7C, v0;
	v3 =	vmul.f32 v52, v52;
	v32 =	vld.idx.msk [tilespmem:v58+s4+$0x0], $0xffff  }
0x2f4: {  	v38 =	vld.idx.msk [tilespmem:v38+s4+$0x0], $0xffff;
	v44 =	vand.u32 $0x7C, v22;
	v45 =	vand.u32 $0x3FFF, v13;
	v13 =	vshrl.u32 v13, $0xC  }
0x2f5: {  	v22 =	vshrl.u32 v59, $0xC;
	v49 =	vand.u32 $0x3FFF, v25;
	v50 =	vshrl.u32 v25, $0xC;
	v46 =	vld.idx.msk [tilespmem:v27+s4+$0x0], $0xffff  }
0x2f6: {  	v40 =	vld.idx.msk [tilespmem:v40+s4+$0x0], $0xffff;
	v34 =	vand.u32 $0x7C, v13;
	v48 =	vand.u32 $0x7C, v22;
	v13 =	vshrl.u32 v23, $0xC  }
0x2f7: {  	v1 =	vmovc v61;
	v22 =	vld [tilespmem:s22+$0x0];
	v50 =	vand.u32 $0x7C, v50;
	v36 =	vand.u32 $0x3FFF, v24;
	v61 =	vshrl.u32 v24, $0xC  }
0x2f8: {  	v51 =	vand.u32 $0x7C, v13;
	v13 =	vld [tilespmem:s22+$0x20];
	v0 =	vshrl.u32 v41, v0;
	v53 =	vand.u32 $0x3FFF, v26  }
0x2f9: {  	[tilespmem:$0x1FF70] =	vst v57;
	v27 =	vld [tilespmem:s22+$0xFFFFFFF0];
	v63 =	vshrl.u32 v26, $0xC;
	v57 =	vand.u32 $0x3FFF, v21;
	v0 =	vand.u32 $0xF, v0  }
0x2fa: {  	v35 =	vld.idx.msk [tilespmem:v35+s4+$0x0], $0xffff;
	v58 =	vshrl.u32 v21, $0xC;
	v0 =	vmul.u32 $0xA, v0;
	v46 =	vshrl.u32 v46, v51  }
0x2fb: {  	v43 =	vld.idx.msk [tilespmem:v43+s4+$0x0], $0xffff;
	v41 =	vand.u32 $0x7C, v61;
	v47 =	vshrl.u32 v47, v48;
	v46 =	vand.u32 $0xF, v46  }
0x2fc: {  	v32 =	vshrl.u32 v32, v33;
	v40 =	vshrl.u32 v40, v42;
	v42 =	vld [tilespmem:s23+$0xFFFFFFE0];
	v0 =	vadd.s32 v46, v0  }
0x2fd: {  	v38 =	vshrl.u32 v38, v39;
	v48 =	vand.u32 $0x7C, v58;
	v47 =	vand.u32 $0xF, v47;
	v49 =	vld.idx.msk [tilespmem:v49+s4+$0x0], $0xffff  }
0x2fe: {  	[tilespmem:$0x1FF60] =	vst v1;
	v32 =	vand.u32 $0xF, v32;
	v38 =	vand.u32 $0xF, v38;
	v40 =	vand.u32 $0xF, v40;
	v36 =	vld.idx.msk [tilespmem:v36+s4+$0x0], $0xffff  }
0x2ff: {  	[tilespmem:$0x1FF50] =	vst v56;
	v56 =	vand.u32 $0x3FFF, v22;
	v1 =	vshrl.u32 v22, $0xC;
	v35 =	vshrl.u32 v35, v37;
	v37 =	vld.idx.msk [tilespmem:v45+s4+$0x0], $0xffff  }
0x300: {  	v47 =	vmul.u32 $0xA, v47;
	v32 =	vmul.u32 $0xA, v32;
	v38 =	vmul.u32 $0xA, v38;
	v45 =	vld [tilespmem:s23+$0xFFFFFFC0]  }
0x301: {  	v20 =	vmovc v60;
	v40 =	vmul.u32 $0xA, v40;
	v46 =	vand.u32 $0x7C, v1;
	v1 =	vmul.f32 v3, v3;
	v60 =	vld.idx.msk [tilespmem:v0+s29+$0x0], $0xffff  }
0x302: {  	[tilespmem:$0x1FF40] =	vst v55;
	v19 =	vmovc v2;
	v59 =	vand.u32 $0x3FFF, v13;
	v2 =	vshrl.u32 v13, $0xC;
	v54 =	vand.u32 $0x3FFF, v27;
	v33 =	vld.idx.msk [tilespmem:v0+s30+$0x0], $0xffff  }
0x303: {  	v55 =	vshrl.u32 v27, $0xC;
	v58 =	vand.u32 $0x7C, v2;
	[tilespmem:v9+s0+$0x0] =	vst.idx.add.f32.msk $0xffff, v28;
	v2 =	vmul.f32 v1, v3  }
0x304: {  	v51 =	vand.u32 $0x7C, v63;
	v43 =	vshrl.u32 v43, v44;
	v55 =	vand.u32 $0x7C, v55;
	v53 =	vld.idx.msk [tilespmem:v53+s4+$0x0], $0xffff  }
0x305: {  	v49 =	vshrl.u32 v49, v50;
	v56 =	vld.idx.msk [tilespmem:v56+s4+$0x0], $0xffff;
	v3 =	vmul.f32 v3, v52;
	v39 =	vmul.f32 v2, v52  }
0x306: {  	v35 =	vand.u32 $0xF, v35;
	v42 =	vmul.f32 v42, v42;
	v49 =	vand.u32 $0xF, v49;
	v1 =	vld [tilespmem:s23+$0x0]  }
0x307: {  	v36 =	vshrl.u32 v36, v41;
	v41 =	vld.idx.msk [tilespmem:v59+s4+$0x0], $0xffff;
	v60 =	vadd.f32 v39, v60;
	v33 =	vadd.f32 v3, v33  }
0x308: {  	v35 =	vmul.u32 $0xA, v35;
	v63 =	vmul.f32 v42, v42;
	v47 =	vadd.s32 v49, v47;
	v54 =	vld.idx.msk [tilespmem:v54+s4+$0x0], $0xffff  }
0x309: {  	v44 =	vmul.f32 v45, v45;
	v34 =	vshrl.u32 v37, v34;
	v52 =	vld [tilespmem:s23+$0xFFFFFFF0];
	v33 =	vmul.f32 v60, v33  }
0x30a: {  	v14 =	vpop (erf);
	v37 =	vmul.f32 v62, v62;
	v36 =	vand.u32 $0xF, v36;
	v2 =	vld [tilespmem:s23+$0x10];
	v59 =	vshrl.u32 v53, v51  }
0x30b: {  	v15 =	vpop (erf);
	v28 =	vadd.s32 v36, v32;
	v0 =	vld.idx.msk [tilespmem:v0+s28+$0x0], $0xffff;
	v9 =	vand.u32 $0xF, v59;
	v33 =	vmax.f32 v33, $1.000000000e-30  }
0x30c: {  	v16 =	vpop (erf);
	[tilespmem:v11+s0+$0x0] =	vst.idx.add.f32.msk $0xffff, v29;
	v29 =	vadd.s32 v9, v35;
	v49 =	vshrl.u32 v56, v46;
	(erf) = vrcp.f32 v33  }
0x30d: {  	[tilespmem:v12+s0+$0x0] =	vst.idx.add.f32.msk $0xffff, v30;
	v61 =	vmul.f32 v1, v1;
	v51 =	vand.u32 $0xF, v49;
	v36 =	vshrl.u32 v54, v55  }
0x30e: {  	[tilespmem:v10+s0+$0x0] =	vst.idx.add.f32.msk $0xffff, v31;
	v35 =	vadd.s32 v51, v40;
	v52 =	vmul.f32 v52, v52;
	v9 =	vand.u32 $0xF, v36  }
0x30f: {  	v50 =	vld.idx.msk [tilespmem:v57+s4+$0x0], $0xffff;
	v45 =	vmul.f32 v2, v2;
	v2 =	vmul.f32 v61, v61;
	v32 =	vadd.s32 v9, v38  }
0x310: {  	v31 =	vld.idx.msk [tilespmem:v47+s29+$0x0], $0xffff;
	v0 =	vmul.f32 v39, v0;
	v1 =	vmul.f32 v52, v52  }
0x311: {  	v43 =	vand.u32 $0xF, v43;
	v54 =	vld.idx.msk [tilespmem:v28+s29+$0x0], $0xffff;
	v57 =	vmul.f32 v45, v45;
	v53 =	vmul.f32 v2, v2  }
0x312: {  	v17 =	vmovc v7;
	v43 =	vmul.u32 $0xA, v43;
	v3 =	vld [tilespmem:s23+$0x20];
	v60 =	vmul.f32 v44, v44;
	v9 =	vmovc v25;
	v25 =	vmul.f32 v63, v63  }
0x313: {  	v7 =	vmovc v4;
	v34 =	vand.u32 $0xF, v34;
	v55 =	vmul.f32 v57, v57;
	v38 =	vmul.f32 v53, v2;
	v51 =	vld.idx.msk [tilespmem:v35+s29+$0x0], $0xffff  }
0x314: {  	v12 =	vshrl.u32 v50, v48;
	v53 =	vmul.f32 v63, v42;
	v4 =	vmul.f32 v60, v60;
	v46 =	vld.idx.msk [tilespmem:v32+s29+$0x0], $0xffff  }
0x315: {  	v10 =	vand.u32 $0xF, v12;
	v25 =	vmul.f32 v25, v63;
	v59 =	vmul.f32 v60, v44;
	v50 =	vld.idx.msk [tilespmem:v32+s30+$0x0], $0xffff;
	v11 =	vpop (erf)  }
0x316: {  	v36 =	vadd.s32 v10, v43;
	v33 =	vmul.f32 v37, v37;
	v32 =	vld.idx.msk [tilespmem:v32+s28+$0x0], $0xffff;
	v0 =	vmul.f32 v11, v0  }
0x317: {  	v62 =	vmul.f32 v3, v3;
	v40 =	vmul.f32 v55, v57;
	v11 =	vshrl.u32 v41, v58;
	v58 =	vld.idx.msk [tilespmem:v28+s30+$0x0], $0xffff  }
0x318: {  	v55 =	vmul.f32 v57, v45;
	v30 =	vmul.f32 v33, v33;
	v10 =	vand.u32 $0xF, v11;
	[tilespmem:v23+s0+$0x0] =	vst.idx.add.f32.msk $0xffff, v0  }
0x319: {  	v34 =	vmul.u32 $0xA, v34;
	v4 =	vmul.f32 v4, v60;
	v3 =	vmul.f32 v62, v62;
	v0 =	vld.idx.msk [tilespmem:v47+s30+$0x0], $0xffff  }
0x31a: {  	v23 =	vmul.f32 v1, v1;
	v11 =	vmov v24;
	v24 =	vmul.f32 v30, v33;
	v30 =	vld.idx.msk [tilespmem:v29+s30+$0x0], $0xffff  }
0x31b: {  	v39 =	vadd.s32 v10, v34;
	v33 =	vmul.f32 v33, v37;
	v10 =	vmov v27;
	v27 =	vld.idx.msk [tilespmem:v29+s29+$0x0], $0xffff  }
0x31c: {  	v23 =	vmul.f32 v23, v1;
	v48 =	vmul.f32 v24, v37;
	v37 =	vld.idx.msk [tilespmem:v36+s29+$0x0], $0xffff  }
0x31d: {  	v4 =	vmul.f32 v4, v44;
	v56 =	vmul.f32 v3, v3;
	v33 =	vadd.f32 v33, v58;
	v58 =	vld.idx.msk [tilespmem:v47+s28+$0x0], $0xffff  }
0x31e: {  	v12 =	vmov v26;
	v26 =	vmul.f32 v23, v52;
	v23 =	vmul.f32 v38, v61;
	v38 =	vld.idx.msk [tilespmem:v35+s30+$0x0], $0xffff  }
0x31f: {  	v49 =	vmul.f32 v25, v42;
	v31 =	vadd.f32 v4, v31;
	v34 =	vadd.f32 v48, v54;
	v54 =	vld.idx.msk [tilespmem:v36+s30+$0x0], $0xffff  }
0x320: {  	v41 =	vmul.f32 v56, v3;
	v1 =	vmul.f32 v1, v52;
	v0 =	vadd.f32 v59, v0;
	v56 =	vld.idx.msk [tilespmem:v39+s29+$0x0], $0xffff  }
0x321: {  	v25 =	vmul.f32 v40, v45;
	v57 =	vld.idx.msk [tilespmem:v39+s30+$0x0], $0xffff;
	v30 =	vadd.f32 v53, v30;
	v27 =	vadd.f32 v49, v27  }
0x322: {  	v1 =	vadd.f32 v1, v50;
	v59 =	vld.idx.msk [tilespmem:v28+s28+$0x0], $0xffff;
	v0 =	vmul.f32 v31, v0;
	v31 =	vadd.f32 v26, v46  }
0x323: {  	v24 =	vmul.f32 v41, v62;
	v50 =	vadd.f32 v23, v51;
	v51 =	vld.idx.msk [tilespmem:v29+s28+$0x0], $0xffff;
	v27 =	vmul.f32 v27, v30  }
0x324: {  	v29 =	vld.idx.msk [tilespmem:v35+s28+$0x0], $0xffff;
	v1 =	vmul.f32 v31, v1;
	v30 =	vadd.f32 v25, v37;
	v31 =	vadd.f32 v55, v54  }
0x325: {  	v3 =	vmul.f32 v3, v62;
	v53 =	vmax.f32 v27, $1.000000000e-30;
	v27 =	vmul.f32 v4, v58;
	v58 =	vld [tilespmem:$0x1FF60]  }
0x326: {  	v2 =	vmul.f32 v2, v61;
	v54 =	vadd.f32 v24, v56;
	v56 =	vld [tilespmem:$0x1FF40];
	v30 =	vmul.f32 v30, v31  }
0x327: {  	s24 =	sadd.s32 $0x80, s24;
	v28 =	vmul.f32 v34, v33;
	v3 =	vadd.f32 v3, v57;
	v57 =	vld [tilespmem:$0x1FF50]  }
0x328: {  	p0 =	slt.u32 s24, $0x380;
	v2 =	vadd.f32 v2, v38;
	v33 =	vmax.f32 v30, $1.000000000e-30;
	v30 =	vmul.f32 v48, v59;
	v59 =	vld [tilespmem:$0x1FF70]  }
.Ltmp9:
0x329: {  	v0 =	vmax.f32 v0, $1.000000000e-30;
	v52 =	vmax.f32 v28, $1.000000000e-30;
	v28 =	vld.idx.msk [tilespmem:v36+s28+$0x0], $0xffff;
	(pc) =	sbr.rel @p0 .LBB2_12-.Ltmp9, $4  }
0x32a: {  	v63 =	vmovc v7;
	v7 =	vmovc v22;
	v60 =	vmov v17;
	(erf) = vrcp.f32 v0;
	v2 =	vmul.f32 v50, v2;
	v31 =	vld.idx.msk [tilespmem:v39+s28+$0x0], $0xffff  }
0x32b: {  	v62 =	vmovc v8;
	v8 =	vmov v21;
	(erf) = vrcp.f32 v52;
	v55 =	vmul.f32 v54, v3;
	[tilespmem:v20+s0+$0x0] =	vst.idx.add.f32.msk $0xffff, v56  }
0x32c: {  	v61 =	vmovc v5;
	v1 =	vmax.f32 v1, $1.000000000e-30;
	v22 =	vmul.f32 v49, v51;
	(erf) = vrcp.f32 v53;
	[tilespmem:v6+s0+$0x0] =	vst.idx.add.f32.msk $0xffff, v57  }
0x32d: {  	s7 =	sadd.s32 $0x80, s7;
	v34 =	vmax.f32 v2, $1.000000000e-30;
	(erf) = vrcp.f32 v1;
	v20 =	vmovc v19;
	v6 =	vmovc v18;
	v19 =	vmax.f32 v55, $1.000000000e-30;
	[tilespmem:v58+s0+$0x0] =	vst.idx.add.f32.msk $0xffff, v59  }
0x32e: {  	(erf) = vrcp.f32 v34  }
0x32f: {  	(erf) = vrcp.f32 v33  }
0x330: {  	(erf) = vrcp.f32 v19  }
0x331: {  	v54 =	vmul.f32 v14, v20  }
0x332: {  	v56 =	vmul.f32 v15, v6  }
0x333: {  	v58 =	vmul.f32 v16, v63;
	[tilespmem:v60+s0+$0x0] =	vst.idx.add.f32.msk $0xffff, v54;
	v0 =	vpop (erf)  }
0x334: {  	[tilespmem:v62+s0+$0x0] =	vst.idx.add.f32.msk $0xffff, v56;
	v0 =	vmul.f32 v0, v27;
	v1 =	vpop (erf)  }
0x335: {  	v2 =	vmul.f32 v26, v32;
	[tilespmem:v61+s0+$0x0] =	vst.idx.add.f32.msk $0xffff, v58;
	v1 =	vmul.f32 v1, v30;
	v3 =	vpop (erf)  }
0x336: {  	v55 =	vmul.f32 v23, v29;
	v3 =	vmul.f32 v3, v22;
	v4 =	vpop (erf);
	[tilespmem:v9+s0+$0x0] =	vst.idx.add.f32.msk $0xffff, v0  }
0x337: {  	v57 =	vmul.f32 v25, v28;
	v53 =	vmul.f32 v4, v2;
	[tilespmem:v11+s0+$0x0] =	vst.idx.add.f32.msk $0xffff, v1;
	v5 =	vpop (erf)  }
.Ltmp10:
0x338: {  	v59 =	vmul.f32 v24, v31;
	[tilespmem:v12+s0+$0x0] =	vst.idx.add.f32.msk $0xffff, v3;
	v60 =	vpop (erf);
	v2 =	vmul.f32 v5, v55;
	(pc) =	sbr.rel .LBB2_14-.Ltmp10, $4  }
0x339: {  	[tilespmem:v10+s0+$0x0] =	vst.idx.add.f32.msk $0xffff, v53;
	v63 =	vpop (erf);
	v0 =	vmul.f32 v60, v57  }
0x33a: {  	v1 =	vmul.f32 v63, v59;
	[tilespmem:v7+s0+$0x0] =	vst.idx.add.f32.msk $0xffff, v2  }
0x33b: {  	[tilespmem:v8+s0+$0x0] =	vst.idx.add.f32.msk $0xffff, v0  }
0x33c: {  	[tilespmem:v13+s0+$0x0] =	vst.idx.add.f32.msk $0xffff, v1  }
.LBB2_16:
0x33d: {  	_ =	sfence.sel $0x180000  }
0x33e: {  	[bflag:$0x0] =	sbarrier.arrive $0xFFFF  }
0x33f: {  	_ =	strace $0x90000047  }
0x340: {  	s0 =	stileid.u32;
	[bflag:$0x2] =	sbarrier.arrive $0xFFFF  }
0x341: {  	p0 =	sne.s32 s0, $0x0;
	s0 =	rddreg [dreg:$0x3]  }
0x342: {  	s0 =	sadd.s32 @!p0 $0x100000, s0  }
0x343: {  	[sflag:s0] =	ssyncadd.tile.s32 @!p0 $0x1;
	_ =	shalt  }
.Lfunc_end2:
_tile_overlayer_lowered:
.L_overlay_start_2:
0x344: {  	(tag) =	ssettag $0x2  }
0x345: {  	s0 =	rddreg [dreg:$0x0];
	s2 =	stileid.u32  }
0x346: {  	s1 =	rddreg [dreg:$0x1];
	p0 =	sne.s32 s2, $0x0  }
0x347: {  	s3 =	rddreg [dreg:$0x2];
	[bflag:$0x3] =	sbarrier.arrive $0xFFFF;
	s2 =	simm.s32 @!p0 $0x1C04  }
0x348: {  	[timem:s3], [sflag:s2] =	dma.local @!p0 [hbm:s0], s1  }
0x349: {  	s0 =	simm.s32 @!p0 $0x4  }
0x34a: {  	_ =	swait.ge @!p0 [sflag:s0], s1  }
0x34b: {  	s1 =	ssub.s32 @!p0 $0x0, s1;
	[sflag:s0] =	ssyncset.done @!p0 $0x0  }
0x34c: {  	[sflag:s0] =	ssyncadd.s32 @!p0 s1  }
0x34d: {  	[bflag:$0x3] =	sbarrier.arrive $0xFFFF  }
0x34e: {  	_ =	shalt  }

</sc_bundles>
